<compile_context>
chip_gen: v7x
topology: tpu7x:2x2x1
jax: 0.10.2.dev20260603
libtpu: 0.0.44.dev20260713+nightly
codegen_flags: <defaults>
</compile_context>

<pallas_src>
import dataclasses
import functools

import jax
import jax.numpy as jnp
from jax import lax
from jax.experimental import pallas as pl
from jax.experimental.pallas import tpu as pltpu
from jax.experimental.pallas import tpu_sc as plsc

_N = 10000
_E = 320000
_IWIN = 12
_OWIN = 12
_HWIN = 4
_IDIM = 128
_HDIM = 16

_BN = 1000
_NB = _N // _BN

_C = 128
_NCHUNK = _E // _C
_NW = 32
_OWN = _NCHUNK // _NW
_BATCH = 6
_NBATCH = _OWN // _BATCH
_REM = _NCHUNK - _OWN * _NW
_SEG = 80
_NSEG = _N // _SEG


def _front_body(feat_ref, wf_ref, bf_ref, wt_ref, bt_ref, out_ref):
    acc = [None] * _HWIN
    for t in range(_IWIN):
        xt = feat_ref[:, t, :]
        x1 = jnp.dot(xt, wf_ref[...], preferred_element_type=jnp.float32)
        x1 = jnp.maximum(x1 + bf_ref[...], 0.0)
        for k in range(_HWIN):
            term = x1 * wt_ref[t, k]
            acc[k] = term if t == 0 else acc[k] + term
    for k in range(_HWIN):
        sl = slice(k * _HDIM, (k + 1) * _HDIM)
        out_ref[:, sl] = jnp.maximum(acc[k] + bt_ref[0, k], 0.0)


def _front(feat, wf, bf, wt, bt):
    return pl.pallas_call(
        _front_body,
        grid=(_NB,),
        in_specs=[
            pl.BlockSpec((_BN, _IWIN, _IDIM), lambda i: (i, 0, 0)),
            pl.BlockSpec((_IDIM, _HDIM), lambda i: (0, 0)),
            pl.BlockSpec((1, _HDIM), lambda i: (0, 0)),
            pl.BlockSpec(memory_space=pltpu.SMEM),
            pl.BlockSpec(memory_space=pltpu.SMEM),
        ],
        out_specs=pl.BlockSpec((_BN, _HWIN * _HDIM), lambda i: (i, 0)),
        out_shape=jax.ShapeDtypeStruct((_N, _HWIN * _HDIM), jnp.float32),
    )(feat, wf, bf, wt, bt)


_MESH = plsc.VectorSubcoreMesh(core_axis_name="c", subcore_axis_name="s")

_SC_PARAMS = pltpu.CompilerParams()
for _f, _v in (("needs_layout_passes", False), ("use_tc_tiling_on_sc", False)):
    if _f in pltpu.CompilerParams.__dataclass_fields__:
        _SC_PARAMS = dataclasses.replace(_SC_PARAMS, **{_f: _v})


@functools.partial(
    pl.kernel,
    mesh=_MESH,
    compiler_params=_SC_PARAMS,
    out_type=[
        jax.ShapeDtypeStruct((2, _N, _HWIN * _HDIM), jnp.float32),
        jax.ShapeDtypeStruct((2, _N, 16), jnp.float32),
    ],
    scratch_types=[
        pltpu.VMEM_SHARED((_N, _HWIN * _HDIM), jnp.float32),
        pltpu.VMEM_SHARED((_N, 16), jnp.float32),
        pltpu.VMEM((_C, _HWIN * _HDIM), jnp.float32),
        pltpu.VMEM((_C, _HWIN * _HDIM), jnp.float32),
        pltpu.VMEM((_C, 16), jnp.float32),
        pltpu.VMEM((_BATCH * _C,), jnp.int32),
        pltpu.VMEM((_BATCH * _C,), jnp.int32),
        pltpu.VMEM((_BATCH * _C,), jnp.float32),
        pltpu.SemaphoreType.DMA,
        pltpu.SemaphoreType.DMA,
    ],
)
def _sc_graph(x2_hbm, src_hbm, dst_hbm, w_hbm, h_out, d_out,
              h_acc, d_acc, rows0, rows1, ones, sidx, didx, wsm, sem0, sem1):
    c = lax.axis_index("c")
    s = lax.axis_index("s")
    wid = s * 2 + c

    @pl.loop(0, _C)
    def _(r):
        for k in range(_HWIN):
            rows0[r, pl.ds(k * 16, 16)] = jnp.zeros((16,), jnp.float32)
        ones[r, pl.ds(0, 16)] = jnp.zeros((16,), jnp.float32)

    @pl.loop(0, 8)
    def _(j):
        seg = s + 16 * j

        @pl.when(seg < _NSEG)
        def _():
            pltpu.sync_copy(rows0.at[pl.ds(0, _SEG)],
                            h_acc.at[pl.ds(seg * _SEG, _SEG)])
            pltpu.sync_copy(ones.at[pl.ds(0, _SEG)],
                            d_acc.at[pl.ds(seg * _SEG, _SEG)])

    @pl.loop(0, _C)
    def _(r):
        ones[r, pl.ds(0, 16)] = jnp.ones((16,), jnp.float32)

    plsc.subcore_barrier()

    sems = (sem0, sem1)
    bufs = (rows0, rows1)

    def _scale_and_scatter(buf, base_e):
        @pl.loop(0, _C)
        def _(e):
            idx = jnp.full((16,), base_e, jnp.int32) + e
            ws = plsc.load_gather(wsm, [idx])
            for k in range(_HWIN):
                buf[e, pl.ds(k * 16, 16)] = buf[e, pl.ds(k * 16, 16)] * ws

        dv = didx.at[pl.ds(base_e, _C)]
        pltpu.sync_copy(buf, h_acc.at[dv], add=True)
        pltpu.sync_copy(ones, d_acc.at[dv], add=True)

    @pl.loop(0, _NBATCH)
    def _(b):
        eoff = (wid * _OWN + b * _BATCH) * _C
        pltpu.sync_copy(src_hbm.at[pl.ds(eoff, _BATCH * _C)], sidx)
        pltpu.sync_copy(dst_hbm.at[pl.ds(eoff, _BATCH * _C)], didx)
        pltpu.sync_copy(w_hbm.at[pl.ds(eoff, _BATCH * _C)], wsm)

        cps = [None, None]
        cps[0] = pltpu.async_copy(
            x2_hbm.at[sidx.at[pl.ds(0, _C)]], rows0, sem0)
        for i in range(_BATCH):
            if i + 1 < _BATCH:
                cps[(i + 1) % 2] = pltpu.async_copy(
                    x2_hbm.at[sidx.at[pl.ds((i + 1) * _C, _C)]],
                    bufs[(i + 1) % 2], sems[(i + 1) % 2])
            cps[i % 2].wait()
            _scale_and_scatter(bufs[i % 2], i * _C)

    @pl.when(wid < _REM)
    def _():
        eoff = (_OWN * _NW + wid) * _C
        pltpu.sync_copy(src_hbm.at[pl.ds(eoff, _C)], sidx.at[pl.ds(0, _C)])
        pltpu.sync_copy(dst_hbm.at[pl.ds(eoff, _C)], didx.at[pl.ds(0, _C)])
        pltpu.sync_copy(w_hbm.at[pl.ds(eoff, _C)], wsm.at[pl.ds(0, _C)])
        pltpu.async_copy(x2_hbm.at[sidx.at[pl.ds(0, _C)]], rows0, sem0).wait()
        _scale_and_scatter(rows0, 0)

    plsc.subcore_barrier()

    @pl.loop(0, 8)
    def _(j):
        seg = s + 16 * j

        @pl.when(seg < _NSEG)
        def _():
            off = seg * _SEG
            pltpu.sync_copy(h_acc.at[pl.ds(off, _SEG)],
                            h_out.at[c, pl.ds(off, _SEG)])
            pltpu.sync_copy(d_acc.at[pl.ds(off, _SEG)],
                            d_out.at[c, pl.ds(off, _SEG)])


def _back_body(hp_ref, dp_ref, wto_ref, bto_ref, wfo_ref, bfo_ref, out_ref):
    d = dp_ref[0] + dp_ref[1]
    r = 1.0 / jnp.maximum(d, 1.0)
    x3 = []
    for k in range(_HWIN):
        sl = slice(k * _HDIM, (k + 1) * _HDIM)
        x3.append(jnp.maximum((hp_ref[0, :, sl] + hp_ref[1, :, sl]) * r, 0.0))
    cols = []
    for t in range(_OWIN):
        y = x3[0] * wto_ref[0, t]
        for k in range(1, _HWIN):
            y = y + x3[k] * wto_ref[k, t]
        y = jnp.maximum(y + bto_ref[0, t], 0.0)
        cols.append(jnp.sum(y * wfo_ref[...], axis=1, keepdims=True)
                    + bfo_ref[0, 0])
    out_ref[...] = jnp.concatenate(cols, axis=1)


def _back(hp, dp, wto, bto, wfo, bfo):
    return pl.pallas_call(
        _back_body,
        grid=(_NB,),
        in_specs=[
            pl.BlockSpec((2, _BN, _HWIN * _HDIM), lambda i: (0, i, 0)),
            pl.BlockSpec((2, _BN, 16), lambda i: (0, i, 0)),
            pl.BlockSpec(memory_space=pltpu.SMEM),
            pl.BlockSpec(memory_space=pltpu.SMEM),
            pl.BlockSpec((1, _HDIM), lambda i: (0, 0)),
            pl.BlockSpec(memory_space=pltpu.SMEM),
        ],
        out_specs=pl.BlockSpec((_BN, _OWIN), lambda i: (i, 0)),
        out_shape=jax.ShapeDtypeStruct((_N, _OWIN), jnp.float32),
    )(hp, dp, wto, bto, wfo, bfo)


def kernel(feat, edge_index, w, W_f_in, b_f_in, W_t_in, b_t_in,
           W_t_out, b_t_out, W_f_out, b_f_out):
    featsq = feat.reshape(_N, _IWIN, _IDIM)
    x2 = _front(featsq, W_f_in, b_f_in.reshape(1, _HDIM),
                W_t_in, b_t_in.reshape(1, _HWIN))
    src = edge_index[0]
    dst = edge_index[1]
    h2, d2 = _sc_graph(x2, src, dst, w)
    out = _back(h2, d2, W_t_out, b_t_out.reshape(1, _OWIN),
                W_f_out.reshape(1, _HDIM), b_f_out.reshape(1, 1))
    return out.reshape(1, _N, _OWIN, 1)

# --- scband reference (transcript-rebuilt; emitter-appended) ---
"""Pipeline reference for scband-model-6158983102572 (READ-ONLY COPY).

The authoritative reference and input builder live on the scoring server;
editing this copy changes nothing except your own understanding.
"""

import jax, jax.numpy as jnp
import numpy as np

N = 10000
E = 320000
B = 1
IWIN = 12
OWIN = 12
HWIN = 4
IDIM = 128
HDIM = 16
ODIM = 1


def setup_inputs(seed: int = 0) -> dict:
    key = jax.random.key(seed)
    ks = jax.random.split(key, 12)
    feat = jax.random.normal(ks[0], (B, N, IWIN, IDIM), dtype=jnp.float32)
    edge_index = jax.random.randint(ks[1], (2, E), 0, N, dtype=jnp.int32)
    w = jax.random.uniform(ks[2], (E,), dtype=jnp.float32)
    # learned parameters (nn.Linear weights stored as [in, out] so y = x @ W + b)
    W_f_in = jax.random.normal(ks[3], (IDIM, HDIM), dtype=jnp.float32) / np.sqrt(IDIM)
    b_f_in = jnp.zeros((HDIM,), dtype=jnp.float32)
    W_t_in = jax.random.normal(ks[4], (IWIN, HWIN), dtype=jnp.float32) / np.sqrt(IWIN)
    b_t_in = jnp.zeros((HWIN,), dtype=jnp.float32)
    W_t_out = jax.random.normal(ks[5], (HWIN, OWIN), dtype=jnp.float32) / np.sqrt(HWIN)
    b_t_out = jnp.zeros((OWIN,), dtype=jnp.float32)
    W_f_out = jax.random.normal(ks[6], (HDIM, ODIM), dtype=jnp.float32) / np.sqrt(HDIM)
    b_f_out = jnp.zeros((ODIM,), dtype=jnp.float32)
    return {
        "feat": feat, "edge_index": edge_index, "w": w,
        "W_f_in": W_f_in, "b_f_in": b_f_in,
        "W_t_in": W_t_in, "b_t_in": b_t_in,
        "W_t_out": W_t_out, "b_t_out": b_t_out,
        "W_f_out": W_f_out, "b_f_out": b_f_out,
    }


def _time_linear(x, Wt, bt):
    # x: [B, N, T, F] -> linear over T -> [B, N, T_out, F]
    Bq, Nq, T, Fq = x.shape
    x = jnp.transpose(x, (0, 1, 3, 2)).reshape(Bq * Nq * Fq, T)
    x = x @ Wt + bt
    x = x.reshape(Bq, Nq, Fq, -1)
    return jnp.transpose(x, (0, 1, 3, 2))


def _feature_linear(x, Wf, bf):
    # x: [B, N, T, F_in] -> [B, N, T, F_out]
    return x @ Wf + bf


def _graph_conv(x, edge_index, w):
    # x: [B, N, T, H]; DGL u_mul_e then mean reduce over incoming edges
    xp = jnp.transpose(x, (1, 0, 2, 3))  # [N, B, T, H]
    src = edge_index[0]
    dst = edge_index[1]
    m = jnp.take(xp, src, axis=0) * w[:, None, None, None]  # [E, B, T, H]
    h = jax.ops.segment_sum(m, dst, num_segments=N)
    deg = jax.ops.segment_sum(jnp.ones((E,), dtype=jnp.float32), dst, num_segments=N)
    h = h / jnp.maximum(deg, 1.0)[:, None, None, None]
    return jnp.transpose(h, (1, 0, 2, 3))  # [B, N, T, H]


def reference(feat, edge_index, w, W_f_in, b_f_in, W_t_in, b_t_in, W_t_out, b_t_out, W_f_out, b_f_out):
    x = _feature_linear(feat, W_f_in, b_f_in)
    x = jax.nn.relu(x)
    x = _time_linear(x, W_t_in, b_t_in)
    x = jax.nn.relu(x)
    x = _graph_conv(x, edge_index, w)
    x = jax.nn.relu(x)
    x = _time_linear(x, W_t_out, b_t_out)
    x = jax.nn.relu(x)
    x = _feature_linear(x, W_f_out, b_f_out)
    return x

if __name__ == "__main__":
    import jax
    _d = setup_inputs()
    print(jax.jit(kernel)(*tuple(_d.values())))

</pallas_src>

<mosaic_0001>
#map = affine_map<(d0, d1) -> (0, 0)>
#map1 = affine_map<(d0, d1) -> (0)>
#map2 = affine_map<(d0, d1) -> (0, 0, 0)>
module attributes {stable_mosaic.version = 14 : i64} {
  func.func @_sc_graph(%arg0: i32, %arg1: i32, %arg2: memref<10000x64xf32, #tpu.memory_space<hbm>>, %arg3: memref<320000xi32, #tpu.memory_space<hbm>>, %arg4: memref<320000xi32, #tpu.memory_space<hbm>>, %arg5: memref<320000xf32, #tpu.memory_space<hbm>>, %arg6: memref<2x10000x64xf32, #tpu.memory_space<hbm>>, %arg7: memref<2x10000x16xf32, #tpu.memory_space<hbm>>, %arg8: memref<10000x64xf32, #tpu.memory_space<vmem_shared>>, %arg9: memref<10000x16xf32, #tpu.memory_space<vmem_shared>>, %arg10: memref<128x64xf32, #tpu.memory_space<vmem>>, %arg11: memref<128x64xf32, #tpu.memory_space<vmem>>, %arg12: memref<128x16xf32, #tpu.memory_space<vmem>>, %arg13: memref<768xi32, #tpu.memory_space<vmem>>, %arg14: memref<768xi32, #tpu.memory_space<vmem>>, %arg15: memref<768xf32, #tpu.memory_space<vmem>>, %arg16: memref<!tpu.dma_semaphore, #tpu.memory_space<semaphore_mem>>, %arg17: memref<!tpu.dma_semaphore, #tpu.memory_space<semaphore_mem>>) attributes {dimension_semantics = [#tpu.dimension_semantics<core_parallel>, #tpu.dimension_semantics<subcore_parallel>], iteration_bounds = array<i64: 2, 16>, scalar_prefetch = 0 : i64, scratch_operands = 10 : i64, tpu.core_type = #tpu.core_type<sc_vector_subcore>, window_params = [{transform_indices = #map}, {transform_indices = #map1}, {transform_indices = #map1}, {transform_indices = #map1}, {transform_indices = #map2}, {transform_indices = #map2}]} {
    %mul3A = arith.constant 2 : i32
    %mul3A_0 = arith.muli %arg1, %mul3A : i32
    %add3A = arith.addi %mul3A_0, %arg0 : i32
    %scan3A = arith.constant 0 : i32
    %scan3A_1 = arith.constant 128 : i32
    %scan3A_2 = arith.addi %scan3A, %scan3A_1 : i32
    %scan3A_3 = arith.constant 1 : i32
    scf.for %scan3A_28 = %scan3A to %scan3A_2 step %scan3A_3  : i32 {
      %mul3A_29 = arith.constant 1 : i32
      %mul3A_30 = arith.muli %scan3A_28, %mul3A_29 : i32
      %add3A_31 = arith.constant 0 : i32
      %add3A_32 = arith.addi %add3A_31, %mul3A_30 : i32
      %broadcast_in_dim3A = arith.constant 0.000000e+00 : f32
      %broadcast_in_dim3A_33 = vector.broadcast %broadcast_in_dim3A : f32 to vector<16xf32>
      %swap3A = arith.index_cast %add3A_32 : i32 to index
      %swap3A_34 = arith.constant 0 : index
      %swap3A_35 = tpu.vector_load %arg10[%swap3A, %swap3A_34] {strides = array<i32>} : memref<128x64xf32, #tpu.memory_space<vmem>>, vector<16xf32>,
      tpu.vector_store %arg10[%swap3A, %swap3A_34], %broadcast_in_dim3A_33 {strides = array<i32>} : memref<128x64xf32, #tpu.memory_space<vmem>>, vector<16xf32>,
      %broadcast_in_dim3A_36 = arith.constant 0.000000e+00 : f32
      %broadcast_in_dim3A_37 = vector.broadcast %broadcast_in_dim3A_36 : f32 to vector<16xf32>
      %swap3A_38 = arith.index_cast %add3A_32 : i32 to index
      %swap3A_39 = arith.constant 16 : index
      %swap3A_40 = tpu.vector_load %arg10[%swap3A_38, %swap3A_39] {strides = array<i32>} : memref<128x64xf32, #tpu.memory_space<vmem>>, vector<16xf32>,
      tpu.vector_store %arg10[%swap3A_38, %swap3A_39], %broadcast_in_dim3A_37 {strides = array<i32>} : memref<128x64xf32, #tpu.memory_space<vmem>>, vector<16xf32>,
      %broadcast_in_dim3A_41 = arith.constant 0.000000e+00 : f32
      %broadcast_in_dim3A_42 = vector.broadcast %broadcast_in_dim3A_41 : f32 to vector<16xf32>
      %swap3A_43 = arith.index_cast %add3A_32 : i32 to index
      %swap3A_44 = arith.constant 32 : index
      %swap3A_45 = tpu.vector_load %arg10[%swap3A_43, %swap3A_44] {strides = array<i32>} : memref<128x64xf32, #tpu.memory_space<vmem>>, vector<16xf32>,
      tpu.vector_store %arg10[%swap3A_43, %swap3A_44], %broadcast_in_dim3A_42 {strides = array<i32>} : memref<128x64xf32, #tpu.memory_space<vmem>>, vector<16xf32>,
      %broadcast_in_dim3A_46 = arith.constant 0.000000e+00 : f32
      %broadcast_in_dim3A_47 = vector.broadcast %broadcast_in_dim3A_46 : f32 to vector<16xf32>
      %swap3A_48 = arith.index_cast %add3A_32 : i32 to index
      %swap3A_49 = arith.constant 48 : index
      %swap3A_50 = tpu.vector_load %arg10[%swap3A_48, %swap3A_49] {strides = array<i32>} : memref<128x64xf32, #tpu.memory_space<vmem>>, vector<16xf32>,
      tpu.vector_store %arg10[%swap3A_48, %swap3A_49], %broadcast_in_dim3A_47 {strides = array<i32>} : memref<128x64xf32, #tpu.memory_space<vmem>>, vector<16xf32>,
      %broadcast_in_dim3A_51 = arith.constant 0.000000e+00 : f32
      %broadcast_in_dim3A_52 = vector.broadcast %broadcast_in_dim3A_51 : f32 to vector<16xf32>
      %swap3A_53 = arith.index_cast %add3A_32 : i32 to index
      %swap3A_54 = arith.constant 0 : index
      %swap3A_55 = tpu.vector_load %arg12[%swap3A_53, %swap3A_54] {strides = array<i32>} : memref<128x16xf32, #tpu.memory_space<vmem>>, vector<16xf32>,
      tpu.vector_store %arg12[%swap3A_53, %swap3A_54], %broadcast_in_dim3A_52 {strides = array<i32>} : memref<128x16xf32, #tpu.memory_space<vmem>>, vector<16xf32>,
    }
    %scan3A_4 = arith.constant 128 : i32
    %scan3A_5 = arith.constant 0 : i32
    %scan3A_6 = arith.constant 8 : i32
    %scan3A_7 = arith.addi %scan3A_5, %scan3A_6 : i32
    %scan3A_8 = arith.constant 1 : i32
    scf.for %scan3A_28 = %scan3A_5 to %scan3A_7 step %scan3A_8  : i32 {
      %mul3A_29 = arith.constant 1 : i32
      %mul3A_30 = arith.muli %scan3A_28, %mul3A_29 : i32
      %add3A_31 = arith.constant 0 : i32
      %add3A_32 = arith.addi %add3A_31, %mul3A_30 : i32
      %mul3A_33 = arith.constant 16 : i32
      %mul3A_34 = arith.muli %mul3A_33, %add3A_32 : i32
      %add3A_35 = arith.addi %arg1, %mul3A_34 : i32
      %lt3A_36 = arith.constant 125 : i32
      %lt3A_37 = arith.cmpi slt, %add3A_35, %lt3A_36 : i32
      %convert_element_type3A_38 = arith.extui %lt3A_37 : i1 to i32
      %cond3A_39 = arith.constant 0 : i32
      %cond3A_40 = arith.cmpi ne, %convert_element_type3A_38, %cond3A_39 : i32
      scf.if %cond3A_40 {
        %mul3A_41 = arith.constant 80 : i32
        %mul3A_42 = arith.muli %add3A_35, %mul3A_41 : i32
        "tpu.region"() ({
          %run_scoped3A = tpu.sem_alloc : memref<!tpu.dma_semaphore, #tpu.memory_space<semaphore_mem>>
          %dma_start3A = arith.constant 0 : i32
          %dma_start3A_45 = arith.constant 0 : i32
          %dma_start3A_46 = tpu.memref_slice %arg10[%dma_start3A, %dma_start3A_45] : memref<128x64xf32, #tpu.memory_space<vmem>> -> memref<80x64xf32, #tpu.memory_space<vmem>>
          %dma_start3A_47 = arith.constant 0 : i32
          %dma_start3A_48 = tpu.memref_slice %arg8[%mul3A_42, %dma_start3A_47] : memref<10000x64xf32, #tpu.memory_space<vmem_shared>> -> memref<80x64xf32, #tpu.memory_space<vmem_shared>>
          %dma_start3A_49 = arith.constant 0 : i32
          %dma_start3A_50 = tpu.memref_slice %arg8[%mul3A_42, %dma_start3A_49] : memref<10000x64xf32, #tpu.memory_space<vmem_shared>> -> memref<80x64xf32, #tpu.memory_space<vmem_shared>>
          %dma_start3A_51 = arith.constant 0 : i32
          %dma_start3A_52 = arith.constant 0 : i32
          %dma_start3A_53 = tpu.memref_slice %arg10[%dma_start3A_51, %dma_start3A_52] : memref<128x64xf32, #tpu.memory_space<vmem>> -> memref<80x64xf32, #tpu.memory_space<vmem>>
          tpu.enqueue_dma source(%dma_start3A_53 : memref<80x64xf32, #tpu.memory_space<vmem>>) target(%dma_start3A_50 : memref<80x64xf32, #tpu.memory_space<vmem_shared>>) target_semaphore(%run_scoped3A : memref<!tpu.dma_semaphore, #tpu.memory_space<semaphore_mem>>)
          %dma_wait3A = arith.constant 0 : i32
          %dma_wait3A_54 = arith.constant 0 : i32
          %dma_wait3A_55 = tpu.memref_slice %arg10[%dma_wait3A, %dma_wait3A_54] : memref<128x64xf32, #tpu.memory_space<vmem>> -> memref<80x64xf32, #tpu.memory_space<vmem>>
          %dma_wait3A_56 = arith.constant 0 : i32
          %dma_wait3A_57 = tpu.memref_slice %arg8[%mul3A_42, %dma_wait3A_56] : memref<10000x64xf32, #tpu.memory_space<vmem_shared>> -> memref<80x64xf32, #tpu.memory_space<vmem_shared>>
          %dma_wait3A_58 = arith.constant 0 : i32
          %dma_wait3A_59 = tpu.memref_slice %arg8[%mul3A_42, %dma_wait3A_58] : memref<10000x64xf32, #tpu.memory_space<vmem_shared>> -> memref<80x64xf32, #tpu.memory_space<vmem_shared>>
          %dma_wait3A_60 = arith.constant 0 : i32
          %dma_wait3A_61 = arith.constant 0 : i32
          %dma_wait3A_62 = tpu.memref_slice %arg10[%dma_wait3A_60, %dma_wait3A_61] : memref<128x64xf32, #tpu.memory_space<vmem>> -> memref<80x64xf32, #tpu.memory_space<vmem>>
          tpu.wait_dma2 semaphore(%run_scoped3A : memref<!tpu.dma_semaphore, #tpu.memory_space<semaphore_mem>>) src(%dma_wait3A_62 : memref<80x64xf32, #tpu.memory_space<vmem>>) dst(%dma_wait3A_59 : memref<80x64xf32, #tpu.memory_space<vmem_shared>>)
          tpu.yield
        }) : () -> ()
        %mul3A_43 = arith.constant 80 : i32
        %mul3A_44 = arith.muli %add3A_35, %mul3A_43 : i32
        "tpu.region"() ({
          %run_scoped3A = tpu.sem_alloc : memref<!tpu.dma_semaphore, #tpu.memory_space<semaphore_mem>>
          %dma_start3A = arith.constant 0 : i32
          %dma_start3A_45 = arith.constant 0 : i32
          %dma_start3A_46 = tpu.memref_slice %arg12[%dma_start3A, %dma_start3A_45] : memref<128x16xf32, #tpu.memory_space<vmem>> -> memref<80x16xf32, #tpu.memory_space<vmem>>
          %dma_start3A_47 = arith.constant 0 : i32
          %dma_start3A_48 = tpu.memref_slice %arg9[%mul3A_44, %dma_start3A_47] : memref<10000x16xf32, #tpu.memory_space<vmem_shared>> -> memref<80x16xf32, #tpu.memory_space<vmem_shared>>
          %dma_start3A_49 = arith.constant 0 : i32
          %dma_start3A_50 = tpu.memref_slice %arg9[%mul3A_44, %dma_start3A_49] : memref<10000x16xf32, #tpu.memory_space<vmem_shared>> -> memref<80x16xf32, #tpu.memory_space<vmem_shared>>
          %dma_start3A_51 = arith.constant 0 : i32
          %dma_start3A_52 = arith.constant 0 : i32
          %dma_start3A_53 = tpu.memref_slice %arg12[%dma_start3A_51, %dma_start3A_52] : memref<128x16xf32, #tpu.memory_space<vmem>> -> memref<80x16xf32, #tpu.memory_space<vmem>>
          tpu.enqueue_dma source(%dma_start3A_53 : memref<80x16xf32, #tpu.memory_space<vmem>>) target(%dma_start3A_50 : memref<80x16xf32, #tpu.memory_space<vmem_shared>>) target_semaphore(%run_scoped3A : memref<!tpu.dma_semaphore, #tpu.memory_space<semaphore_mem>>)
          %dma_wait3A = arith.constant 0 : i32
          %dma_wait3A_54 = arith.constant 0 : i32
          %dma_wait3A_55 = tpu.memref_slice %arg12[%dma_wait3A, %dma_wait3A_54] : memref<128x16xf32, #tpu.memory_space<vmem>> -> memref<80x16xf32, #tpu.memory_space<vmem>>
          %dma_wait3A_56 = arith.constant 0 : i32
          %dma_wait3A_57 = tpu.memref_slice %arg9[%mul3A_44, %dma_wait3A_56] : memref<10000x16xf32, #tpu.memory_space<vmem_shared>> -> memref<80x16xf32, #tpu.memory_space<vmem_shared>>
          %dma_wait3A_58 = arith.constant 0 : i32
          %dma_wait3A_59 = tpu.memref_slice %arg9[%mul3A_44, %dma_wait3A_58] : memref<10000x16xf32, #tpu.memory_space<vmem_shared>> -> memref<80x16xf32, #tpu.memory_space<vmem_shared>>
          %dma_wait3A_60 = arith.constant 0 : i32
          %dma_wait3A_61 = arith.constant 0 : i32
          %dma_wait3A_62 = tpu.memref_slice %arg12[%dma_wait3A_60, %dma_wait3A_61] : memref<128x16xf32, #tpu.memory_space<vmem>> -> memref<80x16xf32, #tpu.memory_space<vmem>>
          tpu.wait_dma2 semaphore(%run_scoped3A : memref<!tpu.dma_semaphore, #tpu.memory_space<semaphore_mem>>) src(%dma_wait3A_62 : memref<80x16xf32, #tpu.memory_space<vmem>>) dst(%dma_wait3A_59 : memref<80x16xf32, #tpu.memory_space<vmem_shared>>)
          tpu.yield
        }) : () -> ()
      } else {
      }
    }
    %scan3A_9 = arith.constant 8 : i32
    %scan3A_10 = arith.constant 0 : i32
    %scan3A_11 = arith.constant 128 : i32
    %scan3A_12 = arith.addi %scan3A_10, %scan3A_11 : i32
    %scan3A_13 = arith.constant 1 : i32
    scf.for %scan3A_28 = %scan3A_10 to %scan3A_12 step %scan3A_13  : i32 {
      %mul3A_29 = arith.constant 1 : i32
      %mul3A_30 = arith.muli %scan3A_28, %mul3A_29 : i32
      %add3A_31 = arith.constant 0 : i32
      %add3A_32 = arith.addi %add3A_31, %mul3A_30 : i32
      %broadcast_in_dim3A = arith.constant 1.000000e+00 : f32
      %broadcast_in_dim3A_33 = vector.broadcast %broadcast_in_dim3A : f32 to vector<16xf32>
      %swap3A = arith.index_cast %add3A_32 : i32 to index
      %swap3A_34 = arith.constant 0 : index
      %swap3A_35 = tpu.vector_load %arg12[%swap3A, %swap3A_34] {strides = array<i32>} : memref<128x16xf32, #tpu.memory_space<vmem>>, vector<16xf32>,
      tpu.vector_store %arg12[%swap3A, %swap3A_34], %broadcast_in_dim3A_33 {strides = array<i32>} : memref<128x16xf32, #tpu.memory_space<vmem>>, vector<16xf32>,
    }
    %scan3A_14 = arith.constant 128 : i32
    %barrier3A = arith.constant 0 : index
    tpu.barrier barrier_id(%barrier3A)
    %scan3A_15 = arith.constant 0 : i32
    %scan3A_16 = arith.constant 13 : i32
    %scan3A_17 = arith.addi %scan3A_15, %scan3A_16 : i32
    %scan3A_18 = arith.constant 1 : i32
    scf.for %scan3A_28 = %scan3A_15 to %scan3A_17 step %scan3A_18  : i32 {
      %mul3A_29 = arith.constant 1 : i32
      %mul3A_30 = arith.muli %scan3A_28, %mul3A_29 : i32
      %add3A_31 = arith.constant 0 : i32
      %add3A_32 = arith.addi %add3A_31, %mul3A_30 : i32
      %mul3A_33 = arith.constant 78 : i32
      %mul3A_34 = arith.muli %add3A, %mul3A_33 : i32
      %mul3A_35 = arith.constant 6 : i32
      %mul3A_36 = arith.muli %add3A_32, %mul3A_35 : i32
      %add3A_37 = arith.addi %mul3A_34, %mul3A_36 : i32
      %mul3A_38 = arith.constant 128 : i32
      %mul3A_39 = arith.muli %add3A_37, %mul3A_38 : i32
      "tpu.region"() ({
        %run_scoped3A = tpu.sem_alloc : memref<!tpu.dma_semaphore, #tpu.memory_space<semaphore_mem>>
        %dma_start3A_128 = tpu.memref_slice %arg3[%mul3A_39] : memref<320000xi32, #tpu.memory_space<hbm>> -> memref<768xi32, #tpu.memory_space<hbm>>
        %dma_start3A_129 = tpu.memref_slice %arg3[%mul3A_39] : memref<320000xi32, #tpu.memory_space<hbm>> -> memref<768xi32, #tpu.memory_space<hbm>>
        tpu.enqueue_dma source(%dma_start3A_129 : memref<768xi32, #tpu.memory_space<hbm>>) target(%arg13 : memref<768xi32, #tpu.memory_space<vmem>>) target_semaphore(%run_scoped3A : memref<!tpu.dma_semaphore, #tpu.memory_space<semaphore_mem>>)
        %dma_wait3A_130 = tpu.memref_slice %arg3[%mul3A_39] : memref<320000xi32, #tpu.memory_space<hbm>> -> memref<768xi32, #tpu.memory_space<hbm>>
        %dma_wait3A_131 = tpu.memref_slice %arg3[%mul3A_39] : memref<320000xi32, #tpu.memory_space<hbm>> -> memref<768xi32, #tpu.memory_space<hbm>>
        tpu.wait_dma2 semaphore(%run_scoped3A : memref<!tpu.dma_semaphore, #tpu.memory_space<semaphore_mem>>) src(%dma_wait3A_131 : memref<768xi32, #tpu.memory_space<hbm>>) dst(%arg13 : memref<768xi32, #tpu.memory_space<vmem>>)
        tpu.yield
      }) : () -> ()
      "tpu.region"() ({
        %run_scoped3A = tpu.sem_alloc : memref<!tpu.dma_semaphore, #tpu.memory_space<semaphore_mem>>
        %dma_start3A_128 = tpu.memref_slice %arg4[%mul3A_39] : memref<320000xi32, #tpu.memory_space<hbm>> -> memref<768xi32, #tpu.memory_space<hbm>>
        %dma_start3A_129 = tpu.memref_slice %arg4[%mul3A_39] : memref<320000xi32, #tpu.memory_space<hbm>> -> memref<768xi32, #tpu.memory_space<hbm>>
        tpu.enqueue_dma source(%dma_start3A_129 : memref<768xi32, #tpu.memory_space<hbm>>) target(%arg14 : memref<768xi32, #tpu.memory_space<vmem>>) target_semaphore(%run_scoped3A : memref<!tpu.dma_semaphore, #tpu.memory_space<semaphore_mem>>)
        %dma_wait3A_130 = tpu.memref_slice %arg4[%mul3A_39] : memref<320000xi32, #tpu.memory_space<hbm>> -> memref<768xi32, #tpu.memory_space<hbm>>
        %dma_wait3A_131 = tpu.memref_slice %arg4[%mul3A_39] : memref<320000xi32, #tpu.memory_space<hbm>> -> memref<768xi32, #tpu.memory_space<hbm>>
        tpu.wait_dma2 semaphore(%run_scoped3A : memref<!tpu.dma_semaphore, #tpu.memory_space<semaphore_mem>>) src(%dma_wait3A_131 : memref<768xi32, #tpu.memory_space<hbm>>) dst(%arg14 : memref<768xi32, #tpu.memory_space<vmem>>)
        tpu.yield
      }) : () -> ()
      "tpu.region"() ({
        %run_scoped3A = tpu.sem_alloc : memref<!tpu.dma_semaphore, #tpu.memory_space<semaphore_mem>>
        %dma_start3A_128 = tpu.memref_slice %arg5[%mul3A_39] : memref<320000xf32, #tpu.memory_space<hbm>> -> memref<768xf32, #tpu.memory_space<hbm>>
        %dma_start3A_129 = tpu.memref_slice %arg5[%mul3A_39] : memref<320000xf32, #tpu.memory_space<hbm>> -> memref<768xf32, #tpu.memory_space<hbm>>
        tpu.enqueue_dma source(%dma_start3A_129 : memref<768xf32, #tpu.memory_space<hbm>>) target(%arg15 : memref<768xf32, #tpu.memory_space<vmem>>) target_semaphore(%run_scoped3A : memref<!tpu.dma_semaphore, #tpu.memory_space<semaphore_mem>>)
        %dma_wait3A_130 = tpu.memref_slice %arg5[%mul3A_39] : memref<320000xf32, #tpu.memory_space<hbm>> -> memref<768xf32, #tpu.memory_space<hbm>>
        %dma_wait3A_131 = tpu.memref_slice %arg5[%mul3A_39] : memref<320000xf32, #tpu.memory_space<hbm>> -> memref<768xf32, #tpu.memory_space<hbm>>
        tpu.wait_dma2 semaphore(%run_scoped3A : memref<!tpu.dma_semaphore, #tpu.memory_space<semaphore_mem>>) src(%dma_wait3A_131 : memref<768xf32, #tpu.memory_space<hbm>>) dst(%arg15 : memref<768xf32, #tpu.memory_space<vmem>>)
        tpu.yield
      }) : () -> ()
      %dma_start3A = arith.constant 0 : i32
      %dma_start3A_40 = tpu.memref_slice %arg13[%dma_start3A] : memref<768xi32, #tpu.memory_space<vmem>> -> memref<128xi32, #tpu.memory_space<vmem>>
      %dma_start3A_41 = arith.constant 0 : i32
      %dma_start3A_42 = arith.constant 0 : i32
      %dma_start3A_43 = tpu.memref_slice %arg2[%dma_start3A_41, %dma_start3A_42] : memref<10000x64xf32, #tpu.memory_space<hbm>> -> memref<10000x64xf32, #tpu.memory_space<hbm>>
      tpu.enqueue_indirect_dma source(%dma_start3A_43 : memref<10000x64xf32, #tpu.memory_space<hbm>>) target(%arg10 : memref<128x64xf32, #tpu.memory_space<vmem>>) offsets(%dma_start3A_40 : memref<128xi32, #tpu.memory_space<vmem>>) semaphore(%arg16 : memref<!tpu.dma_semaphore, #tpu.memory_space<semaphore_mem>>)
      %dma_start3A_44 = arith.constant 128 : i32
      %dma_start3A_45 = tpu.memref_slice %arg13[%dma_start3A_44] : memref<768xi32, #tpu.memory_space<vmem>> -> memref<128xi32, #tpu.memory_space<vmem>>
      %dma_start3A_46 = arith.constant 0 : i32
      %dma_start3A_47 = arith.constant 0 : i32
      %dma_start3A_48 = tpu.memref_slice %arg2[%dma_start3A_46, %dma_start3A_47] : memref<10000x64xf32, #tpu.memory_space<hbm>> -> memref<10000x64xf32, #tpu.memory_space<hbm>>
      tpu.enqueue_indirect_dma source(%dma_start3A_48 : memref<10000x64xf32, #tpu.memory_space<hbm>>) target(%arg11 : memref<128x64xf32, #tpu.memory_space<vmem>>) offsets(%dma_start3A_45 : memref<128xi32, #tpu.memory_space<vmem>>) semaphore(%arg17 : memref<!tpu.dma_semaphore, #tpu.memory_space<semaphore_mem>>)
      %dma_wait3A = arith.constant 0 : i32
      %dma_wait3A_49 = tpu.memref_slice %arg13[%dma_wait3A] : memref<768xi32, #tpu.memory_space<vmem>> -> memref<128xi32, #tpu.memory_space<vmem>>
      %dma_wait3A_50 = arith.constant 0 : i32
      %dma_wait3A_51 = arith.constant 0 : i32
      %dma_wait3A_52 = tpu.memref_slice %arg2[%dma_wait3A_50, %dma_wait3A_51] : memref<10000x64xf32, #tpu.memory_space<hbm>> -> memref<10000x64xf32, #tpu.memory_space<hbm>>
      tpu.wait_indirect_dma semaphore(%arg16 : memref<!tpu.dma_semaphore, #tpu.memory_space<semaphore_mem>>) src(%dma_wait3A_52 : memref<10000x64xf32, #tpu.memory_space<hbm>>) dst(%arg10 : memref<128x64xf32, #tpu.memory_space<vmem>>)
      %scan3A_53 = arith.constant 0 : i32
      %scan3A_54 = arith.constant 128 : i32
      %scan3A_55 = arith.addi %scan3A_53, %scan3A_54 : i32
      %scan3A_56 = arith.constant 1 : i32
      scf.for %scan3A_128 = %scan3A_53 to %scan3A_55 step %scan3A_56  : i32 {
        %mul3A_129 = arith.constant 1 : i32
        %mul3A_130 = arith.muli %scan3A_128, %mul3A_129 : i32
        %add3A_131 = arith.constant 0 : i32
        %add3A_132 = arith.addi %add3A_131, %mul3A_130 : i32
        %broadcast_in_dim3A = arith.constant 0 : i32
        %broadcast_in_dim3A_133 = vector.broadcast %broadcast_in_dim3A : i32 to vector<16xi32>
        %add3A_134 = vector.broadcast %add3A_132 : i32 to vector<16xi32>
        %add3A_135 = arith.addi %broadcast_in_dim3A_133, %add3A_134 : vector<16xi32>
        %gather3A = tpu.vector_load_idx %arg15[%add3A_135] : memref<768xf32, #tpu.memory_space<vmem>>[vector<16xi32>], vector<16xf32>,
        %get3A = arith.index_cast %add3A_132 : i32 to index
        %get3A_136 = arith.constant 0 : index
        %get3A_137 = tpu.vector_load %arg10[%get3A, %get3A_136] {strides = array<i32>} : memref<128x64xf32, #tpu.memory_space<vmem>>, vector<16xf32>,
        %mul3A_138 = arith.mulf %get3A_137, %gather3A : vector<16xf32>
        %swap3A = arith.index_cast %add3A_132 : i32 to index
        %swap3A_139 = arith.constant 0 : index
        %swap3A_140 = tpu.vector_load %arg10[%swap3A, %swap3A_139] {strides = array<i32>} : memref<128x64xf32, #tpu.memory_space<vmem>>, vector<16xf32>,
        tpu.vector_store %arg10[%swap3A, %swap3A_139], %mul3A_138 {strides = array<i32>} : memref<128x64xf32, #tpu.memory_space<vmem>>, vector<16xf32>,
        %get3A_141 = arith.index_cast %add3A_132 : i32 to index
        %get3A_142 = arith.constant 16 : index
        %get3A_143 = tpu.vector_load %arg10[%get3A_141, %get3A_142] {strides = array<i32>} : memref<128x64xf32, #tpu.memory_space<vmem>>, vector<16xf32>,
        %mul3A_144 = arith.mulf %get3A_143, %gather3A : vector<16xf32>
        %swap3A_145 = arith.index_cast %add3A_132 : i32 to index
        %swap3A_146 = arith.constant 16 : index
        %swap3A_147 = tpu.vector_load %arg10[%swap3A_145, %swap3A_146] {strides = array<i32>} : memref<128x64xf32, #tpu.memory_space<vmem>>, vector<16xf32>,
        tpu.vector_store %arg10[%swap3A_145, %swap3A_146], %mul3A_144 {strides = array<i32>} : memref<128x64xf32, #tpu.memory_space<vmem>>, vector<16xf32>,
        %get3A_148 = arith.index_cast %add3A_132 : i32 to index
        %get3A_149 = arith.constant 32 : index
        %get3A_150 = tpu.vector_load %arg10[%get3A_148, %get3A_149] {strides = array<i32>} : memref<128x64xf32, #tpu.memory_space<vmem>>, vector<16xf32>,
        %mul3A_151 = arith.mulf %get3A_150, %gather3A : vector<16xf32>
        %swap3A_152 = arith.index_cast %add3A_132 : i32 to index
        %swap3A_153 = arith.constant 32 : index
        %swap3A_154 = tpu.vector_load %arg10[%swap3A_152, %swap3A_153] {strides = array<i32>} : memref<128x64xf32, #tpu.memory_space<vmem>>, vector<16xf32>,
        tpu.vector_store %arg10[%swap3A_152, %swap3A_153], %mul3A_151 {strides = array<i32>} : memref<128x64xf32, #tpu.memory_space<vmem>>, vector<16xf32>,
        %get3A_155 = arith.index_cast %add3A_132 : i32 to index
        %get3A_156 = arith.constant 48 : index
        %get3A_157 = tpu.vector_load %arg10[%get3A_155, %get3A_156] {strides = array<i32>} : memref<128x64xf32, #tpu.memory_space<vmem>>, vector<16xf32>,
        %mul3A_158 = arith.mulf %get3A_157, %gather3A : vector<16xf32>
        %swap3A_159 = arith.index_cast %add3A_132 : i32 to index
        %swap3A_160 = arith.constant 48 : index
        %swap3A_161 = tpu.vector_load %arg10[%swap3A_159, %swap3A_160] {strides = array<i32>} : memref<128x64xf32, #tpu.memory_space<vmem>>, vector<16xf32>,
        tpu.vector_store %arg10[%swap3A_159, %swap3A_160], %mul3A_158 {strides = array<i32>} : memref<128x64xf32, #tpu.memory_space<vmem>>, vector<16xf32>,
      }
      %scan3A_57 = arith.constant 128 : i32
      "tpu.region"() ({
        %run_scoped3A = tpu.sem_alloc : memref<!tpu.dma_semaphore, #tpu.memory_space<semaphore_mem>>
        %dma_start3A_128 = arith.constant 0 : i32
        %dma_start3A_129 = tpu.memref_slice %arg14[%dma_start3A_128] : memref<768xi32, #tpu.memory_space<vmem>> -> memref<128xi32, #tpu.memory_space<vmem>>
        %dma_start3A_130 = arith.constant 0 : i32
        %dma_start3A_131 = arith.constant 0 : i32
        %dma_start3A_132 = tpu.memref_slice %arg8[%dma_start3A_130, %dma_start3A_131] : memref<10000x64xf32, #tpu.memory_space<vmem_shared>> -> memref<10000x64xf32, #tpu.memory_space<vmem_shared>>
        tpu.enqueue_indirect_dma source(%arg10 : memref<128x64xf32, #tpu.memory_space<vmem>>) target(%dma_start3A_132 : memref<10000x64xf32, #tpu.memory_space<vmem_shared>>) offsets(%dma_start3A_129 : memref<128xi32, #tpu.memory_space<vmem>>) semaphore(%run_scoped3A : memref<!tpu.dma_semaphore, #tpu.memory_space<semaphore_mem>>) {add = true}
        %dma_wait3A_133 = arith.constant 0 : i32
        %dma_wait3A_134 = tpu.memref_slice %arg14[%dma_wait3A_133] : memref<768xi32, #tpu.memory_space<vmem>> -> memref<128xi32, #tpu.memory_space<vmem>>
        %dma_wait3A_135 = arith.constant 0 : i32
        %dma_wait3A_136 = arith.constant 0 : i32
        %dma_wait3A_137 = tpu.memref_slice %arg8[%dma_wait3A_135, %dma_wait3A_136] : memref<10000x64xf32, #tpu.memory_space<vmem_shared>> -> memref<10000x64xf32, #tpu.memory_space<vmem_shared>>
        tpu.wait_indirect_dma semaphore(%run_scoped3A : memref<!tpu.dma_semaphore, #tpu.memory_space<semaphore_mem>>) src(%arg10 : memref<128x64xf32, #tpu.memory_space<vmem>>) dst(%dma_wait3A_137 : memref<10000x64xf32, #tpu.memory_space<vmem_shared>>)
        tpu.yield
      }) : () -> ()
      "tpu.region"() ({
        %run_scoped3A = tpu.sem_alloc : memref<!tpu.dma_semaphore, #tpu.memory_space<semaphore_mem>>
        %dma_start3A_128 = arith.constant 0 : i32
        %dma_start3A_129 = tpu.memref_slice %arg14[%dma_start3A_128] : memref<768xi32, #tpu.memory_space<vmem>> -> memref<128xi32, #tpu.memory_space<vmem>>
        %dma_start3A_130 = arith.constant 0 : i32
        %dma_start3A_131 = arith.constant 0 : i32
        %dma_start3A_132 = tpu.memref_slice %arg9[%dma_start3A_130, %dma_start3A_131] : memref<10000x16xf32, #tpu.memory_space<vmem_shared>> -> memref<10000x16xf32, #tpu.memory_space<vmem_shared>>
        tpu.enqueue_indirect_dma source(%arg12 : memref<128x16xf32, #tpu.memory_space<vmem>>) target(%dma_start3A_132 : memref<10000x16xf32, #tpu.memory_space<vmem_shared>>) offsets(%dma_start3A_129 : memref<128xi32, #tpu.memory_space<vmem>>) semaphore(%run_scoped3A : memref<!tpu.dma_semaphore, #tpu.memory_space<semaphore_mem>>) {add = true}
        %dma_wait3A_133 = arith.constant 0 : i32
        %dma_wait3A_134 = tpu.memref_slice %arg14[%dma_wait3A_133] : memref<768xi32, #tpu.memory_space<vmem>> -> memref<128xi32, #tpu.memory_space<vmem>>
        %dma_wait3A_135 = arith.constant 0 : i32
        %dma_wait3A_136 = arith.constant 0 : i32
        %dma_wait3A_137 = tpu.memref_slice %arg9[%dma_wait3A_135, %dma_wait3A_136] : memref<10000x16xf32, #tpu.memory_space<vmem_shared>> -> memref<10000x16xf32, #tpu.memory_space<vmem_shared>>
        tpu.wait_indirect_dma semaphore(%run_scoped3A : memref<!tpu.dma_semaphore, #tpu.memory_space<semaphore_mem>>) src(%arg12 : memref<128x16xf32, #tpu.memory_space<vmem>>) dst(%dma_wait3A_137 : memref<10000x16xf32, #tpu.memory_space<vmem_shared>>)
        tpu.yield
      }) : () -> ()
      %dma_start3A_58 = arith.constant 256 : i32
      %dma_start3A_59 = tpu.memref_slice %arg13[%dma_start3A_58] : memref<768xi32, #tpu.memory_space<vmem>> -> memref<128xi32, #tpu.memory_space<vmem>>
      %dma_start3A_60 = arith.constant 0 : i32
      %dma_start3A_61 = arith.constant 0 : i32
      %dma_start3A_62 = tpu.memref_slice %arg2[%dma_start3A_60, %dma_start3A_61] : memref<10000x64xf32, #tpu.memory_space<hbm>> -> memref<10000x64xf32, #tpu.memory_space<hbm>>
      tpu.enqueue_indirect_dma source(%dma_start3A_62 : memref<10000x64xf32, #tpu.memory_space<hbm>>) target(%arg10 : memref<128x64xf32, #tpu.memory_space<vmem>>) offsets(%dma_start3A_59 : memref<128xi32, #tpu.memory_space<vmem>>) semaphore(%arg16 : memref<!tpu.dma_semaphore, #tpu.memory_space<semaphore_mem>>)
      %dma_wait3A_63 = arith.constant 128 : i32
      %dma_wait3A_64 = tpu.memref_slice %arg13[%dma_wait3A_63] : memref<768xi32, #tpu.memory_space<vmem>> -> memref<128xi32, #tpu.memory_space<vmem>>
      %dma_wait3A_65 = arith.constant 0 : i32
      %dma_wait3A_66 = arith.constant 0 : i32
      %dma_wait3A_67 = tpu.memref_slice %arg2[%dma_wait3A_65, %dma_wait3A_66] : memref<10000x64xf32, #tpu.memory_space<hbm>> -> memref<10000x64xf32, #tpu.memory_space<hbm>>
      tpu.wait_indirect_dma semaphore(%arg17 : memref<!tpu.dma_semaphore, #tpu.memory_space<semaphore_mem>>) src(%dma_wait3A_67 : memref<10000x64xf32, #tpu.memory_space<hbm>>) dst(%arg11 : memref<128x64xf32, #tpu.memory_space<vmem>>)
      %scan3A_68 = arith.constant 0 : i32
      %scan3A_69 = arith.constant 128 : i32
      %scan3A_70 = arith.addi %scan3A_68, %scan3A_69 : i32
      %scan3A_71 = arith.constant 1 : i32
      scf.for %scan3A_128 = %scan3A_68 to %scan3A_70 step %scan3A_71  : i32 {
        %mul3A_129 = arith.constant 1 : i32
        %mul3A_130 = arith.muli %scan3A_128, %mul3A_129 : i32
        %add3A_131 = arith.constant 0 : i32
        %add3A_132 = arith.addi %add3A_131, %mul3A_130 : i32
        %broadcast_in_dim3A = arith.constant 128 : i32
        %broadcast_in_dim3A_133 = vector.broadcast %broadcast_in_dim3A : i32 to vector<16xi32>
        %add3A_134 = vector.broadcast %add3A_132 : i32 to vector<16xi32>
        %add3A_135 = arith.addi %broadcast_in_dim3A_133, %add3A_134 : vector<16xi32>
        %gather3A = tpu.vector_load_idx %arg15[%add3A_135] : memref<768xf32, #tpu.memory_space<vmem>>[vector<16xi32>], vector<16xf32>,
        %get3A = arith.index_cast %add3A_132 : i32 to index
        %get3A_136 = arith.constant 0 : index
        %get3A_137 = tpu.vector_load %arg11[%get3A, %get3A_136] {strides = array<i32>} : memref<128x64xf32, #tpu.memory_space<vmem>>, vector<16xf32>,
        %mul3A_138 = arith.mulf %get3A_137, %gather3A : vector<16xf32>
        %swap3A = arith.index_cast %add3A_132 : i32 to index
        %swap3A_139 = arith.constant 0 : index
        %swap3A_140 = tpu.vector_load %arg11[%swap3A, %swap3A_139] {strides = array<i32>} : memref<128x64xf32, #tpu.memory_space<vmem>>, vector<16xf32>,
        tpu.vector_store %arg11[%swap3A, %swap3A_139], %mul3A_138 {strides = array<i32>} : memref<128x64xf32, #tpu.memory_space<vmem>>, vector<16xf32>,
        %get3A_141 = arith.index_cast %add3A_132 : i32 to index
        %get3A_142 = arith.constant 16 : index
        %get3A_143 = tpu.vector_load %arg11[%get3A_141, %get3A_142] {strides = array<i32>} : memref<128x64xf32, #tpu.memory_space<vmem>>, vector<16xf32>,
        %mul3A_144 = arith.mulf %get3A_143, %gather3A : vector<16xf32>
        %swap3A_145 = arith.index_cast %add3A_132 : i32 to index
        %swap3A_146 = arith.constant 16 : index
        %swap3A_147 = tpu.vector_load %arg11[%swap3A_145, %swap3A_146] {strides = array<i32>} : memref<128x64xf32, #tpu.memory_space<vmem>>, vector<16xf32>,
        tpu.vector_store %arg11[%swap3A_145, %swap3A_146], %mul3A_144 {strides = array<i32>} : memref<128x64xf32, #tpu.memory_space<vmem>>, vector<16xf32>,
        %get3A_148 = arith.index_cast %add3A_132 : i32 to index
        %get3A_149 = arith.constant 32 : index
        %get3A_150 = tpu.vector_load %arg11[%get3A_148, %get3A_149] {strides = array<i32>} : memref<128x64xf32, #tpu.memory_space<vmem>>, vector<16xf32>,
        %mul3A_151 = arith.mulf %get3A_150, %gather3A : vector<16xf32>
        %swap3A_152 = arith.index_cast %add3A_132 : i32 to index
        %swap3A_153 = arith.constant 32 : index
        %swap3A_154 = tpu.vector_load %arg11[%swap3A_152, %swap3A_153] {strides = array<i32>} : memref<128x64xf32, #tpu.memory_space<vmem>>, vector<16xf32>,
        tpu.vector_store %arg11[%swap3A_152, %swap3A_153], %mul3A_151 {strides = array<i32>} : memref<128x64xf32, #tpu.memory_space<vmem>>, vector<16xf32>,
        %get3A_155 = arith.index_cast %add3A_132 : i32 to index
        %get3A_156 = arith.constant 48 : index
        %get3A_157 = tpu.vector_load %arg11[%get3A_155, %get3A_156] {strides = array<i32>} : memref<128x64xf32, #tpu.memory_space<vmem>>, vector<16xf32>,
        %mul3A_158 = arith.mulf %get3A_157, %gather3A : vector<16xf32>
        %swap3A_159 = arith.index_cast %add3A_132 : i32 to index
        %swap3A_160 = arith.constant 48 : index
        %swap3A_161 = tpu.vector_load %arg11[%swap3A_159, %swap3A_160] {strides = array<i32>} : memref<128x64xf32, #tpu.memory_space<vmem>>, vector<16xf32>,
        tpu.vector_store %arg11[%swap3A_159, %swap3A_160], %mul3A_158 {strides = array<i32>} : memref<128x64xf32, #tpu.memory_space<vmem>>, vector<16xf32>,
      }
      %scan3A_72 = arith.constant 128 : i32
      "tpu.region"() ({
        %run_scoped3A = tpu.sem_alloc : memref<!tpu.dma_semaphore, #tpu.memory_space<semaphore_mem>>
        %dma_start3A_128 = arith.constant 128 : i32
        %dma_start3A_129 = tpu.memref_slice %arg14[%dma_start3A_128] : memref<768xi32, #tpu.memory_space<vmem>> -> memref<128xi32, #tpu.memory_space<vmem>>
        %dma_start3A_130 = arith.constant 0 : i32
        %dma_start3A_131 = arith.constant 0 : i32
        %dma_start3A_132 = tpu.memref_slice %arg8[%dma_start3A_130, %dma_start3A_131] : memref<10000x64xf32, #tpu.memory_space<vmem_shared>> -> memref<10000x64xf32, #tpu.memory_space<vmem_shared>>
        tpu.enqueue_indirect_dma source(%arg11 : memref<128x64xf32, #tpu.memory_space<vmem>>) target(%dma_start3A_132 : memref<10000x64xf32, #tpu.memory_space<vmem_shared>>) offsets(%dma_start3A_129 : memref<128xi32, #tpu.memory_space<vmem>>) semaphore(%run_scoped3A : memref<!tpu.dma_semaphore, #tpu.memory_space<semaphore_mem>>) {add = true}
        %dma_wait3A_133 = arith.constant 128 : i32
        %dma_wait3A_134 = tpu.memref_slice %arg14[%dma_wait3A_133] : memref<768xi32, #tpu.memory_space<vmem>> -> memref<128xi32, #tpu.memory_space<vmem>>
        %dma_wait3A_135 = arith.constant 0 : i32
        %dma_wait3A_136 = arith.constant 0 : i32
        %dma_wait3A_137 = tpu.memref_slice %arg8[%dma_wait3A_135, %dma_wait3A_136] : memref<10000x64xf32, #tpu.memory_space<vmem_shared>> -> memref<10000x64xf32, #tpu.memory_space<vmem_shared>>
        tpu.wait_indirect_dma semaphore(%run_scoped3A : memref<!tpu.dma_semaphore, #tpu.memory_space<semaphore_mem>>) src(%arg11 : memref<128x64xf32, #tpu.memory_space<vmem>>) dst(%dma_wait3A_137 : memref<10000x64xf32, #tpu.memory_space<vmem_shared>>)
        tpu.yield
      }) : () -> ()
      "tpu.region"() ({
        %run_scoped3A = tpu.sem_alloc : memref<!tpu.dma_semaphore, #tpu.memory_space<semaphore_mem>>
        %dma_start3A_128 = arith.constant 128 : i32
        %dma_start3A_129 = tpu.memref_slice %arg14[%dma_start3A_128] : memref<768xi32, #tpu.memory_space<vmem>> -> memref<128xi32, #tpu.memory_space<vmem>>
        %dma_start3A_130 = arith.constant 0 : i32
        %dma_start3A_131 = arith.constant 0 : i32
        %dma_start3A_132 = tpu.memref_slice %arg9[%dma_start3A_130, %dma_start3A_131] : memref<10000x16xf32, #tpu.memory_space<vmem_shared>> -> memref<10000x16xf32, #tpu.memory_space<vmem_shared>>
        tpu.enqueue_indirect_dma source(%arg12 : memref<128x16xf32, #tpu.memory_space<vmem>>) target(%dma_start3A_132 : memref<10000x16xf32, #tpu.memory_space<vmem_shared>>) offsets(%dma_start3A_129 : memref<128xi32, #tpu.memory_space<vmem>>) semaphore(%run_scoped3A : memref<!tpu.dma_semaphore, #tpu.memory_space<semaphore_mem>>) {add = true}
        %dma_wait3A_133 = arith.constant 128 : i32
        %dma_wait3A_134 = tpu.memref_slice %arg14[%dma_wait3A_133] : memref<768xi32, #tpu.memory_space<vmem>> -> memref<128xi32, #tpu.memory_space<vmem>>
        %dma_wait3A_135 = arith.constant 0 : i32
        %dma_wait3A_136 = arith.constant 0 : i32
        %dma_wait3A_137 = tpu.memref_slice %arg9[%dma_wait3A_135, %dma_wait3A_136] : memref<10000x16xf32, #tpu.memory_space<vmem_shared>> -> memref<10000x16xf32, #tpu.memory_space<vmem_shared>>
        tpu.wait_indirect_dma semaphore(%run_scoped3A : memref<!tpu.dma_semaphore, #tpu.memory_space<semaphore_mem>>) src(%arg12 : memref<128x16xf32, #tpu.memory_space<vmem>>) dst(%dma_wait3A_137 : memref<10000x16xf32, #tpu.memory_space<vmem_shared>>)
        tpu.yield
      }) : () -> ()
      %dma_start3A_73 = arith.constant 384 : i32
      %dma_start3A_74 = tpu.memref_slice %arg13[%dma_start3A_73] : memref<768xi32, #tpu.memory_space<vmem>> -> memref<128xi32, #tpu.memory_space<vmem>>
      %dma_start3A_75 = arith.constant 0 : i32
      %dma_start3A_76 = arith.constant 0 : i32
      %dma_start3A_77 = tpu.memref_slice %arg2[%dma_start3A_75, %dma_start3A_76] : memref<10000x64xf32, #tpu.memory_space<hbm>> -> memref<10000x64xf32, #tpu.memory_space<hbm>>
      tpu.enqueue_indirect_dma source(%dma_start3A_77 : memref<10000x64xf32, #tpu.memory_space<hbm>>) target(%arg11 : memref<128x64xf32, #tpu.memory_space<vmem>>) offsets(%dma_start3A_74 : memref<128xi32, #tpu.memory_space<vmem>>) semaphore(%arg17 : memref<!tpu.dma_semaphore, #tpu.memory_space<semaphore_mem>>)
      %dma_wait3A_78 = arith.constant 256 : i32
      %dma_wait3A_79 = tpu.memref_slice %arg13[%dma_wait3A_78] : memref<768xi32, #tpu.memory_space<vmem>> -> memref<128xi32, #tpu.memory_space<vmem>>
      %dma_wait3A_80 = arith.constant 0 : i32
      %dma_wait3A_81 = arith.constant 0 : i32
      %dma_wait3A_82 = tpu.memref_slice %arg2[%dma_wait3A_80, %dma_wait3A_81] : memref<10000x64xf32, #tpu.memory_space<hbm>> -> memref<10000x64xf32, #tpu.memory_space<hbm>>
      tpu.wait_indirect_dma semaphore(%arg16 : memref<!tpu.dma_semaphore, #tpu.memory_space<semaphore_mem>>) src(%dma_wait3A_82 : memref<10000x64xf32, #tpu.memory_space<hbm>>) dst(%arg10 : memref<128x64xf32, #tpu.memory_space<vmem>>)
      %scan3A_83 = arith.constant 0 : i32
      %scan3A_84 = arith.constant 128 : i32
      %scan3A_85 = arith.addi %scan3A_83, %scan3A_84 : i32
      %scan3A_86 = arith.constant 1 : i32
      scf.for %scan3A_128 = %scan3A_83 to %scan3A_85 step %scan3A_86  : i32 {
        %mul3A_129 = arith.constant 1 : i32
        %mul3A_130 = arith.muli %scan3A_128, %mul3A_129 : i32
        %add3A_131 = arith.constant 0 : i32
        %add3A_132 = arith.addi %add3A_131, %mul3A_130 : i32
        %broadcast_in_dim3A = arith.constant 256 : i32
        %broadcast_in_dim3A_133 = vector.broadcast %broadcast_in_dim3A : i32 to vector<16xi32>
        %add3A_134 = vector.broadcast %add3A_132 : i32 to vector<16xi32>
        %add3A_135 = arith.addi %broadcast_in_dim3A_133, %add3A_134 : vector<16xi32>
        %gather3A = tpu.vector_load_idx %arg15[%add3A_135] : memref<768xf32, #tpu.memory_space<vmem>>[vector<16xi32>], vector<16xf32>,
        %get3A = arith.index_cast %add3A_132 : i32 to index
        %get3A_136 = arith.constant 0 : index
        %get3A_137 = tpu.vector_load %arg10[%get3A, %get3A_136] {strides = array<i32>} : memref<128x64xf32, #tpu.memory_space<vmem>>, vector<16xf32>,
        %mul3A_138 = arith.mulf %get3A_137, %gather3A : vector<16xf32>
        %swap3A = arith.index_cast %add3A_132 : i32 to index
        %swap3A_139 = arith.constant 0 : index
        %swap3A_140 = tpu.vector_load %arg10[%swap3A, %swap3A_139] {strides = array<i32>} : memref<128x64xf32, #tpu.memory_space<vmem>>, vector<16xf32>,
        tpu.vector_store %arg10[%swap3A, %swap3A_139], %mul3A_138 {strides = array<i32>} : memref<128x64xf32, #tpu.memory_space<vmem>>, vector<16xf32>,
        %get3A_141 = arith.index_cast %add3A_132 : i32 to index
        %get3A_142 = arith.constant 16 : index
        %get3A_143 = tpu.vector_load %arg10[%get3A_141, %get3A_142] {strides = array<i32>} : memref<128x64xf32, #tpu.memory_space<vmem>>, vector<16xf32>,
        %mul3A_144 = arith.mulf %get3A_143, %gather3A : vector<16xf32>
        %swap3A_145 = arith.index_cast %add3A_132 : i32 to index
        %swap3A_146 = arith.constant 16 : index
        %swap3A_147 = tpu.vector_load %arg10[%swap3A_145, %swap3A_146] {strides = array<i32>} : memref<128x64xf32, #tpu.memory_space<vmem>>, vector<16xf32>,
        tpu.vector_store %arg10[%swap3A_145, %swap3A_146], %mul3A_144 {strides = array<i32>} : memref<128x64xf32, #tpu.memory_space<vmem>>, vector<16xf32>,
        %get3A_148 = arith.index_cast %add3A_132 : i32 to index
        %get3A_149 = arith.constant 32 : index
        %get3A_150 = tpu.vector_load %arg10[%get3A_148, %get3A_149] {strides = array<i32>} : memref<128x64xf32, #tpu.memory_space<vmem>>, vector<16xf32>,
        %mul3A_151 = arith.mulf %get3A_150, %gather3A : vector<16xf32>
        %swap3A_152 = arith.index_cast %add3A_132 : i32 to index
        %swap3A_153 = arith.constant 32 : index
        %swap3A_154 = tpu.vector_load %arg10[%swap3A_152, %swap3A_153] {strides = array<i32>} : memref<128x64xf32, #tpu.memory_space<vmem>>, vector<16xf32>,
        tpu.vector_store %arg10[%swap3A_152, %swap3A_153], %mul3A_151 {strides = array<i32>} : memref<128x64xf32, #tpu.memory_space<vmem>>, vector<16xf32>,
        %get3A_155 = arith.index_cast %add3A_132 : i32 to index
        %get3A_156 = arith.constant 48 : index
        %get3A_157 = tpu.vector_load %arg10[%get3A_155, %get3A_156] {strides = array<i32>} : memref<128x64xf32, #tpu.memory_space<vmem>>, vector<16xf32>,
        %mul3A_158 = arith.mulf %get3A_157, %gather3A : vector<16xf32>
        %swap3A_159 = arith.index_cast %add3A_132 : i32 to index
        %swap3A_160 = arith.constant 48 : index
        %swap3A_161 = tpu.vector_load %arg10[%swap3A_159, %swap3A_160] {strides = array<i32>} : memref<128x64xf32, #tpu.memory_space<vmem>>, vector<16xf32>,
        tpu.vector_store %arg10[%swap3A_159, %swap3A_160], %mul3A_158 {strides = array<i32>} : memref<128x64xf32, #tpu.memory_space<vmem>>, vector<16xf32>,
      }
      %scan3A_87 = arith.constant 128 : i32
      "tpu.region"() ({
        %run_scoped3A = tpu.sem_alloc : memref<!tpu.dma_semaphore, #tpu.memory_space<semaphore_mem>>
        %dma_start3A_128 = arith.constant 256 : i32
        %dma_start3A_129 = tpu.memref_slice %arg14[%dma_start3A_128] : memref<768xi32, #tpu.memory_space<vmem>> -> memref<128xi32, #tpu.memory_space<vmem>>
        %dma_start3A_130 = arith.constant 0 : i32
        %dma_start3A_131 = arith.constant 0 : i32
        %dma_start3A_132 = tpu.memref_slice %arg8[%dma_start3A_130, %dma_start3A_131] : memref<10000x64xf32, #tpu.memory_space<vmem_shared>> -> memref<10000x64xf32, #tpu.memory_space<vmem_shared>>
        tpu.enqueue_indirect_dma source(%arg10 : memref<128x64xf32, #tpu.memory_space<vmem>>) target(%dma_start3A_132 : memref<10000x64xf32, #tpu.memory_space<vmem_shared>>) offsets(%dma_start3A_129 : memref<128xi32, #tpu.memory_space<vmem>>) semaphore(%run_scoped3A : memref<!tpu.dma_semaphore, #tpu.memory_space<semaphore_mem>>) {add = true}
        %dma_wait3A_133 = arith.constant 256 : i32
        %dma_wait3A_134 = tpu.memref_slice %arg14[%dma_wait3A_133] : memref<768xi32, #tpu.memory_space<vmem>> -> memref<128xi32, #tpu.memory_space<vmem>>
        %dma_wait3A_135 = arith.constant 0 : i32
        %dma_wait3A_136 = arith.constant 0 : i32
        %dma_wait3A_137 = tpu.memref_slice %arg8[%dma_wait3A_135, %dma_wait3A_136] : memref<10000x64xf32, #tpu.memory_space<vmem_shared>> -> memref<10000x64xf32, #tpu.memory_space<vmem_shared>>
        tpu.wait_indirect_dma semaphore(%run_scoped3A : memref<!tpu.dma_semaphore, #tpu.memory_space<semaphore_mem>>) src(%arg10 : memref<128x64xf32, #tpu.memory_space<vmem>>) dst(%dma_wait3A_137 : memref<10000x64xf32, #tpu.memory_space<vmem_shared>>)
        tpu.yield
      }) : () -> ()
      "tpu.region"() ({
        %run_scoped3A = tpu.sem_alloc : memref<!tpu.dma_semaphore, #tpu.memory_space<semaphore_mem>>
        %dma_start3A_128 = arith.constant 256 : i32
        %dma_start3A_129 = tpu.memref_slice %arg14[%dma_start3A_128] : memref<768xi32, #tpu.memory_space<vmem>> -> memref<128xi32, #tpu.memory_space<vmem>>
        %dma_start3A_130 = arith.constant 0 : i32
        %dma_start3A_131 = arith.constant 0 : i32
        %dma_start3A_132 = tpu.memref_slice %arg9[%dma_start3A_130, %dma_start3A_131] : memref<10000x16xf32, #tpu.memory_space<vmem_shared>> -> memref<10000x16xf32, #tpu.memory_space<vmem_shared>>
        tpu.enqueue_indirect_dma source(%arg12 : memref<128x16xf32, #tpu.memory_space<vmem>>) target(%dma_start3A_132 : memref<10000x16xf32, #tpu.memory_space<vmem_shared>>) offsets(%dma_start3A_129 : memref<128xi32, #tpu.memory_space<vmem>>) semaphore(%run_scoped3A : memref<!tpu.dma_semaphore, #tpu.memory_space<semaphore_mem>>) {add = true}
        %dma_wait3A_133 = arith.constant 256 : i32
        %dma_wait3A_134 = tpu.memref_slice %arg14[%dma_wait3A_133] : memref<768xi32, #tpu.memory_space<vmem>> -> memref<128xi32, #tpu.memory_space<vmem>>
        %dma_wait3A_135 = arith.constant 0 : i32
        %dma_wait3A_136 = arith.constant 0 : i32
        %dma_wait3A_137 = tpu.memref_slice %arg9[%dma_wait3A_135, %dma_wait3A_136] : memref<10000x16xf32, #tpu.memory_space<vmem_shared>> -> memref<10000x16xf32, #tpu.memory_space<vmem_shared>>
        tpu.wait_indirect_dma semaphore(%run_scoped3A : memref<!tpu.dma_semaphore, #tpu.memory_space<semaphore_mem>>) src(%arg12 : memref<128x16xf32, #tpu.memory_space<vmem>>) dst(%dma_wait3A_137 : memref<10000x16xf32, #tpu.memory_space<vmem_shared>>)
        tpu.yield
      }) : () -> ()
      %dma_start3A_88 = arith.constant 512 : i32
      %dma_start3A_89 = tpu.memref_slice %arg13[%dma_start3A_88] : memref<768xi32, #tpu.memory_space<vmem>> -> memref<128xi32, #tpu.memory_space<vmem>>
      %dma_start3A_90 = arith.constant 0 : i32
      %dma_start3A_91 = arith.constant 0 : i32
      %dma_start3A_92 = tpu.memref_slice %arg2[%dma_start3A_90, %dma_start3A_91] : memref<10000x64xf32, #tpu.memory_space<hbm>> -> memref<10000x64xf32, #tpu.memory_space<hbm>>
      tpu.enqueue_indirect_dma source(%dma_start3A_92 : memref<10000x64xf32, #tpu.memory_space<hbm>>) target(%arg10 : memref<128x64xf32, #tpu.memory_space<vmem>>) offsets(%dma_start3A_89 : memref<128xi32, #tpu.memory_space<vmem>>) semaphore(%arg16 : memref<!tpu.dma_semaphore, #tpu.memory_space<semaphore_mem>>)
      %dma_wait3A_93 = arith.constant 384 : i32
      %dma_wait3A_94 = tpu.memref_slice %arg13[%dma_wait3A_93] : memref<768xi32, #tpu.memory_space<vmem>> -> memref<128xi32, #tpu.memory_space<vmem>>
      %dma_wait3A_95 = arith.constant 0 : i32
      %dma_wait3A_96 = arith.constant 0 : i32
      %dma_wait3A_97 = tpu.memref_slice %arg2[%dma_wait3A_95, %dma_wait3A_96] : memref<10000x64xf32, #tpu.memory_space<hbm>> -> memref<10000x64xf32, #tpu.memory_space<hbm>>
      tpu.wait_indirect_dma semaphore(%arg17 : memref<!tpu.dma_semaphore, #tpu.memory_space<semaphore_mem>>) src(%dma_wait3A_97 : memref<10000x64xf32, #tpu.memory_space<hbm>>) dst(%arg11 : memref<128x64xf32, #tpu.memory_space<vmem>>)
      %scan3A_98 = arith.constant 0 : i32
      %scan3A_99 = arith.constant 128 : i32
      %scan3A_100 = arith.addi %scan3A_98, %scan3A_99 : i32
      %scan3A_101 = arith.constant 1 : i32
      scf.for %scan3A_128 = %scan3A_98 to %scan3A_100 step %scan3A_101  : i32 {
        %mul3A_129 = arith.constant 1 : i32
        %mul3A_130 = arith.muli %scan3A_128, %mul3A_129 : i32
        %add3A_131 = arith.constant 0 : i32
        %add3A_132 = arith.addi %add3A_131, %mul3A_130 : i32
        %broadcast_in_dim3A = arith.constant 384 : i32
        %broadcast_in_dim3A_133 = vector.broadcast %broadcast_in_dim3A : i32 to vector<16xi32>
        %add3A_134 = vector.broadcast %add3A_132 : i32 to vector<16xi32>
        %add3A_135 = arith.addi %broadcast_in_dim3A_133, %add3A_134 : vector<16xi32>
        %gather3A = tpu.vector_load_idx %arg15[%add3A_135] : memref<768xf32, #tpu.memory_space<vmem>>[vector<16xi32>], vector<16xf32>,
        %get3A = arith.index_cast %add3A_132 : i32 to index
        %get3A_136 = arith.constant 0 : index
        %get3A_137 = tpu.vector_load %arg11[%get3A, %get3A_136] {strides = array<i32>} : memref<128x64xf32, #tpu.memory_space<vmem>>, vector<16xf32>,
        %mul3A_138 = arith.mulf %get3A_137, %gather3A : vector<16xf32>
        %swap3A = arith.index_cast %add3A_132 : i32 to index
        %swap3A_139 = arith.constant 0 : index
        %swap3A_140 = tpu.vector_load %arg11[%swap3A, %swap3A_139] {strides = array<i32>} : memref<128x64xf32, #tpu.memory_space<vmem>>, vector<16xf32>,
        tpu.vector_store %arg11[%swap3A, %swap3A_139], %mul3A_138 {strides = array<i32>} : memref<128x64xf32, #tpu.memory_space<vmem>>, vector<16xf32>,
        %get3A_141 = arith.index_cast %add3A_132 : i32 to index
        %get3A_142 = arith.constant 16 : index
        %get3A_143 = tpu.vector_load %arg11[%get3A_141, %get3A_142] {strides = array<i32>} : memref<128x64xf32, #tpu.memory_space<vmem>>, vector<16xf32>,
        %mul3A_144 = arith.mulf %get3A_143, %gather3A : vector<16xf32>
        %swap3A_145 = arith.index_cast %add3A_132 : i32 to index
        %swap3A_146 = arith.constant 16 : index
        %swap3A_147 = tpu.vector_load %arg11[%swap3A_145, %swap3A_146] {strides = array<i32>} : memref<128x64xf32, #tpu.memory_space<vmem>>, vector<16xf32>,
        tpu.vector_store %arg11[%swap3A_145, %swap3A_146], %mul3A_144 {strides = array<i32>} : memref<128x64xf32, #tpu.memory_space<vmem>>, vector<16xf32>,
        %get3A_148 = arith.index_cast %add3A_132 : i32 to index
        %get3A_149 = arith.constant 32 : index
        %get3A_150 = tpu.vector_load %arg11[%get3A_148, %get3A_149] {strides = array<i32>} : memref<128x64xf32, #tpu.memory_space<vmem>>, vector<16xf32>,
        %mul3A_151 = arith.mulf %get3A_150, %gather3A : vector<16xf32>
        %swap3A_152 = arith.index_cast %add3A_132 : i32 to index
        %swap3A_153 = arith.constant 32 : index
        %swap3A_154 = tpu.vector_load %arg11[%swap3A_152, %swap3A_153] {strides = array<i32>} : memref<128x64xf32, #tpu.memory_space<vmem>>, vector<16xf32>,
        tpu.vector_store %arg11[%swap3A_152, %swap3A_153], %mul3A_151 {strides = array<i32>} : memref<128x64xf32, #tpu.memory_space<vmem>>, vector<16xf32>,
        %get3A_155 = arith.index_cast %add3A_132 : i32 to index
        %get3A_156 = arith.constant 48 : index
        %get3A_157 = tpu.vector_load %arg11[%get3A_155, %get3A_156] {strides = array<i32>} : memref<128x64xf32, #tpu.memory_space<vmem>>, vector<16xf32>,
        %mul3A_158 = arith.mulf %get3A_157, %gather3A : vector<16xf32>
        %swap3A_159 = arith.index_cast %add3A_132 : i32 to index
        %swap3A_160 = arith.constant 48 : index
        %swap3A_161 = tpu.vector_load %arg11[%swap3A_159, %swap3A_160] {strides = array<i32>} : memref<128x64xf32, #tpu.memory_space<vmem>>, vector<16xf32>,
        tpu.vector_store %arg11[%swap3A_159, %swap3A_160], %mul3A_158 {strides = array<i32>} : memref<128x64xf32, #tpu.memory_space<vmem>>, vector<16xf32>,
      }
      %scan3A_102 = arith.constant 128 : i32
      "tpu.region"() ({
        %run_scoped3A = tpu.sem_alloc : memref<!tpu.dma_semaphore, #tpu.memory_space<semaphore_mem>>
        %dma_start3A_128 = arith.constant 384 : i32
        %dma_start3A_129 = tpu.memref_slice %arg14[%dma_start3A_128] : memref<768xi32, #tpu.memory_space<vmem>> -> memref<128xi32, #tpu.memory_space<vmem>>
        %dma_start3A_130 = arith.constant 0 : i32
        %dma_start3A_131 = arith.constant 0 : i32
        %dma_start3A_132 = tpu.memref_slice %arg8[%dma_start3A_130, %dma_start3A_131] : memref<10000x64xf32, #tpu.memory_space<vmem_shared>> -> memref<10000x64xf32, #tpu.memory_space<vmem_shared>>
        tpu.enqueue_indirect_dma source(%arg11 : memref<128x64xf32, #tpu.memory_space<vmem>>) target(%dma_start3A_132 : memref<10000x64xf32, #tpu.memory_space<vmem_shared>>) offsets(%dma_start3A_129 : memref<128xi32, #tpu.memory_space<vmem>>) semaphore(%run_scoped3A : memref<!tpu.dma_semaphore, #tpu.memory_space<semaphore_mem>>) {add = true}
        %dma_wait3A_133 = arith.constant 384 : i32
        %dma_wait3A_134 = tpu.memref_slice %arg14[%dma_wait3A_133] : memref<768xi32, #tpu.memory_space<vmem>> -> memref<128xi32, #tpu.memory_space<vmem>>
        %dma_wait3A_135 = arith.constant 0 : i32
        %dma_wait3A_136 = arith.constant 0 : i32
        %dma_wait3A_137 = tpu.memref_slice %arg8[%dma_wait3A_135, %dma_wait3A_136] : memref<10000x64xf32, #tpu.memory_space<vmem_shared>> -> memref<10000x64xf32, #tpu.memory_space<vmem_shared>>
        tpu.wait_indirect_dma semaphore(%run_scoped3A : memref<!tpu.dma_semaphore, #tpu.memory_space<semaphore_mem>>) src(%arg11 : memref<128x64xf32, #tpu.memory_space<vmem>>) dst(%dma_wait3A_137 : memref<10000x64xf32, #tpu.memory_space<vmem_shared>>)
        tpu.yield
      }) : () -> ()
      "tpu.region"() ({
        %run_scoped3A = tpu.sem_alloc : memref<!tpu.dma_semaphore, #tpu.memory_space<semaphore_mem>>
        %dma_start3A_128 = arith.constant 384 : i32
        %dma_start3A_129 = tpu.memref_slice %arg14[%dma_start3A_128] : memref<768xi32, #tpu.memory_space<vmem>> -> memref<128xi32, #tpu.memory_space<vmem>>
        %dma_start3A_130 = arith.constant 0 : i32
        %dma_start3A_131 = arith.constant 0 : i32
        %dma_start3A_132 = tpu.memref_slice %arg9[%dma_start3A_130, %dma_start3A_131] : memref<10000x16xf32, #tpu.memory_space<vmem_shared>> -> memref<10000x16xf32, #tpu.memory_space<vmem_shared>>
        tpu.enqueue_indirect_dma source(%arg12 : memref<128x16xf32, #tpu.memory_space<vmem>>) target(%dma_start3A_132 : memref<10000x16xf32, #tpu.memory_space<vmem_shared>>) offsets(%dma_start3A_129 : memref<128xi32, #tpu.memory_space<vmem>>) semaphore(%run_scoped3A : memref<!tpu.dma_semaphore, #tpu.memory_space<semaphore_mem>>) {add = true}
        %dma_wait3A_133 = arith.constant 384 : i32
        %dma_wait3A_134 = tpu.memref_slice %arg14[%dma_wait3A_133] : memref<768xi32, #tpu.memory_space<vmem>> -> memref<128xi32, #tpu.memory_space<vmem>>
        %dma_wait3A_135 = arith.constant 0 : i32
        %dma_wait3A_136 = arith.constant 0 : i32
        %dma_wait3A_137 = tpu.memref_slice %arg9[%dma_wait3A_135, %dma_wait3A_136] : memref<10000x16xf32, #tpu.memory_space<vmem_shared>> -> memref<10000x16xf32, #tpu.memory_space<vmem_shared>>
        tpu.wait_indirect_dma semaphore(%run_scoped3A : memref<!tpu.dma_semaphore, #tpu.memory_space<semaphore_mem>>) src(%arg12 : memref<128x16xf32, #tpu.memory_space<vmem>>) dst(%dma_wait3A_137 : memref<10000x16xf32, #tpu.memory_space<vmem_shared>>)
        tpu.yield
      }) : () -> ()
      %dma_start3A_103 = arith.constant 640 : i32
      %dma_start3A_104 = tpu.memref_slice %arg13[%dma_start3A_103] : memref<768xi32, #tpu.memory_space<vmem>> -> memref<128xi32, #tpu.memory_space<vmem>>
      %dma_start3A_105 = arith.constant 0 : i32
      %dma_start3A_106 = arith.constant 0 : i32
      %dma_start3A_107 = tpu.memref_slice %arg2[%dma_start3A_105, %dma_start3A_106] : memref<10000x64xf32, #tpu.memory_space<hbm>> -> memref<10000x64xf32, #tpu.memory_space<hbm>>
      tpu.enqueue_indirect_dma source(%dma_start3A_107 : memref<10000x64xf32, #tpu.memory_space<hbm>>) target(%arg11 : memref<128x64xf32, #tpu.memory_space<vmem>>) offsets(%dma_start3A_104 : memref<128xi32, #tpu.memory_space<vmem>>) semaphore(%arg17 : memref<!tpu.dma_semaphore, #tpu.memory_space<semaphore_mem>>)
      %dma_wait3A_108 = arith.constant 512 : i32
      %dma_wait3A_109 = tpu.memref_slice %arg13[%dma_wait3A_108] : memref<768xi32, #tpu.memory_space<vmem>> -> memref<128xi32, #tpu.memory_space<vmem>>
      %dma_wait3A_110 = arith.constant 0 : i32
      %dma_wait3A_111 = arith.constant 0 : i32
      %dma_wait3A_112 = tpu.memref_slice %arg2[%dma_wait3A_110, %dma_wait3A_111] : memref<10000x64xf32, #tpu.memory_space<hbm>> -> memref<10000x64xf32, #tpu.memory_space<hbm>>
      tpu.wait_indirect_dma semaphore(%arg16 : memref<!tpu.dma_semaphore, #tpu.memory_space<semaphore_mem>>) src(%dma_wait3A_112 : memref<10000x64xf32, #tpu.memory_space<hbm>>) dst(%arg10 : memref<128x64xf32, #tpu.memory_space<vmem>>)
      %scan3A_113 = arith.constant 0 : i32
      %scan3A_114 = arith.constant 128 : i32
      %scan3A_115 = arith.addi %scan3A_113, %scan3A_114 : i32
      %scan3A_116 = arith.constant 1 : i32
      scf.for %scan3A_128 = %scan3A_113 to %scan3A_115 step %scan3A_116  : i32 {
        %mul3A_129 = arith.constant 1 : i32
        %mul3A_130 = arith.muli %scan3A_128, %mul3A_129 : i32
        %add3A_131 = arith.constant 0 : i32
        %add3A_132 = arith.addi %add3A_131, %mul3A_130 : i32
        %broadcast_in_dim3A = arith.constant 512 : i32
        %broadcast_in_dim3A_133 = vector.broadcast %broadcast_in_dim3A : i32 to vector<16xi32>
        %add3A_134 = vector.broadcast %add3A_132 : i32 to vector<16xi32>
        %add3A_135 = arith.addi %broadcast_in_dim3A_133, %add3A_134 : vector<16xi32>
        %gather3A = tpu.vector_load_idx %arg15[%add3A_135] : memref<768xf32, #tpu.memory_space<vmem>>[vector<16xi32>], vector<16xf32>,
        %get3A = arith.index_cast %add3A_132 : i32 to index
        %get3A_136 = arith.constant 0 : index
        %get3A_137 = tpu.vector_load %arg10[%get3A, %get3A_136] {strides = array<i32>} : memref<128x64xf32, #tpu.memory_space<vmem>>, vector<16xf32>,
        %mul3A_138 = arith.mulf %get3A_137, %gather3A : vector<16xf32>
        %swap3A = arith.index_cast %add3A_132 : i32 to index
        %swap3A_139 = arith.constant 0 : index
        %swap3A_140 = tpu.vector_load %arg10[%swap3A, %swap3A_139] {strides = array<i32>} : memref<128x64xf32, #tpu.memory_space<vmem>>, vector<16xf32>,
        tpu.vector_store %arg10[%swap3A, %swap3A_139], %mul3A_138 {strides = array<i32>} : memref<128x64xf32, #tpu.memory_space<vmem>>, vector<16xf32>,
        %get3A_141 = arith.index_cast %add3A_132 : i32 to index
        %get3A_142 = arith.constant 16 : index
        %get3A_143 = tpu.vector_load %arg10[%get3A_141, %get3A_142] {strides = array<i32>} : memref<128x64xf32, #tpu.memory_space<vmem>>, vector<16xf32>,
        %mul3A_144 = arith.mulf %get3A_143, %gather3A : vector<16xf32>
        %swap3A_145 = arith.index_cast %add3A_132 : i32 to index
        %swap3A_146 = arith.constant 16 : index
        %swap3A_147 = tpu.vector_load %arg10[%swap3A_145, %swap3A_146] {strides = array<i32>} : memref<128x64xf32, #tpu.memory_space<vmem>>, vector<16xf32>,
        tpu.vector_store %arg10[%swap3A_145, %swap3A_146], %mul3A_144 {strides = array<i32>} : memref<128x64xf32, #tpu.memory_space<vmem>>, vector<16xf32>,
        %get3A_148 = arith.index_cast %add3A_132 : i32 to index
        %get3A_149 = arith.constant 32 : index
        %get3A_150 = tpu.vector_load %arg10[%get3A_148, %get3A_149] {strides = array<i32>} : memref<128x64xf32, #tpu.memory_space<vmem>>, vector<16xf32>,
        %mul3A_151 = arith.mulf %get3A_150, %gather3A : vector<16xf32>
        %swap3A_152 = arith.index_cast %add3A_132 : i32 to index
        %swap3A_153 = arith.constant 32 : index
        %swap3A_154 = tpu.vector_load %arg10[%swap3A_152, %swap3A_153] {strides = array<i32>} : memref<128x64xf32, #tpu.memory_space<vmem>>, vector<16xf32>,
        tpu.vector_store %arg10[%swap3A_152, %swap3A_153], %mul3A_151 {strides = array<i32>} : memref<128x64xf32, #tpu.memory_space<vmem>>, vector<16xf32>,
        %get3A_155 = arith.index_cast %add3A_132 : i32 to index
        %get3A_156 = arith.constant 48 : index
        %get3A_157 = tpu.vector_load %arg10[%get3A_155, %get3A_156] {strides = array<i32>} : memref<128x64xf32, #tpu.memory_space<vmem>>, vector<16xf32>,
        %mul3A_158 = arith.mulf %get3A_157, %gather3A : vector<16xf32>
        %swap3A_159 = arith.index_cast %add3A_132 : i32 to index
        %swap3A_160 = arith.constant 48 : index
        %swap3A_161 = tpu.vector_load %arg10[%swap3A_159, %swap3A_160] {strides = array<i32>} : memref<128x64xf32, #tpu.memory_space<vmem>>, vector<16xf32>,
        tpu.vector_store %arg10[%swap3A_159, %swap3A_160], %mul3A_158 {strides = array<i32>} : memref<128x64xf32, #tpu.memory_space<vmem>>, vector<16xf32>,
      }
      %scan3A_117 = arith.constant 128 : i32
      "tpu.region"() ({
        %run_scoped3A = tpu.sem_alloc : memref<!tpu.dma_semaphore, #tpu.memory_space<semaphore_mem>>
        %dma_start3A_128 = arith.constant 512 : i32
        %dma_start3A_129 = tpu.memref_slice %arg14[%dma_start3A_128] : memref<768xi32, #tpu.memory_space<vmem>> -> memref<128xi32, #tpu.memory_space<vmem>>
        %dma_start3A_130 = arith.constant 0 : i32
        %dma_start3A_131 = arith.constant 0 : i32
        %dma_start3A_132 = tpu.memref_slice %arg8[%dma_start3A_130, %dma_start3A_131] : memref<10000x64xf32, #tpu.memory_space<vmem_shared>> -> memref<10000x64xf32, #tpu.memory_space<vmem_shared>>
        tpu.enqueue_indirect_dma source(%arg10 : memref<128x64xf32, #tpu.memory_space<vmem>>) target(%dma_start3A_132 : memref<10000x64xf32, #tpu.memory_space<vmem_shared>>) offsets(%dma_start3A_129 : memref<128xi32, #tpu.memory_space<vmem>>) semaphore(%run_scoped3A : memref<!tpu.dma_semaphore, #tpu.memory_space<semaphore_mem>>) {add = true}
        %dma_wait3A_133 = arith.constant 512 : i32
        %dma_wait3A_134 = tpu.memref_slice %arg14[%dma_wait3A_133] : memref<768xi32, #tpu.memory_space<vmem>> -> memref<128xi32, #tpu.memory_space<vmem>>
        %dma_wait3A_135 = arith.constant 0 : i32
        %dma_wait3A_136 = arith.constant 0 : i32
        %dma_wait3A_137 = tpu.memref_slice %arg8[%dma_wait3A_135, %dma_wait3A_136] : memref<10000x64xf32, #tpu.memory_space<vmem_shared>> -> memref<10000x64xf32, #tpu.memory_space<vmem_shared>>
        tpu.wait_indirect_dma semaphore(%run_scoped3A : memref<!tpu.dma_semaphore, #tpu.memory_space<semaphore_mem>>) src(%arg10 : memref<128x64xf32, #tpu.memory_space<vmem>>) dst(%dma_wait3A_137 : memref<10000x64xf32, #tpu.memory_space<vmem_shared>>)
        tpu.yield
      }) : () -> ()
      "tpu.region"() ({
        %run_scoped3A = tpu.sem_alloc : memref<!tpu.dma_semaphore, #tpu.memory_space<semaphore_mem>>
        %dma_start3A_128 = arith.constant 512 : i32
        %dma_start3A_129 = tpu.memref_slice %arg14[%dma_start3A_128] : memref<768xi32, #tpu.memory_space<vmem>> -> memref<128xi32, #tpu.memory_space<vmem>>
        %dma_start3A_130 = arith.constant 0 : i32
        %dma_start3A_131 = arith.constant 0 : i32
        %dma_start3A_132 = tpu.memref_slice %arg9[%dma_start3A_130, %dma_start3A_131] : memref<10000x16xf32, #tpu.memory_space<vmem_shared>> -> memref<10000x16xf32, #tpu.memory_space<vmem_shared>>
        tpu.enqueue_indirect_dma source(%arg12 : memref<128x16xf32, #tpu.memory_space<vmem>>) target(%dma_start3A_132 : memref<10000x16xf32, #tpu.memory_space<vmem_shared>>) offsets(%dma_start3A_129 : memref<128xi32, #tpu.memory_space<vmem>>) semaphore(%run_scoped3A : memref<!tpu.dma_semaphore, #tpu.memory_space<semaphore_mem>>) {add = true}
        %dma_wait3A_133 = arith.constant 512 : i32
        %dma_wait3A_134 = tpu.memref_slice %arg14[%dma_wait3A_133] : memref<768xi32, #tpu.memory_space<vmem>> -> memref<128xi32, #tpu.memory_space<vmem>>
        %dma_wait3A_135 = arith.constant 0 : i32
        %dma_wait3A_136 = arith.constant 0 : i32
        %dma_wait3A_137 = tpu.memref_slice %arg9[%dma_wait3A_135, %dma_wait3A_136] : memref<10000x16xf32, #tpu.memory_space<vmem_shared>> -> memref<10000x16xf32, #tpu.memory_space<vmem_shared>>
        tpu.wait_indirect_dma semaphore(%run_scoped3A : memref<!tpu.dma_semaphore, #tpu.memory_space<semaphore_mem>>) src(%arg12 : memref<128x16xf32, #tpu.memory_space<vmem>>) dst(%dma_wait3A_137 : memref<10000x16xf32, #tpu.memory_space<vmem_shared>>)
        tpu.yield
      }) : () -> ()
      %dma_wait3A_118 = arith.constant 640 : i32
      %dma_wait3A_119 = tpu.memref_slice %arg13[%dma_wait3A_118] : memref<768xi32, #tpu.memory_space<vmem>> -> memref<128xi32, #tpu.memory_space<vmem>>
      %dma_wait3A_120 = arith.constant 0 : i32
      %dma_wait3A_121 = arith.constant 0 : i32
      %dma_wait3A_122 = tpu.memref_slice %arg2[%dma_wait3A_120, %dma_wait3A_121] : memref<10000x64xf32, #tpu.memory_space<hbm>> -> memref<10000x64xf32, #tpu.memory_space<hbm>>
      tpu.wait_indirect_dma semaphore(%arg17 : memref<!tpu.dma_semaphore, #tpu.memory_space<semaphore_mem>>) src(%dma_wait3A_122 : memref<10000x64xf32, #tpu.memory_space<hbm>>) dst(%arg11 : memref<128x64xf32, #tpu.memory_space<vmem>>)
      %scan3A_123 = arith.constant 0 : i32
      %scan3A_124 = arith.constant 128 : i32
      %scan3A_125 = arith.addi %scan3A_123, %scan3A_124 : i32
      %scan3A_126 = arith.constant 1 : i32
      scf.for %scan3A_128 = %scan3A_123 to %scan3A_125 step %scan3A_126  : i32 {
        %mul3A_129 = arith.constant 1 : i32
        %mul3A_130 = arith.muli %scan3A_128, %mul3A_129 : i32
        %add3A_131 = arith.constant 0 : i32
        %add3A_132 = arith.addi %add3A_131, %mul3A_130 : i32
        %broadcast_in_dim3A = arith.constant 640 : i32
        %broadcast_in_dim3A_133 = vector.broadcast %broadcast_in_dim3A : i32 to vector<16xi32>
        %add3A_134 = vector.broadcast %add3A_132 : i32 to vector<16xi32>
        %add3A_135 = arith.addi %broadcast_in_dim3A_133, %add3A_134 : vector<16xi32>
        %gather3A = tpu.vector_load_idx %arg15[%add3A_135] : memref<768xf32, #tpu.memory_space<vmem>>[vector<16xi32>], vector<16xf32>,
        %get3A = arith.index_cast %add3A_132 : i32 to index
        %get3A_136 = arith.constant 0 : index
        %get3A_137 = tpu.vector_load %arg11[%get3A, %get3A_136] {strides = array<i32>} : memref<128x64xf32, #tpu.memory_space<vmem>>, vector<16xf32>,
        %mul3A_138 = arith.mulf %get3A_137, %gather3A : vector<16xf32>
        %swap3A = arith.index_cast %add3A_132 : i32 to index
        %swap3A_139 = arith.constant 0 : index
        %swap3A_140 = tpu.vector_load %arg11[%swap3A, %swap3A_139] {strides = array<i32>} : memref<128x64xf32, #tpu.memory_space<vmem>>, vector<16xf32>,
        tpu.vector_store %arg11[%swap3A, %swap3A_139], %mul3A_138 {strides = array<i32>} : memref<128x64xf32, #tpu.memory_space<vmem>>, vector<16xf32>,
        %get3A_141 = arith.index_cast %add3A_132 : i32 to index
        %get3A_142 = arith.constant 16 : index
        %get3A_143 = tpu.vector_load %arg11[%get3A_141, %get3A_142] {strides = array<i32>} : memref<128x64xf32, #tpu.memory_space<vmem>>, vector<16xf32>,
        %mul3A_144 = arith.mulf %get3A_143, %gather3A : vector<16xf32>
        %swap3A_145 = arith.index_cast %add3A_132 : i32 to index
        %swap3A_146 = arith.constant 16 : index
        %swap3A_147 = tpu.vector_load %arg11[%swap3A_145, %swap3A_146] {strides = array<i32>} : memref<128x64xf32, #tpu.memory_space<vmem>>, vector<16xf32>,
        tpu.vector_store %arg11[%swap3A_145, %swap3A_146], %mul3A_144 {strides = array<i32>} : memref<128x64xf32, #tpu.memory_space<vmem>>, vector<16xf32>,
        %get3A_148 = arith.index_cast %add3A_132 : i32 to index
        %get3A_149 = arith.constant 32 : index
        %get3A_150 = tpu.vector_load %arg11[%get3A_148, %get3A_149] {strides = array<i32>} : memref<128x64xf32, #tpu.memory_space<vmem>>, vector<16xf32>,
        %mul3A_151 = arith.mulf %get3A_150, %gather3A : vector<16xf32>
        %swap3A_152 = arith.index_cast %add3A_132 : i32 to index
        %swap3A_153 = arith.constant 32 : index
        %swap3A_154 = tpu.vector_load %arg11[%swap3A_152, %swap3A_153] {strides = array<i32>} : memref<128x64xf32, #tpu.memory_space<vmem>>, vector<16xf32>,
        tpu.vector_store %arg11[%swap3A_152, %swap3A_153], %mul3A_151 {strides = array<i32>} : memref<128x64xf32, #tpu.memory_space<vmem>>, vector<16xf32>,
        %get3A_155 = arith.index_cast %add3A_132 : i32 to index
        %get3A_156 = arith.constant 48 : index
        %get3A_157 = tpu.vector_load %arg11[%get3A_155, %get3A_156] {strides = array<i32>} : memref<128x64xf32, #tpu.memory_space<vmem>>, vector<16xf32>,
        %mul3A_158 = arith.mulf %get3A_157, %gather3A : vector<16xf32>
        %swap3A_159 = arith.index_cast %add3A_132 : i32 to index
        %swap3A_160 = arith.constant 48 : index
        %swap3A_161 = tpu.vector_load %arg11[%swap3A_159, %swap3A_160] {strides = array<i32>} : memref<128x64xf32, #tpu.memory_space<vmem>>, vector<16xf32>,
        tpu.vector_store %arg11[%swap3A_159, %swap3A_160], %mul3A_158 {strides = array<i32>} : memref<128x64xf32, #tpu.memory_space<vmem>>, vector<16xf32>,
      }
      %scan3A_127 = arith.constant 128 : i32
      "tpu.region"() ({
        %run_scoped3A = tpu.sem_alloc : memref<!tpu.dma_semaphore, #tpu.memory_space<semaphore_mem>>
        %dma_start3A_128 = arith.constant 640 : i32
        %dma_start3A_129 = tpu.memref_slice %arg14[%dma_start3A_128] : memref<768xi32, #tpu.memory_space<vmem>> -> memref<128xi32, #tpu.memory_space<vmem>>
        %dma_start3A_130 = arith.constant 0 : i32
        %dma_start3A_131 = arith.constant 0 : i32
        %dma_start3A_132 = tpu.memref_slice %arg8[%dma_start3A_130, %dma_start3A_131] : memref<10000x64xf32, #tpu.memory_space<vmem_shared>> -> memref<10000x64xf32, #tpu.memory_space<vmem_shared>>
        tpu.enqueue_indirect_dma source(%arg11 : memref<128x64xf32, #tpu.memory_space<vmem>>) target(%dma_start3A_132 : memref<10000x64xf32, #tpu.memory_space<vmem_shared>>) offsets(%dma_start3A_129 : memref<128xi32, #tpu.memory_space<vmem>>) semaphore(%run_scoped3A : memref<!tpu.dma_semaphore, #tpu.memory_space<semaphore_mem>>) {add = true}
        %dma_wait3A_133 = arith.constant 640 : i32
        %dma_wait3A_134 = tpu.memref_slice %arg14[%dma_wait3A_133] : memref<768xi32, #tpu.memory_space<vmem>> -> memref<128xi32, #tpu.memory_space<vmem>>
        %dma_wait3A_135 = arith.constant 0 : i32
        %dma_wait3A_136 = arith.constant 0 : i32
        %dma_wait3A_137 = tpu.memref_slice %arg8[%dma_wait3A_135, %dma_wait3A_136] : memref<10000x64xf32, #tpu.memory_space<vmem_shared>> -> memref<10000x64xf32, #tpu.memory_space<vmem_shared>>
        tpu.wait_indirect_dma semaphore(%run_scoped3A : memref<!tpu.dma_semaphore, #tpu.memory_space<semaphore_mem>>) src(%arg11 : memref<128x64xf32, #tpu.memory_space<vmem>>) dst(%dma_wait3A_137 : memref<10000x64xf32, #tpu.memory_space<vmem_shared>>)
        tpu.yield
      }) : () -> ()
      "tpu.region"() ({
        %run_scoped3A = tpu.sem_alloc : memref<!tpu.dma_semaphore, #tpu.memory_space<semaphore_mem>>
        %dma_start3A_128 = arith.constant 640 : i32
        %dma_start3A_129 = tpu.memref_slice %arg14[%dma_start3A_128] : memref<768xi32, #tpu.memory_space<vmem>> -> memref<128xi32, #tpu.memory_space<vmem>>
        %dma_start3A_130 = arith.constant 0 : i32
        %dma_start3A_131 = arith.constant 0 : i32
        %dma_start3A_132 = tpu.memref_slice %arg9[%dma_start3A_130, %dma_start3A_131] : memref<10000x16xf32, #tpu.memory_space<vmem_shared>> -> memref<10000x16xf32, #tpu.memory_space<vmem_shared>>
        tpu.enqueue_indirect_dma source(%arg12 : memref<128x16xf32, #tpu.memory_space<vmem>>) target(%dma_start3A_132 : memref<10000x16xf32, #tpu.memory_space<vmem_shared>>) offsets(%dma_start3A_129 : memref<128xi32, #tpu.memory_space<vmem>>) semaphore(%run_scoped3A : memref<!tpu.dma_semaphore, #tpu.memory_space<semaphore_mem>>) {add = true}
        %dma_wait3A_133 = arith.constant 640 : i32
        %dma_wait3A_134 = tpu.memref_slice %arg14[%dma_wait3A_133] : memref<768xi32, #tpu.memory_space<vmem>> -> memref<128xi32, #tpu.memory_space<vmem>>
        %dma_wait3A_135 = arith.constant 0 : i32
        %dma_wait3A_136 = arith.constant 0 : i32
        %dma_wait3A_137 = tpu.memref_slice %arg9[%dma_wait3A_135, %dma_wait3A_136] : memref<10000x16xf32, #tpu.memory_space<vmem_shared>> -> memref<10000x16xf32, #tpu.memory_space<vmem_shared>>
        tpu.wait_indirect_dma semaphore(%run_scoped3A : memref<!tpu.dma_semaphore, #tpu.memory_space<semaphore_mem>>) src(%arg12 : memref<128x16xf32, #tpu.memory_space<vmem>>) dst(%dma_wait3A_137 : memref<10000x16xf32, #tpu.memory_space<vmem_shared>>)
        tpu.yield
      }) : () -> ()
    }
    %scan3A_19 = arith.constant 13 : i32
    %lt3A = arith.constant 4 : i32
    %lt3A_20 = arith.cmpi slt, %add3A, %lt3A : i32
    %convert_element_type3A = arith.extui %lt3A_20 : i1 to i32
    %cond3A = arith.constant 0 : i32
    %cond3A_21 = arith.cmpi ne, %convert_element_type3A, %cond3A : i32
    scf.if %cond3A_21 {
      %add3A_28 = arith.constant 2496 : i32
      %add3A_29 = arith.addi %add3A_28, %add3A : i32
      %mul3A_30 = arith.constant 128 : i32
      %mul3A_31 = arith.muli %add3A_29, %mul3A_30 : i32
      "tpu.region"() ({
        %run_scoped3A = tpu.sem_alloc : memref<!tpu.dma_semaphore, #tpu.memory_space<semaphore_mem>>
        %dma_start3A_45 = arith.constant 0 : i32
        %dma_start3A_46 = tpu.memref_slice %arg13[%dma_start3A_45] : memref<768xi32, #tpu.memory_space<vmem>> -> memref<128xi32, #tpu.memory_space<vmem>>
        %dma_start3A_47 = tpu.memref_slice %arg3[%mul3A_31] : memref<320000xi32, #tpu.memory_space<hbm>> -> memref<128xi32, #tpu.memory_space<hbm>>
        %dma_start3A_48 = arith.constant 0 : i32
        %dma_start3A_49 = tpu.memref_slice %arg13[%dma_start3A_48] : memref<768xi32, #tpu.memory_space<vmem>> -> memref<128xi32, #tpu.memory_space<vmem>>
        %dma_start3A_50 = tpu.memref_slice %arg3[%mul3A_31] : memref<320000xi32, #tpu.memory_space<hbm>> -> memref<128xi32, #tpu.memory_space<hbm>>
        tpu.enqueue_dma source(%dma_start3A_50 : memref<128xi32, #tpu.memory_space<hbm>>) target(%dma_start3A_49 : memref<128xi32, #tpu.memory_space<vmem>>) target_semaphore(%run_scoped3A : memref<!tpu.dma_semaphore, #tpu.memory_space<semaphore_mem>>)
        %dma_wait3A_51 = arith.constant 0 : i32
        %dma_wait3A_52 = tpu.memref_slice %arg13[%dma_wait3A_51] : memref<768xi32, #tpu.memory_space<vmem>> -> memref<128xi32, #tpu.memory_space<vmem>>
        %dma_wait3A_53 = tpu.memref_slice %arg3[%mul3A_31] : memref<320000xi32, #tpu.memory_space<hbm>> -> memref<128xi32, #tpu.memory_space<hbm>>
        %dma_wait3A_54 = arith.constant 0 : i32
        %dma_wait3A_55 = tpu.memref_slice %arg13[%dma_wait3A_54] : memref<768xi32, #tpu.memory_space<vmem>> -> memref<128xi32, #tpu.memory_space<vmem>>
        %dma_wait3A_56 = tpu.memref_slice %arg3[%mul3A_31] : memref<320000xi32, #tpu.memory_space<hbm>> -> memref<128xi32, #tpu.memory_space<hbm>>
        tpu.wait_dma2 semaphore(%run_scoped3A : memref<!tpu.dma_semaphore, #tpu.memory_space<semaphore_mem>>) src(%dma_wait3A_56 : memref<128xi32, #tpu.memory_space<hbm>>) dst(%dma_wait3A_55 : memref<128xi32, #tpu.memory_space<vmem>>)
        tpu.yield
      }) : () -> ()
      "tpu.region"() ({
        %run_scoped3A = tpu.sem_alloc : memref<!tpu.dma_semaphore, #tpu.memory_space<semaphore_mem>>
        %dma_start3A_45 = arith.constant 0 : i32
        %dma_start3A_46 = tpu.memref_slice %arg14[%dma_start3A_45] : memref<768xi32, #tpu.memory_space<vmem>> -> memref<128xi32, #tpu.memory_space<vmem>>
        %dma_start3A_47 = tpu.memref_slice %arg4[%mul3A_31] : memref<320000xi32, #tpu.memory_space<hbm>> -> memref<128xi32, #tpu.memory_space<hbm>>
        %dma_start3A_48 = arith.constant 0 : i32
        %dma_start3A_49 = tpu.memref_slice %arg14[%dma_start3A_48] : memref<768xi32, #tpu.memory_space<vmem>> -> memref<128xi32, #tpu.memory_space<vmem>>
        %dma_start3A_50 = tpu.memref_slice %arg4[%mul3A_31] : memref<320000xi32, #tpu.memory_space<hbm>> -> memref<128xi32, #tpu.memory_space<hbm>>
        tpu.enqueue_dma source(%dma_start3A_50 : memref<128xi32, #tpu.memory_space<hbm>>) target(%dma_start3A_49 : memref<128xi32, #tpu.memory_space<vmem>>) target_semaphore(%run_scoped3A : memref<!tpu.dma_semaphore, #tpu.memory_space<semaphore_mem>>)
        %dma_wait3A_51 = arith.constant 0 : i32
        %dma_wait3A_52 = tpu.memref_slice %arg14[%dma_wait3A_51] : memref<768xi32, #tpu.memory_space<vmem>> -> memref<128xi32, #tpu.memory_space<vmem>>
        %dma_wait3A_53 = tpu.memref_slice %arg4[%mul3A_31] : memref<320000xi32, #tpu.memory_space<hbm>> -> memref<128xi32, #tpu.memory_space<hbm>>
        %dma_wait3A_54 = arith.constant 0 : i32
        %dma_wait3A_55 = tpu.memref_slice %arg14[%dma_wait3A_54] : memref<768xi32, #tpu.memory_space<vmem>> -> memref<128xi32, #tpu.memory_space<vmem>>
        %dma_wait3A_56 = tpu.memref_slice %arg4[%mul3A_31] : memref<320000xi32, #tpu.memory_space<hbm>> -> memref<128xi32, #tpu.memory_space<hbm>>
        tpu.wait_dma2 semaphore(%run_scoped3A : memref<!tpu.dma_semaphore, #tpu.memory_space<semaphore_mem>>) src(%dma_wait3A_56 : memref<128xi32, #tpu.memory_space<hbm>>) dst(%dma_wait3A_55 : memref<128xi32, #tpu.memory_space<vmem>>)
        tpu.yield
      }) : () -> ()
      "tpu.region"() ({
        %run_scoped3A = tpu.sem_alloc : memref<!tpu.dma_semaphore, #tpu.memory_space<semaphore_mem>>
        %dma_start3A_45 = arith.constant 0 : i32
        %dma_start3A_46 = tpu.memref_slice %arg15[%dma_start3A_45] : memref<768xf32, #tpu.memory_space<vmem>> -> memref<128xf32, #tpu.memory_space<vmem>>
        %dma_start3A_47 = tpu.memref_slice %arg5[%mul3A_31] : memref<320000xf32, #tpu.memory_space<hbm>> -> memref<128xf32, #tpu.memory_space<hbm>>
        %dma_start3A_48 = arith.constant 0 : i32
        %dma_start3A_49 = tpu.memref_slice %arg15[%dma_start3A_48] : memref<768xf32, #tpu.memory_space<vmem>> -> memref<128xf32, #tpu.memory_space<vmem>>
        %dma_start3A_50 = tpu.memref_slice %arg5[%mul3A_31] : memref<320000xf32, #tpu.memory_space<hbm>> -> memref<128xf32, #tpu.memory_space<hbm>>
        tpu.enqueue_dma source(%dma_start3A_50 : memref<128xf32, #tpu.memory_space<hbm>>) target(%dma_start3A_49 : memref<128xf32, #tpu.memory_space<vmem>>) target_semaphore(%run_scoped3A : memref<!tpu.dma_semaphore, #tpu.memory_space<semaphore_mem>>)
        %dma_wait3A_51 = arith.constant 0 : i32
        %dma_wait3A_52 = tpu.memref_slice %arg15[%dma_wait3A_51] : memref<768xf32, #tpu.memory_space<vmem>> -> memref<128xf32, #tpu.memory_space<vmem>>
        %dma_wait3A_53 = tpu.memref_slice %arg5[%mul3A_31] : memref<320000xf32, #tpu.memory_space<hbm>> -> memref<128xf32, #tpu.memory_space<hbm>>
        %dma_wait3A_54 = arith.constant 0 : i32
        %dma_wait3A_55 = tpu.memref_slice %arg15[%dma_wait3A_54] : memref<768xf32, #tpu.memory_space<vmem>> -> memref<128xf32, #tpu.memory_space<vmem>>
        %dma_wait3A_56 = tpu.memref_slice %arg5[%mul3A_31] : memref<320000xf32, #tpu.memory_space<hbm>> -> memref<128xf32, #tpu.memory_space<hbm>>
        tpu.wait_dma2 semaphore(%run_scoped3A : memref<!tpu.dma_semaphore, #tpu.memory_space<semaphore_mem>>) src(%dma_wait3A_56 : memref<128xf32, #tpu.memory_space<hbm>>) dst(%dma_wait3A_55 : memref<128xf32, #tpu.memory_space<vmem>>)
        tpu.yield
      }) : () -> ()
      %dma_start3A = arith.constant 0 : i32
      %dma_start3A_32 = tpu.memref_slice %arg13[%dma_start3A] : memref<768xi32, #tpu.memory_space<vmem>> -> memref<128xi32, #tpu.memory_space<vmem>>
      %dma_start3A_33 = arith.constant 0 : i32
      %dma_start3A_34 = arith.constant 0 : i32
      %dma_start3A_35 = tpu.memref_slice %arg2[%dma_start3A_33, %dma_start3A_34] : memref<10000x64xf32, #tpu.memory_space<hbm>> -> memref<10000x64xf32, #tpu.memory_space<hbm>>
      tpu.enqueue_indirect_dma source(%dma_start3A_35 : memref<10000x64xf32, #tpu.memory_space<hbm>>) target(%arg10 : memref<128x64xf32, #tpu.memory_space<vmem>>) offsets(%dma_start3A_32 : memref<128xi32, #tpu.memory_space<vmem>>) semaphore(%arg16 : memref<!tpu.dma_semaphore, #tpu.memory_space<semaphore_mem>>)
      %dma_wait3A = arith.constant 0 : i32
      %dma_wait3A_36 = tpu.memref_slice %arg13[%dma_wait3A] : memref<768xi32, #tpu.memory_space<vmem>> -> memref<128xi32, #tpu.memory_space<vmem>>
      %dma_wait3A_37 = arith.constant 0 : i32
      %dma_wait3A_38 = arith.constant 0 : i32
      %dma_wait3A_39 = tpu.memref_slice %arg2[%dma_wait3A_37, %dma_wait3A_38] : memref<10000x64xf32, #tpu.memory_space<hbm>> -> memref<10000x64xf32, #tpu.memory_space<hbm>>
      tpu.wait_indirect_dma semaphore(%arg16 : memref<!tpu.dma_semaphore, #tpu.memory_space<semaphore_mem>>) src(%dma_wait3A_39 : memref<10000x64xf32, #tpu.memory_space<hbm>>) dst(%arg10 : memref<128x64xf32, #tpu.memory_space<vmem>>)
      %scan3A_40 = arith.constant 0 : i32
      %scan3A_41 = arith.constant 128 : i32
      %scan3A_42 = arith.addi %scan3A_40, %scan3A_41 : i32
      %scan3A_43 = arith.constant 1 : i32
      scf.for %scan3A_45 = %scan3A_40 to %scan3A_42 step %scan3A_43  : i32 {
        %mul3A_46 = arith.constant 1 : i32
        %mul3A_47 = arith.muli %scan3A_45, %mul3A_46 : i32
        %add3A_48 = arith.constant 0 : i32
        %add3A_49 = arith.addi %add3A_48, %mul3A_47 : i32
        %broadcast_in_dim3A = arith.constant 0 : i32
        %broadcast_in_dim3A_50 = vector.broadcast %broadcast_in_dim3A : i32 to vector<16xi32>
        %add3A_51 = vector.broadcast %add3A_49 : i32 to vector<16xi32>
        %add3A_52 = arith.addi %broadcast_in_dim3A_50, %add3A_51 : vector<16xi32>
        %gather3A = tpu.vector_load_idx %arg15[%add3A_52] : memref<768xf32, #tpu.memory_space<vmem>>[vector<16xi32>], vector<16xf32>,
        %get3A = arith.index_cast %add3A_49 : i32 to index
        %get3A_53 = arith.constant 0 : index
        %get3A_54 = tpu.vector_load %arg10[%get3A, %get3A_53] {strides = array<i32>} : memref<128x64xf32, #tpu.memory_space<vmem>>, vector<16xf32>,
        %mul3A_55 = arith.mulf %get3A_54, %gather3A : vector<16xf32>
        %swap3A = arith.index_cast %add3A_49 : i32 to index
        %swap3A_56 = arith.constant 0 : index
        %swap3A_57 = tpu.vector_load %arg10[%swap3A, %swap3A_56] {strides = array<i32>} : memref<128x64xf32, #tpu.memory_space<vmem>>, vector<16xf32>,
        tpu.vector_store %arg10[%swap3A, %swap3A_56], %mul3A_55 {strides = array<i32>} : memref<128x64xf32, #tpu.memory_space<vmem>>, vector<16xf32>,
        %get3A_58 = arith.index_cast %add3A_49 : i32 to index
        %get3A_59 = arith.constant 16 : index
        %get3A_60 = tpu.vector_load %arg10[%get3A_58, %get3A_59] {strides = array<i32>} : memref<128x64xf32, #tpu.memory_space<vmem>>, vector<16xf32>,
        %mul3A_61 = arith.mulf %get3A_60, %gather3A : vector<16xf32>
        %swap3A_62 = arith.index_cast %add3A_49 : i32 to index
        %swap3A_63 = arith.constant 16 : index
        %swap3A_64 = tpu.vector_load %arg10[%swap3A_62, %swap3A_63] {strides = array<i32>} : memref<128x64xf32, #tpu.memory_space<vmem>>, vector<16xf32>,
        tpu.vector_store %arg10[%swap3A_62, %swap3A_63], %mul3A_61 {strides = array<i32>} : memref<128x64xf32, #tpu.memory_space<vmem>>, vector<16xf32>,
        %get3A_65 = arith.index_cast %add3A_49 : i32 to index
        %get3A_66 = arith.constant 32 : index
        %get3A_67 = tpu.vector_load %arg10[%get3A_65, %get3A_66] {strides = array<i32>} : memref<128x64xf32, #tpu.memory_space<vmem>>, vector<16xf32>,
        %mul3A_68 = arith.mulf %get3A_67, %gather3A : vector<16xf32>
        %swap3A_69 = arith.index_cast %add3A_49 : i32 to index
        %swap3A_70 = arith.constant 32 : index
        %swap3A_71 = tpu.vector_load %arg10[%swap3A_69, %swap3A_70] {strides = array<i32>} : memref<128x64xf32, #tpu.memory_space<vmem>>, vector<16xf32>,
        tpu.vector_store %arg10[%swap3A_69, %swap3A_70], %mul3A_68 {strides = array<i32>} : memref<128x64xf32, #tpu.memory_space<vmem>>, vector<16xf32>,
        %get3A_72 = arith.index_cast %add3A_49 : i32 to index
        %get3A_73 = arith.constant 48 : index
        %get3A_74 = tpu.vector_load %arg10[%get3A_72, %get3A_73] {strides = array<i32>} : memref<128x64xf32, #tpu.memory_space<vmem>>, vector<16xf32>,
        %mul3A_75 = arith.mulf %get3A_74, %gather3A : vector<16xf32>
        %swap3A_76 = arith.index_cast %add3A_49 : i32 to index
        %swap3A_77 = arith.constant 48 : index
        %swap3A_78 = tpu.vector_load %arg10[%swap3A_76, %swap3A_77] {strides = array<i32>} : memref<128x64xf32, #tpu.memory_space<vmem>>, vector<16xf32>,
        tpu.vector_store %arg10[%swap3A_76, %swap3A_77], %mul3A_75 {strides = array<i32>} : memref<128x64xf32, #tpu.memory_space<vmem>>, vector<16xf32>,
      }
      %scan3A_44 = arith.constant 128 : i32
      "tpu.region"() ({
        %run_scoped3A = tpu.sem_alloc : memref<!tpu.dma_semaphore, #tpu.memory_space<semaphore_mem>>
        %dma_start3A_45 = arith.constant 0 : i32
        %dma_start3A_46 = tpu.memref_slice %arg14[%dma_start3A_45] : memref<768xi32, #tpu.memory_space<vmem>> -> memref<128xi32, #tpu.memory_space<vmem>>
        %dma_start3A_47 = arith.constant 0 : i32
        %dma_start3A_48 = arith.constant 0 : i32
        %dma_start3A_49 = tpu.memref_slice %arg8[%dma_start3A_47, %dma_start3A_48] : memref<10000x64xf32, #tpu.memory_space<vmem_shared>> -> memref<10000x64xf32, #tpu.memory_space<vmem_shared>>
        tpu.enqueue_indirect_dma source(%arg10 : memref<128x64xf32, #tpu.memory_space<vmem>>) target(%dma_start3A_49 : memref<10000x64xf32, #tpu.memory_space<vmem_shared>>) offsets(%dma_start3A_46 : memref<128xi32, #tpu.memory_space<vmem>>) semaphore(%run_scoped3A : memref<!tpu.dma_semaphore, #tpu.memory_space<semaphore_mem>>) {add = true}
        %dma_wait3A_50 = arith.constant 0 : i32
        %dma_wait3A_51 = tpu.memref_slice %arg14[%dma_wait3A_50] : memref<768xi32, #tpu.memory_space<vmem>> -> memref<128xi32, #tpu.memory_space<vmem>>
        %dma_wait3A_52 = arith.constant 0 : i32
        %dma_wait3A_53 = arith.constant 0 : i32
        %dma_wait3A_54 = tpu.memref_slice %arg8[%dma_wait3A_52, %dma_wait3A_53] : memref<10000x64xf32, #tpu.memory_space<vmem_shared>> -> memref<10000x64xf32, #tpu.memory_space<vmem_shared>>
        tpu.wait_indirect_dma semaphore(%run_scoped3A : memref<!tpu.dma_semaphore, #tpu.memory_space<semaphore_mem>>) src(%arg10 : memref<128x64xf32, #tpu.memory_space<vmem>>) dst(%dma_wait3A_54 : memref<10000x64xf32, #tpu.memory_space<vmem_shared>>)
        tpu.yield
      }) : () -> ()
      "tpu.region"() ({
        %run_scoped3A = tpu.sem_alloc : memref<!tpu.dma_semaphore, #tpu.memory_space<semaphore_mem>>
        %dma_start3A_45 = arith.constant 0 : i32
        %dma_start3A_46 = tpu.memref_slice %arg14[%dma_start3A_45] : memref<768xi32, #tpu.memory_space<vmem>> -> memref<128xi32, #tpu.memory_space<vmem>>
        %dma_start3A_47 = arith.constant 0 : i32
        %dma_start3A_48 = arith.constant 0 : i32
        %dma_start3A_49 = tpu.memref_slice %arg9[%dma_start3A_47, %dma_start3A_48] : memref<10000x16xf32, #tpu.memory_space<vmem_shared>> -> memref<10000x16xf32, #tpu.memory_space<vmem_shared>>
        tpu.enqueue_indirect_dma source(%arg12 : memref<128x16xf32, #tpu.memory_space<vmem>>) target(%dma_start3A_49 : memref<10000x16xf32, #tpu.memory_space<vmem_shared>>) offsets(%dma_start3A_46 : memref<128xi32, #tpu.memory_space<vmem>>) semaphore(%run_scoped3A : memref<!tpu.dma_semaphore, #tpu.memory_space<semaphore_mem>>) {add = true}
        %dma_wait3A_50 = arith.constant 0 : i32
        %dma_wait3A_51 = tpu.memref_slice %arg14[%dma_wait3A_50] : memref<768xi32, #tpu.memory_space<vmem>> -> memref<128xi32, #tpu.memory_space<vmem>>
        %dma_wait3A_52 = arith.constant 0 : i32
        %dma_wait3A_53 = arith.constant 0 : i32
        %dma_wait3A_54 = tpu.memref_slice %arg9[%dma_wait3A_52, %dma_wait3A_53] : memref<10000x16xf32, #tpu.memory_space<vmem_shared>> -> memref<10000x16xf32, #tpu.memory_space<vmem_shared>>
        tpu.wait_indirect_dma semaphore(%run_scoped3A : memref<!tpu.dma_semaphore, #tpu.memory_space<semaphore_mem>>) src(%arg12 : memref<128x16xf32, #tpu.memory_space<vmem>>) dst(%dma_wait3A_54 : memref<10000x16xf32, #tpu.memory_space<vmem_shared>>)
        tpu.yield
      }) : () -> ()
    } else {
    }
    %barrier3A_22 = arith.constant 0 : index
    tpu.barrier barrier_id(%barrier3A_22)
    %scan3A_23 = arith.constant 0 : i32
    %scan3A_24 = arith.constant 8 : i32
    %scan3A_25 = arith.addi %scan3A_23, %scan3A_24 : i32
    %scan3A_26 = arith.constant 1 : i32
    scf.for %scan3A_28 = %scan3A_23 to %scan3A_25 step %scan3A_26  : i32 {
      %mul3A_29 = arith.constant 1 : i32
      %mul3A_30 = arith.muli %scan3A_28, %mul3A_29 : i32
      %add3A_31 = arith.constant 0 : i32
      %add3A_32 = arith.addi %add3A_31, %mul3A_30 : i32
      %mul3A_33 = arith.constant 16 : i32
      %mul3A_34 = arith.muli %mul3A_33, %add3A_32 : i32
      %add3A_35 = arith.addi %arg1, %mul3A_34 : i32
      %lt3A_36 = arith.constant 125 : i32
      %lt3A_37 = arith.cmpi slt, %add3A_35, %lt3A_36 : i32
      %convert_element_type3A_38 = arith.extui %lt3A_37 : i1 to i32
      %cond3A_39 = arith.constant 0 : i32
      %cond3A_40 = arith.cmpi ne, %convert_element_type3A_38, %cond3A_39 : i32
      scf.if %cond3A_40 {
        %mul3A_41 = arith.constant 80 : i32
        %mul3A_42 = arith.muli %add3A_35, %mul3A_41 : i32
        "tpu.region"() ({
          %run_scoped3A = tpu.sem_alloc : memref<!tpu.dma_semaphore, #tpu.memory_space<semaphore_mem>>
          %dma_start3A = arith.constant 0 : i32
          %dma_start3A_43 = tpu.memref_slice %arg6[%arg0, %mul3A_42, %dma_start3A] : memref<2x10000x64xf32, #tpu.memory_space<hbm>> -> memref<1x80x64xf32, #tpu.memory_space<hbm>>
          %dma_start3A_44 = tpu.memref_squeeze %dma_start3A_43 : memref<1x80x64xf32, #tpu.memory_space<hbm>> -> memref<80x64xf32, #tpu.memory_space<hbm>>
          %dma_start3A_45 = arith.constant 0 : i32
          %dma_start3A_46 = tpu.memref_slice %arg8[%mul3A_42, %dma_start3A_45] : memref<10000x64xf32, #tpu.memory_space<vmem_shared>> -> memref<80x64xf32, #tpu.memory_space<vmem_shared>>
          tpu.enqueue_dma source(%dma_start3A_46 : memref<80x64xf32, #tpu.memory_space<vmem_shared>>) target(%dma_start3A_44 : memref<80x64xf32, #tpu.memory_space<hbm>>) target_semaphore(%run_scoped3A : memref<!tpu.dma_semaphore, #tpu.memory_space<semaphore_mem>>)
          %dma_wait3A = arith.constant 0 : i32
          %dma_wait3A_47 = tpu.memref_slice %arg6[%arg0, %mul3A_42, %dma_wait3A] : memref<2x10000x64xf32, #tpu.memory_space<hbm>> -> memref<1x80x64xf32, #tpu.memory_space<hbm>>
          %dma_wait3A_48 = tpu.memref_squeeze %dma_wait3A_47 : memref<1x80x64xf32, #tpu.memory_space<hbm>> -> memref<80x64xf32, #tpu.memory_space<hbm>>
          %dma_wait3A_49 = arith.constant 0 : i32
          %dma_wait3A_50 = tpu.memref_slice %arg8[%mul3A_42, %dma_wait3A_49] : memref<10000x64xf32, #tpu.memory_space<vmem_shared>> -> memref<80x64xf32, #tpu.memory_space<vmem_shared>>
          tpu.wait_dma2 semaphore(%run_scoped3A : memref<!tpu.dma_semaphore, #tpu.memory_space<semaphore_mem>>) src(%dma_wait3A_50 : memref<80x64xf32, #tpu.memory_space<vmem_shared>>) dst(%dma_wait3A_48 : memref<80x64xf32, #tpu.memory_space<hbm>>)
          tpu.yield
        }) : () -> ()
        "tpu.region"() ({
          %run_scoped3A = tpu.sem_alloc : memref<!tpu.dma_semaphore, #tpu.memory_space<semaphore_mem>>
          %dma_start3A = arith.constant 0 : i32
          %dma_start3A_43 = tpu.memref_slice %arg7[%arg0, %mul3A_42, %dma_start3A] : memref<2x10000x16xf32, #tpu.memory_space<hbm>> -> memref<1x80x16xf32, #tpu.memory_space<hbm>>
          %dma_start3A_44 = tpu.memref_squeeze %dma_start3A_43 : memref<1x80x16xf32, #tpu.memory_space<hbm>> -> memref<80x16xf32, #tpu.memory_space<hbm>>
          %dma_start3A_45 = arith.constant 0 : i32
          %dma_start3A_46 = tpu.memref_slice %arg9[%mul3A_42, %dma_start3A_45] : memref<10000x16xf32, #tpu.memory_space<vmem_shared>> -> memref<80x16xf32, #tpu.memory_space<vmem_shared>>
          tpu.enqueue_dma source(%dma_start3A_46 : memref<80x16xf32, #tpu.memory_space<vmem_shared>>) target(%dma_start3A_44 : memref<80x16xf32, #tpu.memory_space<hbm>>) target_semaphore(%run_scoped3A : memref<!tpu.dma_semaphore, #tpu.memory_space<semaphore_mem>>)
          %dma_wait3A = arith.constant 0 : i32
          %dma_wait3A_47 = tpu.memref_slice %arg7[%arg0, %mul3A_42, %dma_wait3A] : memref<2x10000x16xf32, #tpu.memory_space<hbm>> -> memref<1x80x16xf32, #tpu.memory_space<hbm>>
          %dma_wait3A_48 = tpu.memref_squeeze %dma_wait3A_47 : memref<1x80x16xf32, #tpu.memory_space<hbm>> -> memref<80x16xf32, #tpu.memory_space<hbm>>
          %dma_wait3A_49 = arith.constant 0 : i32
          %dma_wait3A_50 = tpu.memref_slice %arg9[%mul3A_42, %dma_wait3A_49] : memref<10000x16xf32, #tpu.memory_space<vmem_shared>> -> memref<80x16xf32, #tpu.memory_space<vmem_shared>>
          tpu.wait_dma2 semaphore(%run_scoped3A : memref<!tpu.dma_semaphore, #tpu.memory_space<semaphore_mem>>) src(%dma_wait3A_50 : memref<80x16xf32, #tpu.memory_space<vmem_shared>>) dst(%dma_wait3A_48 : memref<80x16xf32, #tpu.memory_space<hbm>>)
          tpu.yield
        }) : () -> ()
      } else {
      }
    }
    %scan3A_27 = arith.constant 8 : i32
    return
  }
}

module attributes {stable_mosaic.version = 14 : i64} {
  func.func @_front_body(%arg0: i32, %arg1: memref<1000x12x128xf32, #tpu.memory_space<vmem>>, %arg2: memref<128x16xf32, #tpu.memory_space<vmem>>, %arg3: memref<1x16xf32, #tpu.memory_space<vmem>>, %arg4: memref<12x4xf32, #tpu.memory_space<smem>>, %arg5: memref<1x4xf32, #tpu.memory_space<smem>>, %arg6: memref<1000x64xf32, #tpu.memory_space<vmem>>) attributes {dimension_semantics = [#tpu.dimension_semantics<arbitrary>], iteration_bounds = array<i64: 10>, scalar_prefetch = 0 : i64, scratch_operands = 0 : i64, tpu.core_type = #tpu.core_type<tc>, window_params = [{transform_indices = @transform_0, window_bounds = array<i64: 1000, 12, 128>}, {pipeline_mode = #tpu.pipeline_mode<synchronous>, transform_indices = @transform_1, window_bounds = array<i64: 128, 16>}, {pipeline_mode = #tpu.pipeline_mode<synchronous>, transform_indices = @transform_2, window_bounds = array<i64: 1, 16>}, {transform_indices = @transform_3, window_bounds = array<i64: 12, 4>}, {transform_indices = @transform_4, window_bounds = array<i64: 1, 4>}, {transform_indices = @transform_5, window_bounds = array<i64: 1000, 64>}]} {
    %get3A = arith.constant 0 : index
    %get3A_0 = arith.constant 0 : index
    %get3A_1 = arith.constant 0 : index
    %get3A_2 = vector.load %arg1[%get3A, %get3A_0, %get3A_1] : memref<1000x12x128xf32, #tpu.memory_space<vmem>>, vector<1000x1x128xf32>
    %get3A_3 = vector.shape_cast %get3A_2 : vector<1000x1x128xf32> to vector<1000x128xf32>
    %get3A_4 = arith.constant 0 : index
    %get3A_5 = arith.constant 0 : index
    %get3A_6 = vector.load %arg2[%get3A_4, %get3A_5] : memref<128x16xf32, #tpu.memory_space<vmem>>, vector<128x16xf32>
    %dot_general3A = arith.constant dense<0.000000e+00> : vector<1000x16xf32>
    %dot_general3A_7 = tpu.matmul %get3A_3, %get3A_6, %dot_general3A {dimension_numbers = #tpu.dot_dimension_numbers<[1], [0], [0], [1], [0, 0, 1, 1], [], []>, transpose_lhs_hint = false} : vector<1000x128xf32>, vector<128x16xf32>, vector<1000x16xf32> -> vector<1000x16xf32>
    %get3A_8 = arith.constant 0 : index
    %get3A_9 = arith.constant 0 : index
    %get3A_10 = vector.load %arg3[%get3A_8, %get3A_9] : memref<1x16xf32, #tpu.memory_space<vmem>>, vector<1x16xf32>
    %add3A = vector.broadcast %get3A_10 : vector<1x16xf32> to vector<1000x16xf32>
    %add3A_11 = arith.addf %dot_general3A_7, %add3A : vector<1000x16xf32>
    %max3A = arith.constant 0.000000e+00 : f32
    %max3A_12 = vector.broadcast %max3A : f32 to vector<1000x16xf32>
    %max3A_13 = arith.maximumf %add3A_11, %max3A_12 : vector<1000x16xf32>
    %get3A_14 = arith.constant 0 : index
    %get3A_15 = arith.constant 0 : index
    %get3A_16 = memref.load %arg4[%get3A_14, %get3A_15] : memref<12x4xf32, #tpu.memory_space<smem>>
    %mul3A = vector.broadcast %get3A_16 : f32 to vector<1000x16xf32>
    %mul3A_17 = arith.mulf %max3A_13, %mul3A : vector<1000x16xf32>
    %get3A_18 = arith.constant 0 : index
    %get3A_19 = arith.constant 1 : index
    %get3A_20 = memref.load %arg4[%get3A_18, %get3A_19] : memref<12x4xf32, #tpu.memory_space<smem>>
    %mul3A_21 = vector.broadcast %get3A_20 : f32 to vector<1000x16xf32>
    %mul3A_22 = arith.mulf %max3A_13, %mul3A_21 : vector<1000x16xf32>
    %get3A_23 = arith.constant 0 : index
    %get3A_24 = arith.constant 2 : index
    %get3A_25 = memref.load %arg4[%get3A_23, %get3A_24] : memref<12x4xf32, #tpu.memory_space<smem>>
    %mul3A_26 = vector.broadcast %get3A_25 : f32 to vector<1000x16xf32>
    %mul3A_27 = arith.mulf %max3A_13, %mul3A_26 : vector<1000x16xf32>
    %get3A_28 = arith.constant 0 : index
    %get3A_29 = arith.constant 3 : index
    %get3A_30 = memref.load %arg4[%get3A_28, %get3A_29] : memref<12x4xf32, #tpu.memory_space<smem>>
    %mul3A_31 = vector.broadcast %get3A_30 : f32 to vector<1000x16xf32>
    %mul3A_32 = arith.mulf %max3A_13, %mul3A_31 : vector<1000x16xf32>
    %get3A_33 = arith.constant 0 : index
    %get3A_34 = arith.constant 1 : index
    %get3A_35 = arith.constant 0 : index
    %get3A_36 = vector.load %arg1[%get3A_33, %get3A_34, %get3A_35] : memref<1000x12x128xf32, #tpu.memory_space<vmem>>, vector<1000x1x128xf32>
    %get3A_37 = vector.shape_cast %get3A_36 : vector<1000x1x128xf32> to vector<1000x128xf32>
    %get3A_38 = arith.constant 0 : index
    %get3A_39 = arith.constant 0 : index
    %get3A_40 = vector.load %arg2[%get3A_38, %get3A_39] : memref<128x16xf32, #tpu.memory_space<vmem>>, vector<128x16xf32>
    %dot_general3A_41 = arith.constant dense<0.000000e+00> : vector<1000x16xf32>
    %dot_general3A_42 = tpu.matmul %get3A_37, %get3A_40, %dot_general3A_41 {dimension_numbers = #tpu.dot_dimension_numbers<[1], [0], [0], [1], [0, 0, 1, 1], [], []>, transpose_lhs_hint = false} : vector<1000x128xf32>, vector<128x16xf32>, vector<1000x16xf32> -> vector<1000x16xf32>
    %get3A_43 = arith.constant 0 : index
    %get3A_44 = arith.constant 0 : index
    %get3A_45 = vector.load %arg3[%get3A_43, %get3A_44] : memref<1x16xf32, #tpu.memory_space<vmem>>, vector<1x16xf32>
    %add3A_46 = vector.broadcast %get3A_45 : vector<1x16xf32> to vector<1000x16xf32>
    %add3A_47 = arith.addf %dot_general3A_42, %add3A_46 : vector<1000x16xf32>
    %max3A_48 = arith.constant 0.000000e+00 : f32
    %max3A_49 = vector.broadcast %max3A_48 : f32 to vector<1000x16xf32>
    %max3A_50 = arith.maximumf %add3A_47, %max3A_49 : vector<1000x16xf32>
    %get3A_51 = arith.constant 1 : index
    %get3A_52 = arith.constant 0 : index
    %get3A_53 = memref.load %arg4[%get3A_51, %get3A_52] : memref<12x4xf32, #tpu.memory_space<smem>>
    %mul3A_54 = vector.broadcast %get3A_53 : f32 to vector<1000x16xf32>
    %mul3A_55 = arith.mulf %max3A_50, %mul3A_54 : vector<1000x16xf32>
    %add3A_56 = arith.addf %mul3A_17, %mul3A_55 : vector<1000x16xf32>
    %get3A_57 = arith.constant 1 : index
    %get3A_58 = arith.constant 1 : index
    %get3A_59 = memref.load %arg4[%get3A_57, %get3A_58] : memref<12x4xf32, #tpu.memory_space<smem>>
    %mul3A_60 = vector.broadcast %get3A_59 : f32 to vector<1000x16xf32>
    %mul3A_61 = arith.mulf %max3A_50, %mul3A_60 : vector<1000x16xf32>
    %add3A_62 = arith.addf %mul3A_22, %mul3A_61 : vector<1000x16xf32>
    %get3A_63 = arith.constant 1 : index
    %get3A_64 = arith.constant 2 : index
    %get3A_65 = memref.load %arg4[%get3A_63, %get3A_64] : memref<12x4xf32, #tpu.memory_space<smem>>
    %mul3A_66 = vector.broadcast %get3A_65 : f32 to vector<1000x16xf32>
    %mul3A_67 = arith.mulf %max3A_50, %mul3A_66 : vector<1000x16xf32>
    %add3A_68 = arith.addf %mul3A_27, %mul3A_67 : vector<1000x16xf32>
    %get3A_69 = arith.constant 1 : index
    %get3A_70 = arith.constant 3 : index
    %get3A_71 = memref.load %arg4[%get3A_69, %get3A_70] : memref<12x4xf32, #tpu.memory_space<smem>>
    %mul3A_72 = vector.broadcast %get3A_71 : f32 to vector<1000x16xf32>
    %mul3A_73 = arith.mulf %max3A_50, %mul3A_72 : vector<1000x16xf32>
    %add3A_74 = arith.addf %mul3A_32, %mul3A_73 : vector<1000x16xf32>
    %get3A_75 = arith.constant 0 : index
    %get3A_76 = arith.constant 2 : index
    %get3A_77 = arith.constant 0 : index
    %get3A_78 = vector.load %arg1[%get3A_75, %get3A_76, %get3A_77] : memref<1000x12x128xf32, #tpu.memory_space<vmem>>, vector<1000x1x128xf32>
    %get3A_79 = vector.shape_cast %get3A_78 : vector<1000x1x128xf32> to vector<1000x128xf32>
    %get3A_80 = arith.constant 0 : index
    %get3A_81 = arith.constant 0 : index
    %get3A_82 = vector.load %arg2[%get3A_80, %get3A_81] : memref<128x16xf32, #tpu.memory_space<vmem>>, vector<128x16xf32>
    %dot_general3A_83 = arith.constant dense<0.000000e+00> : vector<1000x16xf32>
    %dot_general3A_84 = tpu.matmul %get3A_79, %get3A_82, %dot_general3A_83 {dimension_numbers = #tpu.dot_dimension_numbers<[1], [0], [0], [1], [0, 0, 1, 1], [], []>, transpose_lhs_hint = false} : vector<1000x128xf32>, vector<128x16xf32>, vector<1000x16xf32> -> vector<1000x16xf32>
    %get3A_85 = arith.constant 0 : index
    %get3A_86 = arith.constant 0 : index
    %get3A_87 = vector.load %arg3[%get3A_85, %get3A_86] : memref<1x16xf32, #tpu.memory_space<vmem>>, vector<1x16xf32>
    %add3A_88 = vector.broadcast %get3A_87 : vector<1x16xf32> to vector<1000x16xf32>
    %add3A_89 = arith.addf %dot_general3A_84, %add3A_88 : vector<1000x16xf32>
    %max3A_90 = arith.constant 0.000000e+00 : f32
    %max3A_91 = vector.broadcast %max3A_90 : f32 to vector<1000x16xf32>
    %max3A_92 = arith.maximumf %add3A_89, %max3A_91 : vector<1000x16xf32>
    %get3A_93 = arith.constant 2 : index
    %get3A_94 = arith.constant 0 : index
    %get3A_95 = memref.load %arg4[%get3A_93, %get3A_94] : memref<12x4xf32, #tpu.memory_space<smem>>
    %mul3A_96 = vector.broadcast %get3A_95 : f32 to vector<1000x16xf32>
    %mul3A_97 = arith.mulf %max3A_92, %mul3A_96 : vector<1000x16xf32>
    %add3A_98 = arith.addf %add3A_56, %mul3A_97 : vector<1000x16xf32>
    %get3A_99 = arith.constant 2 : index
    %get3A_100 = arith.constant 1 : index
    %get3A_101 = memref.load %arg4[%get3A_99, %get3A_100] : memref<12x4xf32, #tpu.memory_space<smem>>
    %mul3A_102 = vector.broadcast %get3A_101 : f32 to vector<1000x16xf32>
    %mul3A_103 = arith.mulf %max3A_92, %mul3A_102 : vector<1000x16xf32>
    %add3A_104 = arith.addf %add3A_62, %mul3A_103 : vector<1000x16xf32>
    %get3A_105 = arith.constant 2 : index
    %get3A_106 = arith.constant 2 : index
    %get3A_107 = memref.load %arg4[%get3A_105, %get3A_106] : memref<12x4xf32, #tpu.memory_space<smem>>
    %mul3A_108 = vector.broadcast %get3A_107 : f32 to vector<1000x16xf32>
    %mul3A_109 = arith.mulf %max3A_92, %mul3A_108 : vector<1000x16xf32>
    %add3A_110 = arith.addf %add3A_68, %mul3A_109 : vector<1000x16xf32>
    %get3A_111 = arith.constant 2 : index
    %get3A_112 = arith.constant 3 : index
    %get3A_113 = memref.load %arg4[%get3A_111, %get3A_112] : memref<12x4xf32, #tpu.memory_space<smem>>
    %mul3A_114 = vector.broadcast %get3A_113 : f32 to vector<1000x16xf32>
    %mul3A_115 = arith.mulf %max3A_92, %mul3A_114 : vector<1000x16xf32>
    %add3A_116 = arith.addf %add3A_74, %mul3A_115 : vector<1000x16xf32>
    %get3A_117 = arith.constant 0 : index
    %get3A_118 = arith.constant 3 : index
    %get3A_119 = arith.constant 0 : index
    %get3A_120 = vector.load %arg1[%get3A_117, %get3A_118, %get3A_119] : memref<1000x12x128xf32, #tpu.memory_space<vmem>>, vector<1000x1x128xf32>
    %get3A_121 = vector.shape_cast %get3A_120 : vector<1000x1x128xf32> to vector<1000x128xf32>
    %get3A_122 = arith.constant 0 : index
    %get3A_123 = arith.constant 0 : index
    %get3A_124 = vector.load %arg2[%get3A_122, %get3A_123] : memref<128x16xf32, #tpu.memory_space<vmem>>, vector<128x16xf32>
    %dot_general3A_125 = arith.constant dense<0.000000e+00> : vector<1000x16xf32>
    %dot_general3A_126 = tpu.matmul %get3A_121, %get3A_124, %dot_general3A_125 {dimension_numbers = #tpu.dot_dimension_numbers<[1], [0], [0], [1], [0, 0, 1, 1], [], []>, transpose_lhs_hint = false} : vector<1000x128xf32>, vector<128x16xf32>, vector<1000x16xf32> -> vector<1000x16xf32>
    %get3A_127 = arith.constant 0 : index
    %get3A_128 = arith.constant 0 : index
    %get3A_129 = vector.load %arg3[%get3A_127, %get3A_128] : memref<1x16xf32, #tpu.memory_space<vmem>>, vector<1x16xf32>
    %add3A_130 = vector.broadcast %get3A_129 : vector<1x16xf32> to vector<1000x16xf32>
    %add3A_131 = arith.addf %dot_general3A_126, %add3A_130 : vector<1000x16xf32>
    %max3A_132 = arith.constant 0.000000e+00 : f32
    %max3A_133 = vector.broadcast %max3A_132 : f32 to vector<1000x16xf32>
    %max3A_134 = arith.maximumf %add3A_131, %max3A_133 : vector<1000x16xf32>
    %get3A_135 = arith.constant 3 : index
    %get3A_136 = arith.constant 0 : index
    %get3A_137 = memref.load %arg4[%get3A_135, %get3A_136] : memref<12x4xf32, #tpu.memory_space<smem>>
    %mul3A_138 = vector.broadcast %get3A_137 : f32 to vector<1000x16xf32>
    %mul3A_139 = arith.mulf %max3A_134, %mul3A_138 : vector<1000x16xf32>
    %add3A_140 = arith.addf %add3A_98, %mul3A_139 : vector<1000x16xf32>
    %get3A_141 = arith.constant 3 : index
    %get3A_142 = arith.constant 1 : index
    %get3A_143 = memref.load %arg4[%get3A_141, %get3A_142] : memref<12x4xf32, #tpu.memory_space<smem>>
    %mul3A_144 = vector.broadcast %get3A_143 : f32 to vector<1000x16xf32>
    %mul3A_145 = arith.mulf %max3A_134, %mul3A_144 : vector<1000x16xf32>
    %add3A_146 = arith.addf %add3A_104, %mul3A_145 : vector<1000x16xf32>
    %get3A_147 = arith.constant 3 : index
    %get3A_148 = arith.constant 2 : index
    %get3A_149 = memref.load %arg4[%get3A_147, %get3A_148] : memref<12x4xf32, #tpu.memory_space<smem>>
    %mul3A_150 = vector.broadcast %get3A_149 : f32 to vector<1000x16xf32>
    %mul3A_151 = arith.mulf %max3A_134, %mul3A_150 : vector<1000x16xf32>
    %add3A_152 = arith.addf %add3A_110, %mul3A_151 : vector<1000x16xf32>
    %get3A_153 = arith.constant 3 : index
    %get3A_154 = arith.constant 3 : index
    %get3A_155 = memref.load %arg4[%get3A_153, %get3A_154] : memref<12x4xf32, #tpu.memory_space<smem>>
    %mul3A_156 = vector.broadcast %get3A_155 : f32 to vector<1000x16xf32>
    %mul3A_157 = arith.mulf %max3A_134, %mul3A_156 : vector<1000x16xf32>
    %add3A_158 = arith.addf %add3A_116, %mul3A_157 : vector<1000x16xf32>
    %get3A_159 = arith.constant 0 : index
    %get3A_160 = arith.constant 4 : index
    %get3A_161 = arith.constant 0 : index
    %get3A_162 = vector.load %arg1[%get3A_159, %get3A_160, %get3A_161] : memref<1000x12x128xf32, #tpu.memory_space<vmem>>, vector<1000x1x128xf32>
    %get3A_163 = vector.shape_cast %get3A_162 : vector<1000x1x128xf32> to vector<1000x128xf32>
    %get3A_164 = arith.constant 0 : index
    %get3A_165 = arith.constant 0 : index
    %get3A_166 = vector.load %arg2[%get3A_164, %get3A_165] : memref<128x16xf32, #tpu.memory_space<vmem>>, vector<128x16xf32>
    %dot_general3A_167 = arith.constant dense<0.000000e+00> : vector<1000x16xf32>
    %dot_general3A_168 = tpu.matmul %get3A_163, %get3A_166, %dot_general3A_167 {dimension_numbers = #tpu.dot_dimension_numbers<[1], [0], [0], [1], [0, 0, 1, 1], [], []>, transpose_lhs_hint = false} : vector<1000x128xf32>, vector<128x16xf32>, vector<1000x16xf32> -> vector<1000x16xf32>
    %get3A_169 = arith.constant 0 : index
    %get3A_170 = arith.constant 0 : index
    %get3A_171 = vector.load %arg3[%get3A_169, %get3A_170] : memref<1x16xf32, #tpu.memory_space<vmem>>, vector<1x16xf32>
    %add3A_172 = vector.broadcast %get3A_171 : vector<1x16xf32> to vector<1000x16xf32>
    %add3A_173 = arith.addf %dot_general3A_168, %add3A_172 : vector<1000x16xf32>
    %max3A_174 = arith.constant 0.000000e+00 : f32
    %max3A_175 = vector.broadcast %max3A_174 : f32 to vector<1000x16xf32>
    %max3A_176 = arith.maximumf %add3A_173, %max3A_175 : vector<1000x16xf32>
    %get3A_177 = arith.constant 4 : index
    %get3A_178 = arith.constant 0 : index
    %get3A_179 = memref.load %arg4[%get3A_177, %get3A_178] : memref<12x4xf32, #tpu.memory_space<smem>>
    %mul3A_180 = vector.broadcast %get3A_179 : f32 to vector<1000x16xf32>
    %mul3A_181 = arith.mulf %max3A_176, %mul3A_180 : vector<1000x16xf32>
    %add3A_182 = arith.addf %add3A_140, %mul3A_181 : vector<1000x16xf32>
    %get3A_183 = arith.constant 4 : index
    %get3A_184 = arith.constant 1 : index
    %get3A_185 = memref.load %arg4[%get3A_183, %get3A_184] : memref<12x4xf32, #tpu.memory_space<smem>>
    %mul3A_186 = vector.broadcast %get3A_185 : f32 to vector<1000x16xf32>
    %mul3A_187 = arith.mulf %max3A_176, %mul3A_186 : vector<1000x16xf32>
    %add3A_188 = arith.addf %add3A_146, %mul3A_187 : vector<1000x16xf32>
    %get3A_189 = arith.constant 4 : index
    %get3A_190 = arith.constant 2 : index
    %get3A_191 = memref.load %arg4[%get3A_189, %get3A_190] : memref<12x4xf32, #tpu.memory_space<smem>>
    %mul3A_192 = vector.broadcast %get3A_191 : f32 to vector<1000x16xf32>
    %mul3A_193 = arith.mulf %max3A_176, %mul3A_192 : vector<1000x16xf32>
    %add3A_194 = arith.addf %add3A_152, %mul3A_193 : vector<1000x16xf32>
    %get3A_195 = arith.constant 4 : index
    %get3A_196 = arith.constant 3 : index
    %get3A_197 = memref.load %arg4[%get3A_195, %get3A_196] : memref<12x4xf32, #tpu.memory_space<smem>>
    %mul3A_198 = vector.broadcast %get3A_197 : f32 to vector<1000x16xf32>
    %mul3A_199 = arith.mulf %max3A_176, %mul3A_198 : vector<1000x16xf32>
    %add3A_200 = arith.addf %add3A_158, %mul3A_199 : vector<1000x16xf32>
    %get3A_201 = arith.constant 0 : index
    %get3A_202 = arith.constant 5 : index
    %get3A_203 = arith.constant 0 : index
    %get3A_204 = vector.load %arg1[%get3A_201, %get3A_202, %get3A_203] : memref<1000x12x128xf32, #tpu.memory_space<vmem>>, vector<1000x1x128xf32>
    %get3A_205 = vector.shape_cast %get3A_204 : vector<1000x1x128xf32> to vector<1000x128xf32>
    %get3A_206 = arith.constant 0 : index
    %get3A_207 = arith.constant 0 : index
    %get3A_208 = vector.load %arg2[%get3A_206, %get3A_207] : memref<128x16xf32, #tpu.memory_space<vmem>>, vector<128x16xf32>
    %dot_general3A_209 = arith.constant dense<0.000000e+00> : vector<1000x16xf32>
    %dot_general3A_210 = tpu.matmul %get3A_205, %get3A_208, %dot_general3A_209 {dimension_numbers = #tpu.dot_dimension_numbers<[1], [0], [0], [1], [0, 0, 1, 1], [], []>, transpose_lhs_hint = false} : vector<1000x128xf32>, vector<128x16xf32>, vector<1000x16xf32> -> vector<1000x16xf32>
    %get3A_211 = arith.constant 0 : index
    %get3A_212 = arith.constant 0 : index
    %get3A_213 = vector.load %arg3[%get3A_211, %get3A_212] : memref<1x16xf32, #tpu.memory_space<vmem>>, vector<1x16xf32>
    %add3A_214 = vector.broadcast %get3A_213 : vector<1x16xf32> to vector<1000x16xf32>
    %add3A_215 = arith.addf %dot_general3A_210, %add3A_214 : vector<1000x16xf32>
    %max3A_216 = arith.constant 0.000000e+00 : f32
    %max3A_217 = vector.broadcast %max3A_216 : f32 to vector<1000x16xf32>
    %max3A_218 = arith.maximumf %add3A_215, %max3A_217 : vector<1000x16xf32>
    %get3A_219 = arith.constant 5 : index
    %get3A_220 = arith.constant 0 : index
    %get3A_221 = memref.load %arg4[%get3A_219, %get3A_220] : memref<12x4xf32, #tpu.memory_space<smem>>
    %mul3A_222 = vector.broadcast %get3A_221 : f32 to vector<1000x16xf32>
    %mul3A_223 = arith.mulf %max3A_218, %mul3A_222 : vector<1000x16xf32>
    %add3A_224 = arith.addf %add3A_182, %mul3A_223 : vector<1000x16xf32>
    %get3A_225 = arith.constant 5 : index
    %get3A_226 = arith.constant 1 : index
    %get3A_227 = memref.load %arg4[%get3A_225, %get3A_226] : memref<12x4xf32, #tpu.memory_space<smem>>
    %mul3A_228 = vector.broadcast %get3A_227 : f32 to vector<1000x16xf32>
    %mul3A_229 = arith.mulf %max3A_218, %mul3A_228 : vector<1000x16xf32>
    %add3A_230 = arith.addf %add3A_188, %mul3A_229 : vector<1000x16xf32>
    %get3A_231 = arith.constant 5 : index
    %get3A_232 = arith.constant 2 : index
    %get3A_233 = memref.load %arg4[%get3A_231, %get3A_232] : memref<12x4xf32, #tpu.memory_space<smem>>
    %mul3A_234 = vector.broadcast %get3A_233 : f32 to vector<1000x16xf32>
    %mul3A_235 = arith.mulf %max3A_218, %mul3A_234 : vector<1000x16xf32>
    %add3A_236 = arith.addf %add3A_194, %mul3A_235 : vector<1000x16xf32>
    %get3A_237 = arith.constant 5 : index
    %get3A_238 = arith.constant 3 : index
    %get3A_239 = memref.load %arg4[%get3A_237, %get3A_238] : memref<12x4xf32, #tpu.memory_space<smem>>
    %mul3A_240 = vector.broadcast %get3A_239 : f32 to vector<1000x16xf32>
    %mul3A_241 = arith.mulf %max3A_218, %mul3A_240 : vector<1000x16xf32>
    %add3A_242 = arith.addf %add3A_200, %mul3A_241 : vector<1000x16xf32>
    %get3A_243 = arith.constant 0 : index
    %get3A_244 = arith.constant 6 : index
    %get3A_245 = arith.constant 0 : index
    %get3A_246 = vector.load %arg1[%get3A_243, %get3A_244, %get3A_245] : memref<1000x12x128xf32, #tpu.memory_space<vmem>>, vector<1000x1x128xf32>
    %get3A_247 = vector.shape_cast %get3A_246 : vector<1000x1x128xf32> to vector<1000x128xf32>
    %get3A_248 = arith.constant 0 : index
    %get3A_249 = arith.constant 0 : index
    %get3A_250 = vector.load %arg2[%get3A_248, %get3A_249] : memref<128x16xf32, #tpu.memory_space<vmem>>, vector<128x16xf32>
    %dot_general3A_251 = arith.constant dense<0.000000e+00> : vector<1000x16xf32>
    %dot_general3A_252 = tpu.matmul %get3A_247, %get3A_250, %dot_general3A_251 {dimension_numbers = #tpu.dot_dimension_numbers<[1], [0], [0], [1], [0, 0, 1, 1], [], []>, transpose_lhs_hint = false} : vector<1000x128xf32>, vector<128x16xf32>, vector<1000x16xf32> -> vector<1000x16xf32>
    %get3A_253 = arith.constant 0 : index
    %get3A_254 = arith.constant 0 : index
    %get3A_255 = vector.load %arg3[%get3A_253, %get3A_254] : memref<1x16xf32, #tpu.memory_space<vmem>>, vector<1x16xf32>
    %add3A_256 = vector.broadcast %get3A_255 : vector<1x16xf32> to vector<1000x16xf32>
    %add3A_257 = arith.addf %dot_general3A_252, %add3A_256 : vector<1000x16xf32>
    %max3A_258 = arith.constant 0.000000e+00 : f32
    %max3A_259 = vector.broadcast %max3A_258 : f32 to vector<1000x16xf32>
    %max3A_260 = arith.maximumf %add3A_257, %max3A_259 : vector<1000x16xf32>
    %get3A_261 = arith.constant 6 : index
    %get3A_262 = arith.constant 0 : index
    %get3A_263 = memref.load %arg4[%get3A_261, %get3A_262] : memref<12x4xf32, #tpu.memory_space<smem>>
    %mul3A_264 = vector.broadcast %get3A_263 : f32 to vector<1000x16xf32>
    %mul3A_265 = arith.mulf %max3A_260, %mul3A_264 : vector<1000x16xf32>
    %add3A_266 = arith.addf %add3A_224, %mul3A_265 : vector<1000x16xf32>
    %get3A_267 = arith.constant 6 : index
    %get3A_268 = arith.constant 1 : index
    %get3A_269 = memref.load %arg4[%get3A_267, %get3A_268] : memref<12x4xf32, #tpu.memory_space<smem>>
    %mul3A_270 = vector.broadcast %get3A_269 : f32 to vector<1000x16xf32>
    %mul3A_271 = arith.mulf %max3A_260, %mul3A_270 : vector<1000x16xf32>
    %add3A_272 = arith.addf %add3A_230, %mul3A_271 : vector<1000x16xf32>
    %get3A_273 = arith.constant 6 : index
    %get3A_274 = arith.constant 2 : index
    %get3A_275 = memref.load %arg4[%get3A_273, %get3A_274] : memref<12x4xf32, #tpu.memory_space<smem>>
    %mul3A_276 = vector.broadcast %get3A_275 : f32 to vector<1000x16xf32>
    %mul3A_277 = arith.mulf %max3A_260, %mul3A_276 : vector<1000x16xf32>
    %add3A_278 = arith.addf %add3A_236, %mul3A_277 : vector<1000x16xf32>
    %get3A_279 = arith.constant 6 : index
    %get3A_280 = arith.constant 3 : index
    %get3A_281 = memref.load %arg4[%get3A_279, %get3A_280] : memref<12x4xf32, #tpu.memory_space<smem>>
    %mul3A_282 = vector.broadcast %get3A_281 : f32 to vector<1000x16xf32>
    %mul3A_283 = arith.mulf %max3A_260, %mul3A_282 : vector<1000x16xf32>
    %add3A_284 = arith.addf %add3A_242, %mul3A_283 : vector<1000x16xf32>
    %get3A_285 = arith.constant 0 : index
    %get3A_286 = arith.constant 7 : index
    %get3A_287 = arith.constant 0 : index
    %get3A_288 = vector.load %arg1[%get3A_285, %get3A_286, %get3A_287] : memref<1000x12x128xf32, #tpu.memory_space<vmem>>, vector<1000x1x128xf32>
    %get3A_289 = vector.shape_cast %get3A_288 : vector<1000x1x128xf32> to vector<1000x128xf32>
    %get3A_290 = arith.constant 0 : index
    %get3A_291 = arith.constant 0 : index
    %get3A_292 = vector.load %arg2[%get3A_290, %get3A_291] : memref<128x16xf32, #tpu.memory_space<vmem>>, vector<128x16xf32>
    %dot_general3A_293 = arith.constant dense<0.000000e+00> : vector<1000x16xf32>
    %dot_general3A_294 = tpu.matmul %get3A_289, %get3A_292, %dot_general3A_293 {dimension_numbers = #tpu.dot_dimension_numbers<[1], [0], [0], [1], [0, 0, 1, 1], [], []>, transpose_lhs_hint = false} : vector<1000x128xf32>, vector<128x16xf32>, vector<1000x16xf32> -> vector<1000x16xf32>
    %get3A_295 = arith.constant 0 : index
    %get3A_296 = arith.constant 0 : index
    %get3A_297 = vector.load %arg3[%get3A_295, %get3A_296] : memref<1x16xf32, #tpu.memory_space<vmem>>, vector<1x16xf32>
    %add3A_298 = vector.broadcast %get3A_297 : vector<1x16xf32> to vector<1000x16xf32>
    %add3A_299 = arith.addf %dot_general3A_294, %add3A_298 : vector<1000x16xf32>
    %max3A_300 = arith.constant 0.000000e+00 : f32
    %max3A_301 = vector.broadcast %max3A_300 : f32 to vector<1000x16xf32>
    %max3A_302 = arith.maximumf %add3A_299, %max3A_301 : vector<1000x16xf32>
    %get3A_303 = arith.constant 7 : index
    %get3A_304 = arith.constant 0 : index
    %get3A_305 = memref.load %arg4[%get3A_303, %get3A_304] : memref<12x4xf32, #tpu.memory_space<smem>>
    %mul3A_306 = vector.broadcast %get3A_305 : f32 to vector<1000x16xf32>
    %mul3A_307 = arith.mulf %max3A_302, %mul3A_306 : vector<1000x16xf32>
    %add3A_308 = arith.addf %add3A_266, %mul3A_307 : vector<1000x16xf32>
    %get3A_309 = arith.constant 7 : index
    %get3A_310 = arith.constant 1 : index
    %get3A_311 = memref.load %arg4[%get3A_309, %get3A_310] : memref<12x4xf32, #tpu.memory_space<smem>>
    %mul3A_312 = vector.broadcast %get3A_311 : f32 to vector<1000x16xf32>
    %mul3A_313 = arith.mulf %max3A_302, %mul3A_312 : vector<1000x16xf32>
    %add3A_314 = arith.addf %add3A_272, %mul3A_313 : vector<1000x16xf32>
    %get3A_315 = arith.constant 7 : index
    %get3A_316 = arith.constant 2 : index
    %get3A_317 = memref.load %arg4[%get3A_315, %get3A_316] : memref<12x4xf32, #tpu.memory_space<smem>>
    %mul3A_318 = vector.broadcast %get3A_317 : f32 to vector<1000x16xf32>
    %mul3A_319 = arith.mulf %max3A_302, %mul3A_318 : vector<1000x16xf32>
    %add3A_320 = arith.addf %add3A_278, %mul3A_319 : vector<1000x16xf32>
    %get3A_321 = arith.constant 7 : index
    %get3A_322 = arith.constant 3 : index
    %get3A_323 = memref.load %arg4[%get3A_321, %get3A_322] : memref<12x4xf32, #tpu.memory_space<smem>>
    %mul3A_324 = vector.broadcast %get3A_323 : f32 to vector<1000x16xf32>
    %mul3A_325 = arith.mulf %max3A_302, %mul3A_324 : vector<1000x16xf32>
    %add3A_326 = arith.addf %add3A_284, %mul3A_325 : vector<1000x16xf32>
    %get3A_327 = arith.constant 0 : index
    %get3A_328 = arith.constant 8 : index
    %get3A_329 = arith.constant 0 : index
    %get3A_330 = vector.load %arg1[%get3A_327, %get3A_328, %get3A_329] : memref<1000x12x128xf32, #tpu.memory_space<vmem>>, vector<1000x1x128xf32>
    %get3A_331 = vector.shape_cast %get3A_330 : vector<1000x1x128xf32> to vector<1000x128xf32>
    %get3A_332 = arith.constant 0 : index
    %get3A_333 = arith.constant 0 : index
    %get3A_334 = vector.load %arg2[%get3A_332, %get3A_333] : memref<128x16xf32, #tpu.memory_space<vmem>>, vector<128x16xf32>
    %dot_general3A_335 = arith.constant dense<0.000000e+00> : vector<1000x16xf32>
    %dot_general3A_336 = tpu.matmul %get3A_331, %get3A_334, %dot_general3A_335 {dimension_numbers = #tpu.dot_dimension_numbers<[1], [0], [0], [1], [0, 0, 1, 1], [], []>, transpose_lhs_hint = false} : vector<1000x128xf32>, vector<128x16xf32>, vector<1000x16xf32> -> vector<1000x16xf32>
    %get3A_337 = arith.constant 0 : index
    %get3A_338 = arith.constant 0 : index
    %get3A_339 = vector.load %arg3[%get3A_337, %get3A_338] : memref<1x16xf32, #tpu.memory_space<vmem>>, vector<1x16xf32>
    %add3A_340 = vector.broadcast %get3A_339 : vector<1x16xf32> to vector<1000x16xf32>
    %add3A_341 = arith.addf %dot_general3A_336, %add3A_340 : vector<1000x16xf32>
    %max3A_342 = arith.constant 0.000000e+00 : f32
    %max3A_343 = vector.broadcast %max3A_342 : f32 to vector<1000x16xf32>
    %max3A_344 = arith.maximumf %add3A_341, %max3A_343 : vector<1000x16xf32>
    %get3A_345 = arith.constant 8 : index
    %get3A_346 = arith.constant 0 : index
    %get3A_347 = memref.load %arg4[%get3A_345, %get3A_346] : memref<12x4xf32, #tpu.memory_space<smem>>
    %mul3A_348 = vector.broadcast %get3A_347 : f32 to vector<1000x16xf32>
    %mul3A_349 = arith.mulf %max3A_344, %mul3A_348 : vector<1000x16xf32>
    %add3A_350 = arith.addf %add3A_308, %mul3A_349 : vector<1000x16xf32>
    %get3A_351 = arith.constant 8 : index
    %get3A_352 = arith.constant 1 : index
    %get3A_353 = memref.load %arg4[%get3A_351, %get3A_352] : memref<12x4xf32, #tpu.memory_space<smem>>
    %mul3A_354 = vector.broadcast %get3A_353 : f32 to vector<1000x16xf32>
    %mul3A_355 = arith.mulf %max3A_344, %mul3A_354 : vector<1000x16xf32>
    %add3A_356 = arith.addf %add3A_314, %mul3A_355 : vector<1000x16xf32>
    %get3A_357 = arith.constant 8 : index
    %get3A_358 = arith.constant 2 : index
    %get3A_359 = memref.load %arg4[%get3A_357, %get3A_358] : memref<12x4xf32, #tpu.memory_space<smem>>
    %mul3A_360 = vector.broadcast %get3A_359 : f32 to vector<1000x16xf32>
    %mul3A_361 = arith.mulf %max3A_344, %mul3A_360 : vector<1000x16xf32>
    %add3A_362 = arith.addf %add3A_320, %mul3A_361 : vector<1000x16xf32>
    %get3A_363 = arith.constant 8 : index
    %get3A_364 = arith.constant 3 : index
    %get3A_365 = memref.load %arg4[%get3A_363, %get3A_364] : memref<12x4xf32, #tpu.memory_space<smem>>
    %mul3A_366 = vector.broadcast %get3A_365 : f32 to vector<1000x16xf32>
    %mul3A_367 = arith.mulf %max3A_344, %mul3A_366 : vector<1000x16xf32>
    %add3A_368 = arith.addf %add3A_326, %mul3A_367 : vector<1000x16xf32>
    %get3A_369 = arith.constant 0 : index
    %get3A_370 = arith.constant 9 : index
    %get3A_371 = arith.constant 0 : index
    %get3A_372 = vector.load %arg1[%get3A_369, %get3A_370, %get3A_371] : memref<1000x12x128xf32, #tpu.memory_space<vmem>>, vector<1000x1x128xf32>
    %get3A_373 = vector.shape_cast %get3A_372 : vector<1000x1x128xf32> to vector<1000x128xf32>
    %get3A_374 = arith.constant 0 : index
    %get3A_375 = arith.constant 0 : index
    %get3A_376 = vector.load %arg2[%get3A_374, %get3A_375] : memref<128x16xf32, #tpu.memory_space<vmem>>, vector<128x16xf32>
    %dot_general3A_377 = arith.constant dense<0.000000e+00> : vector<1000x16xf32>
    %dot_general3A_378 = tpu.matmul %get3A_373, %get3A_376, %dot_general3A_377 {dimension_numbers = #tpu.dot_dimension_numbers<[1], [0], [0], [1], [0, 0, 1, 1], [], []>, transpose_lhs_hint = false} : vector<1000x128xf32>, vector<128x16xf32>, vector<1000x16xf32> -> vector<1000x16xf32>
    %get3A_379 = arith.constant 0 : index
    %get3A_380 = arith.constant 0 : index
    %get3A_381 = vector.load %arg3[%get3A_379, %get3A_380] : memref<1x16xf32, #tpu.memory_space<vmem>>, vector<1x16xf32>
    %add3A_382 = vector.broadcast %get3A_381 : vector<1x16xf32> to vector<1000x16xf32>
    %add3A_383 = arith.addf %dot_general3A_378, %add3A_382 : vector<1000x16xf32>
    %max3A_384 = arith.constant 0.000000e+00 : f32
    %max3A_385 = vector.broadcast %max3A_384 : f32 to vector<1000x16xf32>
    %max3A_386 = arith.maximumf %add3A_383, %max3A_385 : vector<1000x16xf32>
    %get3A_387 = arith.constant 9 : index
    %get3A_388 = arith.constant 0 : index
    %get3A_389 = memref.load %arg4[%get3A_387, %get3A_388] : memref<12x4xf32, #tpu.memory_space<smem>>
    %mul3A_390 = vector.broadcast %get3A_389 : f32 to vector<1000x16xf32>
    %mul3A_391 = arith.mulf %max3A_386, %mul3A_390 : vector<1000x16xf32>
    %add3A_392 = arith.addf %add3A_350, %mul3A_391 : vector<1000x16xf32>
    %get3A_393 = arith.constant 9 : index
    %get3A_394 = arith.constant 1 : index
    %get3A_395 = memref.load %arg4[%get3A_393, %get3A_394] : memref<12x4xf32, #tpu.memory_space<smem>>
    %mul3A_396 = vector.broadcast %get3A_395 : f32 to vector<1000x16xf32>
    %mul3A_397 = arith.mulf %max3A_386, %mul3A_396 : vector<1000x16xf32>
    %add3A_398 = arith.addf %add3A_356, %mul3A_397 : vector<1000x16xf32>
    %get3A_399 = arith.constant 9 : index
    %get3A_400 = arith.constant 2 : index
    %get3A_401 = memref.load %arg4[%get3A_399, %get3A_400] : memref<12x4xf32, #tpu.memory_space<smem>>
    %mul3A_402 = vector.broadcast %get3A_401 : f32 to vector<1000x16xf32>
    %mul3A_403 = arith.mulf %max3A_386, %mul3A_402 : vector<1000x16xf32>
    %add3A_404 = arith.addf %add3A_362, %mul3A_403 : vector<1000x16xf32>
    %get3A_405 = arith.constant 9 : index
    %get3A_406 = arith.constant 3 : index
    %get3A_407 = memref.load %arg4[%get3A_405, %get3A_406] : memref<12x4xf32, #tpu.memory_space<smem>>
    %mul3A_408 = vector.broadcast %get3A_407 : f32 to vector<1000x16xf32>
    %mul3A_409 = arith.mulf %max3A_386, %mul3A_408 : vector<1000x16xf32>
    %add3A_410 = arith.addf %add3A_368, %mul3A_409 : vector<1000x16xf32>
    %get3A_411 = arith.constant 0 : index
    %get3A_412 = arith.constant 10 : index
    %get3A_413 = arith.constant 0 : index
    %get3A_414 = vector.load %arg1[%get3A_411, %get3A_412, %get3A_413] : memref<1000x12x128xf32, #tpu.memory_space<vmem>>, vector<1000x1x128xf32>
    %get3A_415 = vector.shape_cast %get3A_414 : vector<1000x1x128xf32> to vector<1000x128xf32>
    %get3A_416 = arith.constant 0 : index
    %get3A_417 = arith.constant 0 : index
    %get3A_418 = vector.load %arg2[%get3A_416, %get3A_417] : memref<128x16xf32, #tpu.memory_space<vmem>>, vector<128x16xf32>
    %dot_general3A_419 = arith.constant dense<0.000000e+00> : vector<1000x16xf32>
    %dot_general3A_420 = tpu.matmul %get3A_415, %get3A_418, %dot_general3A_419 {dimension_numbers = #tpu.dot_dimension_numbers<[1], [0], [0], [1], [0, 0, 1, 1], [], []>, transpose_lhs_hint = false} : vector<1000x128xf32>, vector<128x16xf32>, vector<1000x16xf32> -> vector<1000x16xf32>
    %get3A_421 = arith.constant 0 : index
    %get3A_422 = arith.constant 0 : index
    %get3A_423 = vector.load %arg3[%get3A_421, %get3A_422] : memref<1x16xf32, #tpu.memory_space<vmem>>, vector<1x16xf32>
    %add3A_424 = vector.broadcast %get3A_423 : vector<1x16xf32> to vector<1000x16xf32>
    %add3A_425 = arith.addf %dot_general3A_420, %add3A_424 : vector<1000x16xf32>
    %max3A_426 = arith.constant 0.000000e+00 : f32
    %max3A_427 = vector.broadcast %max3A_426 : f32 to vector<1000x16xf32>
    %max3A_428 = arith.maximumf %add3A_425, %max3A_427 : vector<1000x16xf32>
    %get3A_429 = arith.constant 10 : index
    %get3A_430 = arith.constant 0 : index
    %get3A_431 = memref.load %arg4[%get3A_429, %get3A_430] : memref<12x4xf32, #tpu.memory_space<smem>>
    %mul3A_432 = vector.broadcast %get3A_431 : f32 to vector<1000x16xf32>
    %mul3A_433 = arith.mulf %max3A_428, %mul3A_432 : vector<1000x16xf32>
    %add3A_434 = arith.addf %add3A_392, %mul3A_433 : vector<1000x16xf32>
    %get3A_435 = arith.constant 10 : index
    %get3A_436 = arith.constant 1 : index
    %get3A_437 = memref.load %arg4[%get3A_435, %get3A_436] : memref<12x4xf32, #tpu.memory_space<smem>>
    %mul3A_438 = vector.broadcast %get3A_437 : f32 to vector<1000x16xf32>
    %mul3A_439 = arith.mulf %max3A_428, %mul3A_438 : vector<1000x16xf32>
    %add3A_440 = arith.addf %add3A_398, %mul3A_439 : vector<1000x16xf32>
    %get3A_441 = arith.constant 10 : index
    %get3A_442 = arith.constant 2 : index
    %get3A_443 = memref.load %arg4[%get3A_441, %get3A_442] : memref<12x4xf32, #tpu.memory_space<smem>>
    %mul3A_444 = vector.broadcast %get3A_443 : f32 to vector<1000x16xf32>
    %mul3A_445 = arith.mulf %max3A_428, %mul3A_444 : vector<1000x16xf32>
    %add3A_446 = arith.addf %add3A_404, %mul3A_445 : vector<1000x16xf32>
    %get3A_447 = arith.constant 10 : index
    %get3A_448 = arith.constant 3 : index
    %get3A_449 = memref.load %arg4[%get3A_447, %get3A_448] : memref<12x4xf32, #tpu.memory_space<smem>>
    %mul3A_450 = vector.broadcast %get3A_449 : f32 to vector<1000x16xf32>
    %mul3A_451 = arith.mulf %max3A_428, %mul3A_450 : vector<1000x16xf32>
    %add3A_452 = arith.addf %add3A_410, %mul3A_451 : vector<1000x16xf32>
    %get3A_453 = arith.constant 0 : index
    %get3A_454 = arith.constant 11 : index
    %get3A_455 = arith.constant 0 : index
    %get3A_456 = vector.load %arg1[%get3A_453, %get3A_454, %get3A_455] : memref<1000x12x128xf32, #tpu.memory_space<vmem>>, vector<1000x1x128xf32>
    %get3A_457 = vector.shape_cast %get3A_456 : vector<1000x1x128xf32> to vector<1000x128xf32>
    %get3A_458 = arith.constant 0 : index
    %get3A_459 = arith.constant 0 : index
    %get3A_460 = vector.load %arg2[%get3A_458, %get3A_459] : memref<128x16xf32, #tpu.memory_space<vmem>>, vector<128x16xf32>
    %dot_general3A_461 = arith.constant dense<0.000000e+00> : vector<1000x16xf32>
    %dot_general3A_462 = tpu.matmul %get3A_457, %get3A_460, %dot_general3A_461 {dimension_numbers = #tpu.dot_dimension_numbers<[1], [0], [0], [1], [0, 0, 1, 1], [], []>, transpose_lhs_hint = false} : vector<1000x128xf32>, vector<128x16xf32>, vector<1000x16xf32> -> vector<1000x16xf32>
    %get3A_463 = arith.constant 0 : index
    %get3A_464 = arith.constant 0 : index
    %get3A_465 = vector.load %arg3[%get3A_463, %get3A_464] : memref<1x16xf32, #tpu.memory_space<vmem>>, vector<1x16xf32>
    %add3A_466 = vector.broadcast %get3A_465 : vector<1x16xf32> to vector<1000x16xf32>
    %add3A_467 = arith.addf %dot_general3A_462, %add3A_466 : vector<1000x16xf32>
    %max3A_468 = arith.constant 0.000000e+00 : f32
    %max3A_469 = vector.broadcast %max3A_468 : f32 to vector<1000x16xf32>
    %max3A_470 = arith.maximumf %add3A_467, %max3A_469 : vector<1000x16xf32>
    %get3A_471 = arith.constant 11 : index
    %get3A_472 = arith.constant 0 : index
    %get3A_473 = memref.load %arg4[%get3A_471, %get3A_472] : memref<12x4xf32, #tpu.memory_space<smem>>
    %mul3A_474 = vector.broadcast %get3A_473 : f32 to vector<1000x16xf32>
    %mul3A_475 = arith.mulf %max3A_470, %mul3A_474 : vector<1000x16xf32>
    %add3A_476 = arith.addf %add3A_434, %mul3A_475 : vector<1000x16xf32>
    %get3A_477 = arith.constant 11 : index
    %get3A_478 = arith.constant 1 : index
    %get3A_479 = memref.load %arg4[%get3A_477, %get3A_478] : memref<12x4xf32, #tpu.memory_space<smem>>
    %mul3A_480 = vector.broadcast %get3A_479 : f32 to vector<1000x16xf32>
    %mul3A_481 = arith.mulf %max3A_470, %mul3A_480 : vector<1000x16xf32>
    %add3A_482 = arith.addf %add3A_440, %mul3A_481 : vector<1000x16xf32>
    %get3A_483 = arith.constant 11 : index
    %get3A_484 = arith.constant 2 : index
    %get3A_485 = memref.load %arg4[%get3A_483, %get3A_484] : memref<12x4xf32, #tpu.memory_space<smem>>
    %mul3A_486 = vector.broadcast %get3A_485 : f32 to vector<1000x16xf32>
    %mul3A_487 = arith.mulf %max3A_470, %mul3A_486 : vector<1000x16xf32>
    %add3A_488 = arith.addf %add3A_446, %mul3A_487 : vector<1000x16xf32>
    %get3A_489 = arith.constant 11 : index
    %get3A_490 = arith.constant 3 : index
    %get3A_491 = memref.load %arg4[%get3A_489, %get3A_490] : memref<12x4xf32, #tpu.memory_space<smem>>
    %mul3A_492 = vector.broadcast %get3A_491 : f32 to vector<1000x16xf32>
    %mul3A_493 = arith.mulf %max3A_470, %mul3A_492 : vector<1000x16xf32>
    %add3A_494 = arith.addf %add3A_452, %mul3A_493 : vector<1000x16xf32>
    %get3A_495 = arith.constant 0 : index
    %get3A_496 = arith.constant 0 : index
    %get3A_497 = memref.load %arg5[%get3A_495, %get3A_496] : memref<1x4xf32, #tpu.memory_space<smem>>
    %add3A_498 = vector.broadcast %get3A_497 : f32 to vector<1000x16xf32>
    %add3A_499 = arith.addf %add3A_476, %add3A_498 : vector<1000x16xf32>
    %max3A_500 = arith.constant 0.000000e+00 : f32
    %max3A_501 = vector.broadcast %max3A_500 : f32 to vector<1000x16xf32>
    %max3A_502 = arith.maximumf %add3A_499, %max3A_501 : vector<1000x16xf32>
    %swap3A = arith.constant 0 : index
    %swap3A_503 = arith.constant 0 : index
    %swap3A_504 = vector.load %arg6[%swap3A, %swap3A_503] : memref<1000x64xf32, #tpu.memory_space<vmem>>, vector<1000x16xf32>
    tpu.vector_store %arg6[%swap3A, %swap3A_503], %max3A_502 {strides = array<i32>} : memref<1000x64xf32, #tpu.memory_space<vmem>>, vector<1000x16xf32>,
    %get3A_505 = arith.constant 0 : index
    %get3A_506 = arith.constant 1 : index
    %get3A_507 = memref.load %arg5[%get3A_505, %get3A_506] : memref<1x4xf32, #tpu.memory_space<smem>>
    %add3A_508 = vector.broadcast %get3A_507 : f32 to vector<1000x16xf32>
    %add3A_509 = arith.addf %add3A_482, %add3A_508 : vector<1000x16xf32>
    %max3A_510 = arith.constant 0.000000e+00 : f32
    %max3A_511 = vector.broadcast %max3A_510 : f32 to vector<1000x16xf32>
    %max3A_512 = arith.maximumf %add3A_509, %max3A_511 : vector<1000x16xf32>
    %swap3A_513 = arith.constant 0 : index
    %swap3A_514 = arith.constant 16 : index
    %swap3A_515 = vector.load %arg6[%swap3A_513, %swap3A_514] : memref<1000x64xf32, #tpu.memory_space<vmem>>, vector<1000x16xf32>
    tpu.vector_store %arg6[%swap3A_513, %swap3A_514], %max3A_512 {strides = array<i32>} : memref<1000x64xf32, #tpu.memory_space<vmem>>, vector<1000x16xf32>,
    %get3A_516 = arith.constant 0 : index
    %get3A_517 = arith.constant 2 : index
    %get3A_518 = memref.load %arg5[%get3A_516, %get3A_517] : memref<1x4xf32, #tpu.memory_space<smem>>
    %add3A_519 = vector.broadcast %get3A_518 : f32 to vector<1000x16xf32>
    %add3A_520 = arith.addf %add3A_488, %add3A_519 : vector<1000x16xf32>
    %max3A_521 = arith.constant 0.000000e+00 : f32
    %max3A_522 = vector.broadcast %max3A_521 : f32 to vector<1000x16xf32>
    %max3A_523 = arith.maximumf %add3A_520, %max3A_522 : vector<1000x16xf32>
    %swap3A_524 = arith.constant 0 : index
    %swap3A_525 = arith.constant 32 : index
    %swap3A_526 = vector.load %arg6[%swap3A_524, %swap3A_525] : memref<1000x64xf32, #tpu.memory_space<vmem>>, vector<1000x16xf32>
    tpu.vector_store %arg6[%swap3A_524, %swap3A_525], %max3A_523 {strides = array<i32>} : memref<1000x64xf32, #tpu.memory_space<vmem>>, vector<1000x16xf32>,
    %get3A_527 = arith.constant 0 : index
    %get3A_528 = arith.constant 3 : index
    %get3A_529 = memref.load %arg5[%get3A_527, %get3A_528] : memref<1x4xf32, #tpu.memory_space<smem>>
    %add3A_530 = vector.broadcast %get3A_529 : f32 to vector<1000x16xf32>
    %add3A_531 = arith.addf %add3A_494, %add3A_530 : vector<1000x16xf32>
    %max3A_532 = arith.constant 0.000000e+00 : f32
    %max3A_533 = vector.broadcast %max3A_532 : f32 to vector<1000x16xf32>
    %max3A_534 = arith.maximumf %add3A_531, %max3A_533 : vector<1000x16xf32>
    %swap3A_535 = arith.constant 0 : index
    %swap3A_536 = arith.constant 48 : index
    %swap3A_537 = vector.load %arg6[%swap3A_535, %swap3A_536] : memref<1000x64xf32, #tpu.memory_space<vmem>>, vector<1000x16xf32>
    tpu.vector_store %arg6[%swap3A_535, %swap3A_536], %max3A_534 {strides = array<i32>} : memref<1000x64xf32, #tpu.memory_space<vmem>>, vector<1000x16xf32>,
    return
  }
  func.func @transform_0(%arg0: i32) -> (i32, i32, i32) {
    %c0_i32 = arith.constant 0 : i32
    %c0_i32_0 = arith.constant 0 : i32
    %c0_i32_1 = arith.constant 0 : i32
    return %arg0, %c0_i32, %c0_i32_0 : i32, i32, i32
  }
  func.func @transform_1(%arg0: i32) -> (i32, i32) {
    %c0_i32 = arith.constant 0 : i32
    %c0_i32_0 = arith.constant 0 : i32
    %c0_i32_1 = arith.constant 0 : i32
    return %c0_i32, %c0_i32_0 : i32, i32
  }
  func.func @transform_2(%arg0: i32) -> (i32, i32) {
    %c0_i32 = arith.constant 0 : i32
    %c0_i32_0 = arith.constant 0 : i32
    %c0_i32_1 = arith.constant 0 : i32
    return %c0_i32, %c0_i32_0 : i32, i32
  }
  func.func @transform_3(%arg0: i32) -> (i32, i32) {
    %c0_i32 = arith.constant 0 : i32
    %c0_i32_0 = arith.constant 0 : i32
    %c0_i32_1 = arith.constant 0 : i32
    return %c0_i32, %c0_i32_0 : i32, i32
  }
  func.func @transform_4(%arg0: i32) -> (i32, i32) {
    %c0_i32 = arith.constant 0 : i32
    %c0_i32_0 = arith.constant 0 : i32
    %c0_i32_1 = arith.constant 0 : i32
    return %c0_i32, %c0_i32_0 : i32, i32
  }
  func.func @transform_5(%arg0: i32) -> (i32, i32) {
    %c0_i32 = arith.constant 0 : i32
    %c0_i32_0 = arith.constant 0 : i32
    return %arg0, %c0_i32 : i32, i32
  }
}

module attributes {stable_mosaic.version = 14 : i64} {
  func.func @_back_body(%arg0: i32, %arg1: memref<2x1000x64xf32, #tpu.memory_space<vmem>>, %arg2: memref<2x1000x16xf32, #tpu.memory_space<vmem>>, %arg3: memref<4x12xf32, #tpu.memory_space<smem>>, %arg4: memref<1x12xf32, #tpu.memory_space<smem>>, %arg5: memref<1x16xf32, #tpu.memory_space<vmem>>, %arg6: memref<1x1xf32, #tpu.memory_space<smem>>, %arg7: memref<1000x12xf32, #tpu.memory_space<vmem>>) attributes {dimension_semantics = [#tpu.dimension_semantics<arbitrary>], iteration_bounds = array<i64: 10>, scalar_prefetch = 0 : i64, scratch_operands = 0 : i64, tpu.core_type = #tpu.core_type<tc>, window_params = [{transform_indices = @transform_0, window_bounds = array<i64: 2, 1000, 64>}, {transform_indices = @transform_1, window_bounds = array<i64: 2, 1000, 16>}, {transform_indices = @transform_2, window_bounds = array<i64: 4, 12>}, {transform_indices = @transform_3, window_bounds = array<i64: 1, 12>}, {pipeline_mode = #tpu.pipeline_mode<synchronous>, transform_indices = @transform_4, window_bounds = array<i64: 1, 16>}, {transform_indices = @transform_5, window_bounds = array<i64: 1, 1>}, {transform_indices = @transform_6, window_bounds = array<i64: 1000, 12>}]} {
    %get3A = arith.constant 0 : index
    %get3A_0 = arith.constant 0 : index
    %get3A_1 = arith.constant 0 : index
    %get3A_2 = vector.load %arg2[%get3A, %get3A_0, %get3A_1] : memref<2x1000x16xf32, #tpu.memory_space<vmem>>, vector<1x1000x16xf32>
    %get3A_3 = vector.shape_cast %get3A_2 : vector<1x1000x16xf32> to vector<1000x16xf32>
    %get3A_4 = arith.constant 1 : index
    %get3A_5 = arith.constant 0 : index
    %get3A_6 = arith.constant 0 : index
    %get3A_7 = vector.load %arg2[%get3A_4, %get3A_5, %get3A_6] : memref<2x1000x16xf32, #tpu.memory_space<vmem>>, vector<1x1000x16xf32>
    %get3A_8 = vector.shape_cast %get3A_7 : vector<1x1000x16xf32> to vector<1000x16xf32>
    %add3A = arith.addf %get3A_3, %get3A_8 : vector<1000x16xf32>
    %max3A = arith.constant 1.000000e+00 : f32
    %max3A_9 = vector.broadcast %max3A : f32 to vector<1000x16xf32>
    %max3A_10 = arith.maximumf %add3A, %max3A_9 : vector<1000x16xf32>
    %div3A = arith.constant 1.000000e+00 : f32
    %div3A_11 = vector.broadcast %div3A : f32 to vector<1000x16xf32>
    %div3A_12 = arith.divf %div3A_11, %max3A_10 : vector<1000x16xf32>
    %get3A_13 = arith.constant 0 : index
    %get3A_14 = arith.constant 0 : index
    %get3A_15 = arith.constant 0 : index
    %get3A_16 = vector.load %arg1[%get3A_13, %get3A_14, %get3A_15] : memref<2x1000x64xf32, #tpu.memory_space<vmem>>, vector<1x1000x16xf32>
    %get3A_17 = vector.shape_cast %get3A_16 : vector<1x1000x16xf32> to vector<1000x16xf32>
    %get3A_18 = arith.constant 1 : index
    %get3A_19 = arith.constant 0 : index
    %get3A_20 = arith.constant 0 : index
    %get3A_21 = vector.load %arg1[%get3A_18, %get3A_19, %get3A_20] : memref<2x1000x64xf32, #tpu.memory_space<vmem>>, vector<1x1000x16xf32>
    %get3A_22 = vector.shape_cast %get3A_21 : vector<1x1000x16xf32> to vector<1000x16xf32>
    %add3A_23 = arith.addf %get3A_17, %get3A_22 : vector<1000x16xf32>
    %mul3A = arith.mulf %add3A_23, %div3A_12 : vector<1000x16xf32>
    %max3A_24 = arith.constant 0.000000e+00 : f32
    %max3A_25 = vector.broadcast %max3A_24 : f32 to vector<1000x16xf32>
    %max3A_26 = arith.maximumf %mul3A, %max3A_25 : vector<1000x16xf32>
    %get3A_27 = arith.constant 0 : index
    %get3A_28 = arith.constant 0 : index
    %get3A_29 = arith.constant 16 : index
    %get3A_30 = vector.load %arg1[%get3A_27, %get3A_28, %get3A_29] : memref<2x1000x64xf32, #tpu.memory_space<vmem>>, vector<1x1000x16xf32>
    %get3A_31 = vector.shape_cast %get3A_30 : vector<1x1000x16xf32> to vector<1000x16xf32>
    %get3A_32 = arith.constant 1 : index
    %get3A_33 = arith.constant 0 : index
    %get3A_34 = arith.constant 16 : index
    %get3A_35 = vector.load %arg1[%get3A_32, %get3A_33, %get3A_34] : memref<2x1000x64xf32, #tpu.memory_space<vmem>>, vector<1x1000x16xf32>
    %get3A_36 = vector.shape_cast %get3A_35 : vector<1x1000x16xf32> to vector<1000x16xf32>
    %add3A_37 = arith.addf %get3A_31, %get3A_36 : vector<1000x16xf32>
    %mul3A_38 = arith.mulf %add3A_37, %div3A_12 : vector<1000x16xf32>
    %max3A_39 = arith.constant 0.000000e+00 : f32
    %max3A_40 = vector.broadcast %max3A_39 : f32 to vector<1000x16xf32>
    %max3A_41 = arith.maximumf %mul3A_38, %max3A_40 : vector<1000x16xf32>
    %get3A_42 = arith.constant 0 : index
    %get3A_43 = arith.constant 0 : index
    %get3A_44 = arith.constant 32 : index
    %get3A_45 = vector.load %arg1[%get3A_42, %get3A_43, %get3A_44] : memref<2x1000x64xf32, #tpu.memory_space<vmem>>, vector<1x1000x16xf32>
    %get3A_46 = vector.shape_cast %get3A_45 : vector<1x1000x16xf32> to vector<1000x16xf32>
    %get3A_47 = arith.constant 1 : index
    %get3A_48 = arith.constant 0 : index
    %get3A_49 = arith.constant 32 : index
    %get3A_50 = vector.load %arg1[%get3A_47, %get3A_48, %get3A_49] : memref<2x1000x64xf32, #tpu.memory_space<vmem>>, vector<1x1000x16xf32>
    %get3A_51 = vector.shape_cast %get3A_50 : vector<1x1000x16xf32> to vector<1000x16xf32>
    %add3A_52 = arith.addf %get3A_46, %get3A_51 : vector<1000x16xf32>
    %mul3A_53 = arith.mulf %add3A_52, %div3A_12 : vector<1000x16xf32>
    %max3A_54 = arith.constant 0.000000e+00 : f32
    %max3A_55 = vector.broadcast %max3A_54 : f32 to vector<1000x16xf32>
    %max3A_56 = arith.maximumf %mul3A_53, %max3A_55 : vector<1000x16xf32>
    %get3A_57 = arith.constant 0 : index
    %get3A_58 = arith.constant 0 : index
    %get3A_59 = arith.constant 48 : index
    %get3A_60 = vector.load %arg1[%get3A_57, %get3A_58, %get3A_59] : memref<2x1000x64xf32, #tpu.memory_space<vmem>>, vector<1x1000x16xf32>
    %get3A_61 = vector.shape_cast %get3A_60 : vector<1x1000x16xf32> to vector<1000x16xf32>
    %get3A_62 = arith.constant 1 : index
    %get3A_63 = arith.constant 0 : index
    %get3A_64 = arith.constant 48 : index
    %get3A_65 = vector.load %arg1[%get3A_62, %get3A_63, %get3A_64] : memref<2x1000x64xf32, #tpu.memory_space<vmem>>, vector<1x1000x16xf32>
    %get3A_66 = vector.shape_cast %get3A_65 : vector<1x1000x16xf32> to vector<1000x16xf32>
    %add3A_67 = arith.addf %get3A_61, %get3A_66 : vector<1000x16xf32>
    %mul3A_68 = arith.mulf %add3A_67, %div3A_12 : vector<1000x16xf32>
    %max3A_69 = arith.constant 0.000000e+00 : f32
    %max3A_70 = vector.broadcast %max3A_69 : f32 to vector<1000x16xf32>
    %max3A_71 = arith.maximumf %mul3A_68, %max3A_70 : vector<1000x16xf32>
    %get3A_72 = arith.constant 0 : index
    %get3A_73 = arith.constant 0 : index
    %get3A_74 = memref.load %arg3[%get3A_72, %get3A_73] : memref<4x12xf32, #tpu.memory_space<smem>>
    %mul3A_75 = vector.broadcast %get3A_74 : f32 to vector<1000x16xf32>
    %mul3A_76 = arith.mulf %max3A_26, %mul3A_75 : vector<1000x16xf32>
    %get3A_77 = arith.constant 1 : index
    %get3A_78 = arith.constant 0 : index
    %get3A_79 = memref.load %arg3[%get3A_77, %get3A_78] : memref<4x12xf32, #tpu.memory_space<smem>>
    %mul3A_80 = vector.broadcast %get3A_79 : f32 to vector<1000x16xf32>
    %mul3A_81 = arith.mulf %max3A_41, %mul3A_80 : vector<1000x16xf32>
    %add3A_82 = arith.addf %mul3A_76, %mul3A_81 : vector<1000x16xf32>
    %get3A_83 = arith.constant 2 : index
    %get3A_84 = arith.constant 0 : index
    %get3A_85 = memref.load %arg3[%get3A_83, %get3A_84] : memref<4x12xf32, #tpu.memory_space<smem>>
    %mul3A_86 = vector.broadcast %get3A_85 : f32 to vector<1000x16xf32>
    %mul3A_87 = arith.mulf %max3A_56, %mul3A_86 : vector<1000x16xf32>
    %add3A_88 = arith.addf %add3A_82, %mul3A_87 : vector<1000x16xf32>
    %get3A_89 = arith.constant 3 : index
    %get3A_90 = arith.constant 0 : index
    %get3A_91 = memref.load %arg3[%get3A_89, %get3A_90] : memref<4x12xf32, #tpu.memory_space<smem>>
    %mul3A_92 = vector.broadcast %get3A_91 : f32 to vector<1000x16xf32>
    %mul3A_93 = arith.mulf %max3A_71, %mul3A_92 : vector<1000x16xf32>
    %add3A_94 = arith.addf %add3A_88, %mul3A_93 : vector<1000x16xf32>
    %get3A_95 = arith.constant 0 : index
    %get3A_96 = arith.constant 0 : index
    %get3A_97 = memref.load %arg4[%get3A_95, %get3A_96] : memref<1x12xf32, #tpu.memory_space<smem>>
    %add3A_98 = vector.broadcast %get3A_97 : f32 to vector<1000x16xf32>
    %add3A_99 = arith.addf %add3A_94, %add3A_98 : vector<1000x16xf32>
    %max3A_100 = arith.constant 0.000000e+00 : f32
    %max3A_101 = vector.broadcast %max3A_100 : f32 to vector<1000x16xf32>
    %max3A_102 = arith.maximumf %add3A_99, %max3A_101 : vector<1000x16xf32>
    %get3A_103 = arith.constant 0 : index
    %get3A_104 = arith.constant 0 : index
    %get3A_105 = vector.load %arg5[%get3A_103, %get3A_104] : memref<1x16xf32, #tpu.memory_space<vmem>>, vector<1x16xf32>
    %mul3A_106 = vector.broadcast %get3A_105 : vector<1x16xf32> to vector<1000x16xf32>
    %mul3A_107 = arith.mulf %max3A_102, %mul3A_106 : vector<1000x16xf32>
    %reduce_sum3A = arith.constant dense<0.000000e+00> : vector<1000xf32>
    %reduce_sum3A_108 = vector.multi_reduction <add>, %mul3A_107, %reduce_sum3A [1] : vector<1000x16xf32> to vector<1000xf32>
    %broadcast_in_dim3A = vector.shape_cast %reduce_sum3A_108 : vector<1000xf32> to vector<1000x1xf32>
    %get3A_109 = arith.constant 0 : index
    %get3A_110 = arith.constant 0 : index
    %get3A_111 = memref.load %arg6[%get3A_109, %get3A_110] : memref<1x1xf32, #tpu.memory_space<smem>>
    %add3A_112 = vector.broadcast %get3A_111 : f32 to vector<1000x1xf32>
    %add3A_113 = arith.addf %broadcast_in_dim3A, %add3A_112 : vector<1000x1xf32>
    %get3A_114 = arith.constant 0 : index
    %get3A_115 = arith.constant 1 : index
    %get3A_116 = memref.load %arg3[%get3A_114, %get3A_115] : memref<4x12xf32, #tpu.memory_space<smem>>
    %mul3A_117 = vector.broadcast %get3A_116 : f32 to vector<1000x16xf32>
    %mul3A_118 = arith.mulf %max3A_26, %mul3A_117 : vector<1000x16xf32>
    %get3A_119 = arith.constant 1 : index
    %get3A_120 = arith.constant 1 : index
    %get3A_121 = memref.load %arg3[%get3A_119, %get3A_120] : memref<4x12xf32, #tpu.memory_space<smem>>
    %mul3A_122 = vector.broadcast %get3A_121 : f32 to vector<1000x16xf32>
    %mul3A_123 = arith.mulf %max3A_41, %mul3A_122 : vector<1000x16xf32>
    %add3A_124 = arith.addf %mul3A_118, %mul3A_123 : vector<1000x16xf32>
    %get3A_125 = arith.constant 2 : index
    %get3A_126 = arith.constant 1 : index
    %get3A_127 = memref.load %arg3[%get3A_125, %get3A_126] : memref<4x12xf32, #tpu.memory_space<smem>>
    %mul3A_128 = vector.broadcast %get3A_127 : f32 to vector<1000x16xf32>
    %mul3A_129 = arith.mulf %max3A_56, %mul3A_128 : vector<1000x16xf32>
    %add3A_130 = arith.addf %add3A_124, %mul3A_129 : vector<1000x16xf32>
    %get3A_131 = arith.constant 3 : index
    %get3A_132 = arith.constant 1 : index
    %get3A_133 = memref.load %arg3[%get3A_131, %get3A_132] : memref<4x12xf32, #tpu.memory_space<smem>>
    %mul3A_134 = vector.broadcast %get3A_133 : f32 to vector<1000x16xf32>
    %mul3A_135 = arith.mulf %max3A_71, %mul3A_134 : vector<1000x16xf32>
    %add3A_136 = arith.addf %add3A_130, %mul3A_135 : vector<1000x16xf32>
    %get3A_137 = arith.constant 0 : index
    %get3A_138 = arith.constant 1 : index
    %get3A_139 = memref.load %arg4[%get3A_137, %get3A_138] : memref<1x12xf32, #tpu.memory_space<smem>>
    %add3A_140 = vector.broadcast %get3A_139 : f32 to vector<1000x16xf32>
    %add3A_141 = arith.addf %add3A_136, %add3A_140 : vector<1000x16xf32>
    %max3A_142 = arith.constant 0.000000e+00 : f32
    %max3A_143 = vector.broadcast %max3A_142 : f32 to vector<1000x16xf32>
    %max3A_144 = arith.maximumf %add3A_141, %max3A_143 : vector<1000x16xf32>
    %get3A_145 = arith.constant 0 : index
    %get3A_146 = arith.constant 0 : index
    %get3A_147 = vector.load %arg5[%get3A_145, %get3A_146] : memref<1x16xf32, #tpu.memory_space<vmem>>, vector<1x16xf32>
    %mul3A_148 = vector.broadcast %get3A_147 : vector<1x16xf32> to vector<1000x16xf32>
    %mul3A_149 = arith.mulf %max3A_144, %mul3A_148 : vector<1000x16xf32>
    %reduce_sum3A_150 = arith.constant dense<0.000000e+00> : vector<1000xf32>
    %reduce_sum3A_151 = vector.multi_reduction <add>, %mul3A_149, %reduce_sum3A_150 [1] : vector<1000x16xf32> to vector<1000xf32>
    %broadcast_in_dim3A_152 = vector.shape_cast %reduce_sum3A_151 : vector<1000xf32> to vector<1000x1xf32>
    %get3A_153 = arith.constant 0 : index
    %get3A_154 = arith.constant 0 : index
    %get3A_155 = memref.load %arg6[%get3A_153, %get3A_154] : memref<1x1xf32, #tpu.memory_space<smem>>
    %add3A_156 = vector.broadcast %get3A_155 : f32 to vector<1000x1xf32>
    %add3A_157 = arith.addf %broadcast_in_dim3A_152, %add3A_156 : vector<1000x1xf32>
    %get3A_158 = arith.constant 0 : index
    %get3A_159 = arith.constant 2 : index
    %get3A_160 = memref.load %arg3[%get3A_158, %get3A_159] : memref<4x12xf32, #tpu.memory_space<smem>>
    %mul3A_161 = vector.broadcast %get3A_160 : f32 to vector<1000x16xf32>
    %mul3A_162 = arith.mulf %max3A_26, %mul3A_161 : vector<1000x16xf32>
    %get3A_163 = arith.constant 1 : index
    %get3A_164 = arith.constant 2 : index
    %get3A_165 = memref.load %arg3[%get3A_163, %get3A_164] : memref<4x12xf32, #tpu.memory_space<smem>>
    %mul3A_166 = vector.broadcast %get3A_165 : f32 to vector<1000x16xf32>
    %mul3A_167 = arith.mulf %max3A_41, %mul3A_166 : vector<1000x16xf32>
    %add3A_168 = arith.addf %mul3A_162, %mul3A_167 : vector<1000x16xf32>
    %get3A_169 = arith.constant 2 : index
    %get3A_170 = arith.constant 2 : index
    %get3A_171 = memref.load %arg3[%get3A_169, %get3A_170] : memref<4x12xf32, #tpu.memory_space<smem>>
    %mul3A_172 = vector.broadcast %get3A_171 : f32 to vector<1000x16xf32>
    %mul3A_173 = arith.mulf %max3A_56, %mul3A_172 : vector<1000x16xf32>
    %add3A_174 = arith.addf %add3A_168, %mul3A_173 : vector<1000x16xf32>
    %get3A_175 = arith.constant 3 : index
    %get3A_176 = arith.constant 2 : index
    %get3A_177 = memref.load %arg3[%get3A_175, %get3A_176] : memref<4x12xf32, #tpu.memory_space<smem>>
    %mul3A_178 = vector.broadcast %get3A_177 : f32 to vector<1000x16xf32>
    %mul3A_179 = arith.mulf %max3A_71, %mul3A_178 : vector<1000x16xf32>
    %add3A_180 = arith.addf %add3A_174, %mul3A_179 : vector<1000x16xf32>
    %get3A_181 = arith.constant 0 : index
    %get3A_182 = arith.constant 2 : index
    %get3A_183 = memref.load %arg4[%get3A_181, %get3A_182] : memref<1x12xf32, #tpu.memory_space<smem>>
    %add3A_184 = vector.broadcast %get3A_183 : f32 to vector<1000x16xf32>
    %add3A_185 = arith.addf %add3A_180, %add3A_184 : vector<1000x16xf32>
    %max3A_186 = arith.constant 0.000000e+00 : f32
    %max3A_187 = vector.broadcast %max3A_186 : f32 to vector<1000x16xf32>
    %max3A_188 = arith.maximumf %add3A_185, %max3A_187 : vector<1000x16xf32>
    %get3A_189 = arith.constant 0 : index
    %get3A_190 = arith.constant 0 : index
    %get3A_191 = vector.load %arg5[%get3A_189, %get3A_190] : memref<1x16xf32, #tpu.memory_space<vmem>>, vector<1x16xf32>
    %mul3A_192 = vector.broadcast %get3A_191 : vector<1x16xf32> to vector<1000x16xf32>
    %mul3A_193 = arith.mulf %max3A_188, %mul3A_192 : vector<1000x16xf32>
    %reduce_sum3A_194 = arith.constant dense<0.000000e+00> : vector<1000xf32>
    %reduce_sum3A_195 = vector.multi_reduction <add>, %mul3A_193, %reduce_sum3A_194 [1] : vector<1000x16xf32> to vector<1000xf32>
    %broadcast_in_dim3A_196 = vector.shape_cast %reduce_sum3A_195 : vector<1000xf32> to vector<1000x1xf32>
    %get3A_197 = arith.constant 0 : index
    %get3A_198 = arith.constant 0 : index
    %get3A_199 = memref.load %arg6[%get3A_197, %get3A_198] : memref<1x1xf32, #tpu.memory_space<smem>>
    %add3A_200 = vector.broadcast %get3A_199 : f32 to vector<1000x1xf32>
    %add3A_201 = arith.addf %broadcast_in_dim3A_196, %add3A_200 : vector<1000x1xf32>
    %get3A_202 = arith.constant 0 : index
    %get3A_203 = arith.constant 3 : index
    %get3A_204 = memref.load %arg3[%get3A_202, %get3A_203] : memref<4x12xf32, #tpu.memory_space<smem>>
    %mul3A_205 = vector.broadcast %get3A_204 : f32 to vector<1000x16xf32>
    %mul3A_206 = arith.mulf %max3A_26, %mul3A_205 : vector<1000x16xf32>
    %get3A_207 = arith.constant 1 : index
    %get3A_208 = arith.constant 3 : index
    %get3A_209 = memref.load %arg3[%get3A_207, %get3A_208] : memref<4x12xf32, #tpu.memory_space<smem>>
    %mul3A_210 = vector.broadcast %get3A_209 : f32 to vector<1000x16xf32>
    %mul3A_211 = arith.mulf %max3A_41, %mul3A_210 : vector<1000x16xf32>
    %add3A_212 = arith.addf %mul3A_206, %mul3A_211 : vector<1000x16xf32>
    %get3A_213 = arith.constant 2 : index
    %get3A_214 = arith.constant 3 : index
    %get3A_215 = memref.load %arg3[%get3A_213, %get3A_214] : memref<4x12xf32, #tpu.memory_space<smem>>
    %mul3A_216 = vector.broadcast %get3A_215 : f32 to vector<1000x16xf32>
    %mul3A_217 = arith.mulf %max3A_56, %mul3A_216 : vector<1000x16xf32>
    %add3A_218 = arith.addf %add3A_212, %mul3A_217 : vector<1000x16xf32>
    %get3A_219 = arith.constant 3 : index
    %get3A_220 = arith.constant 3 : index
    %get3A_221 = memref.load %arg3[%get3A_219, %get3A_220] : memref<4x12xf32, #tpu.memory_space<smem>>
    %mul3A_222 = vector.broadcast %get3A_221 : f32 to vector<1000x16xf32>
    %mul3A_223 = arith.mulf %max3A_71, %mul3A_222 : vector<1000x16xf32>
    %add3A_224 = arith.addf %add3A_218, %mul3A_223 : vector<1000x16xf32>
    %get3A_225 = arith.constant 0 : index
    %get3A_226 = arith.constant 3 : index
    %get3A_227 = memref.load %arg4[%get3A_225, %get3A_226] : memref<1x12xf32, #tpu.memory_space<smem>>
    %add3A_228 = vector.broadcast %get3A_227 : f32 to vector<1000x16xf32>
    %add3A_229 = arith.addf %add3A_224, %add3A_228 : vector<1000x16xf32>
    %max3A_230 = arith.constant 0.000000e+00 : f32
    %max3A_231 = vector.broadcast %max3A_230 : f32 to vector<1000x16xf32>
    %max3A_232 = arith.maximumf %add3A_229, %max3A_231 : vector<1000x16xf32>
    %get3A_233 = arith.constant 0 : index
    %get3A_234 = arith.constant 0 : index
    %get3A_235 = vector.load %arg5[%get3A_233, %get3A_234] : memref<1x16xf32, #tpu.memory_space<vmem>>, vector<1x16xf32>
    %mul3A_236 = vector.broadcast %get3A_235 : vector<1x16xf32> to vector<1000x16xf32>
    %mul3A_237 = arith.mulf %max3A_232, %mul3A_236 : vector<1000x16xf32>
    %reduce_sum3A_238 = arith.constant dense<0.000000e+00> : vector<1000xf32>
    %reduce_sum3A_239 = vector.multi_reduction <add>, %mul3A_237, %reduce_sum3A_238 [1] : vector<1000x16xf32> to vector<1000xf32>
    %broadcast_in_dim3A_240 = vector.shape_cast %reduce_sum3A_239 : vector<1000xf32> to vector<1000x1xf32>
    %get3A_241 = arith.constant 0 : index
    %get3A_242 = arith.constant 0 : index
    %get3A_243 = memref.load %arg6[%get3A_241, %get3A_242] : memref<1x1xf32, #tpu.memory_space<smem>>
    %add3A_244 = vector.broadcast %get3A_243 : f32 to vector<1000x1xf32>
    %add3A_245 = arith.addf %broadcast_in_dim3A_240, %add3A_244 : vector<1000x1xf32>
    %get3A_246 = arith.constant 0 : index
    %get3A_247 = arith.constant 4 : index
    %get3A_248 = memref.load %arg3[%get3A_246, %get3A_247] : memref<4x12xf32, #tpu.memory_space<smem>>
    %mul3A_249 = vector.broadcast %get3A_248 : f32 to vector<1000x16xf32>
    %mul3A_250 = arith.mulf %max3A_26, %mul3A_249 : vector<1000x16xf32>
    %get3A_251 = arith.constant 1 : index
    %get3A_252 = arith.constant 4 : index
    %get3A_253 = memref.load %arg3[%get3A_251, %get3A_252] : memref<4x12xf32, #tpu.memory_space<smem>>
    %mul3A_254 = vector.broadcast %get3A_253 : f32 to vector<1000x16xf32>
    %mul3A_255 = arith.mulf %max3A_41, %mul3A_254 : vector<1000x16xf32>
    %add3A_256 = arith.addf %mul3A_250, %mul3A_255 : vector<1000x16xf32>
    %get3A_257 = arith.constant 2 : index
    %get3A_258 = arith.constant 4 : index
    %get3A_259 = memref.load %arg3[%get3A_257, %get3A_258] : memref<4x12xf32, #tpu.memory_space<smem>>
    %mul3A_260 = vector.broadcast %get3A_259 : f32 to vector<1000x16xf32>
    %mul3A_261 = arith.mulf %max3A_56, %mul3A_260 : vector<1000x16xf32>
    %add3A_262 = arith.addf %add3A_256, %mul3A_261 : vector<1000x16xf32>
    %get3A_263 = arith.constant 3 : index
    %get3A_264 = arith.constant 4 : index
    %get3A_265 = memref.load %arg3[%get3A_263, %get3A_264] : memref<4x12xf32, #tpu.memory_space<smem>>
    %mul3A_266 = vector.broadcast %get3A_265 : f32 to vector<1000x16xf32>
    %mul3A_267 = arith.mulf %max3A_71, %mul3A_266 : vector<1000x16xf32>
    %add3A_268 = arith.addf %add3A_262, %mul3A_267 : vector<1000x16xf32>
    %get3A_269 = arith.constant 0 : index
    %get3A_270 = arith.constant 4 : index
    %get3A_271 = memref.load %arg4[%get3A_269, %get3A_270] : memref<1x12xf32, #tpu.memory_space<smem>>
    %add3A_272 = vector.broadcast %get3A_271 : f32 to vector<1000x16xf32>
    %add3A_273 = arith.addf %add3A_268, %add3A_272 : vector<1000x16xf32>
    %max3A_274 = arith.constant 0.000000e+00 : f32
    %max3A_275 = vector.broadcast %max3A_274 : f32 to vector<1000x16xf32>
    %max3A_276 = arith.maximumf %add3A_273, %max3A_275 : vector<1000x16xf32>
    %get3A_277 = arith.constant 0 : index
    %get3A_278 = arith.constant 0 : index
    %get3A_279 = vector.load %arg5[%get3A_277, %get3A_278] : memref<1x16xf32, #tpu.memory_space<vmem>>, vector<1x16xf32>
    %mul3A_280 = vector.broadcast %get3A_279 : vector<1x16xf32> to vector<1000x16xf32>
    %mul3A_281 = arith.mulf %max3A_276, %mul3A_280 : vector<1000x16xf32>
    %reduce_sum3A_282 = arith.constant dense<0.000000e+00> : vector<1000xf32>
    %reduce_sum3A_283 = vector.multi_reduction <add>, %mul3A_281, %reduce_sum3A_282 [1] : vector<1000x16xf32> to vector<1000xf32>
    %broadcast_in_dim3A_284 = vector.shape_cast %reduce_sum3A_283 : vector<1000xf32> to vector<1000x1xf32>
    %get3A_285 = arith.constant 0 : index
    %get3A_286 = arith.constant 0 : index
    %get3A_287 = memref.load %arg6[%get3A_285, %get3A_286] : memref<1x1xf32, #tpu.memory_space<smem>>
    %add3A_288 = vector.broadcast %get3A_287 : f32 to vector<1000x1xf32>
    %add3A_289 = arith.addf %broadcast_in_dim3A_284, %add3A_288 : vector<1000x1xf32>
    %get3A_290 = arith.constant 0 : index
    %get3A_291 = arith.constant 5 : index
    %get3A_292 = memref.load %arg3[%get3A_290, %get3A_291] : memref<4x12xf32, #tpu.memory_space<smem>>
    %mul3A_293 = vector.broadcast %get3A_292 : f32 to vector<1000x16xf32>
    %mul3A_294 = arith.mulf %max3A_26, %mul3A_293 : vector<1000x16xf32>
    %get3A_295 = arith.constant 1 : index
    %get3A_296 = arith.constant 5 : index
    %get3A_297 = memref.load %arg3[%get3A_295, %get3A_296] : memref<4x12xf32, #tpu.memory_space<smem>>
    %mul3A_298 = vector.broadcast %get3A_297 : f32 to vector<1000x16xf32>
    %mul3A_299 = arith.mulf %max3A_41, %mul3A_298 : vector<1000x16xf32>
    %add3A_300 = arith.addf %mul3A_294, %mul3A_299 : vector<1000x16xf32>
    %get3A_301 = arith.constant 2 : index
    %get3A_302 = arith.constant 5 : index
    %get3A_303 = memref.load %arg3[%get3A_301, %get3A_302] : memref<4x12xf32, #tpu.memory_space<smem>>
    %mul3A_304 = vector.broadcast %get3A_303 : f32 to vector<1000x16xf32>
    %mul3A_305 = arith.mulf %max3A_56, %mul3A_304 : vector<1000x16xf32>
    %add3A_306 = arith.addf %add3A_300, %mul3A_305 : vector<1000x16xf32>
    %get3A_307 = arith.constant 3 : index
    %get3A_308 = arith.constant 5 : index
    %get3A_309 = memref.load %arg3[%get3A_307, %get3A_308] : memref<4x12xf32, #tpu.memory_space<smem>>
    %mul3A_310 = vector.broadcast %get3A_309 : f32 to vector<1000x16xf32>
    %mul3A_311 = arith.mulf %max3A_71, %mul3A_310 : vector<1000x16xf32>
    %add3A_312 = arith.addf %add3A_306, %mul3A_311 : vector<1000x16xf32>
    %get3A_313 = arith.constant 0 : index
    %get3A_314 = arith.constant 5 : index
    %get3A_315 = memref.load %arg4[%get3A_313, %get3A_314] : memref<1x12xf32, #tpu.memory_space<smem>>
    %add3A_316 = vector.broadcast %get3A_315 : f32 to vector<1000x16xf32>
    %add3A_317 = arith.addf %add3A_312, %add3A_316 : vector<1000x16xf32>
    %max3A_318 = arith.constant 0.000000e+00 : f32
    %max3A_319 = vector.broadcast %max3A_318 : f32 to vector<1000x16xf32>
    %max3A_320 = arith.maximumf %add3A_317, %max3A_319 : vector<1000x16xf32>
    %get3A_321 = arith.constant 0 : index
    %get3A_322 = arith.constant 0 : index
    %get3A_323 = vector.load %arg5[%get3A_321, %get3A_322] : memref<1x16xf32, #tpu.memory_space<vmem>>, vector<1x16xf32>
    %mul3A_324 = vector.broadcast %get3A_323 : vector<1x16xf32> to vector<1000x16xf32>
    %mul3A_325 = arith.mulf %max3A_320, %mul3A_324 : vector<1000x16xf32>
    %reduce_sum3A_326 = arith.constant dense<0.000000e+00> : vector<1000xf32>
    %reduce_sum3A_327 = vector.multi_reduction <add>, %mul3A_325, %reduce_sum3A_326 [1] : vector<1000x16xf32> to vector<1000xf32>
    %broadcast_in_dim3A_328 = vector.shape_cast %reduce_sum3A_327 : vector<1000xf32> to vector<1000x1xf32>
    %get3A_329 = arith.constant 0 : index
    %get3A_330 = arith.constant 0 : index
    %get3A_331 = memref.load %arg6[%get3A_329, %get3A_330] : memref<1x1xf32, #tpu.memory_space<smem>>
    %add3A_332 = vector.broadcast %get3A_331 : f32 to vector<1000x1xf32>
    %add3A_333 = arith.addf %broadcast_in_dim3A_328, %add3A_332 : vector<1000x1xf32>
    %get3A_334 = arith.constant 0 : index
    %get3A_335 = arith.constant 6 : index
    %get3A_336 = memref.load %arg3[%get3A_334, %get3A_335] : memref<4x12xf32, #tpu.memory_space<smem>>
    %mul3A_337 = vector.broadcast %get3A_336 : f32 to vector<1000x16xf32>
    %mul3A_338 = arith.mulf %max3A_26, %mul3A_337 : vector<1000x16xf32>
    %get3A_339 = arith.constant 1 : index
    %get3A_340 = arith.constant 6 : index
    %get3A_341 = memref.load %arg3[%get3A_339, %get3A_340] : memref<4x12xf32, #tpu.memory_space<smem>>
    %mul3A_342 = vector.broadcast %get3A_341 : f32 to vector<1000x16xf32>
    %mul3A_343 = arith.mulf %max3A_41, %mul3A_342 : vector<1000x16xf32>
    %add3A_344 = arith.addf %mul3A_338, %mul3A_343 : vector<1000x16xf32>
    %get3A_345 = arith.constant 2 : index
    %get3A_346 = arith.constant 6 : index
    %get3A_347 = memref.load %arg3[%get3A_345, %get3A_346] : memref<4x12xf32, #tpu.memory_space<smem>>
    %mul3A_348 = vector.broadcast %get3A_347 : f32 to vector<1000x16xf32>
    %mul3A_349 = arith.mulf %max3A_56, %mul3A_348 : vector<1000x16xf32>
    %add3A_350 = arith.addf %add3A_344, %mul3A_349 : vector<1000x16xf32>
    %get3A_351 = arith.constant 3 : index
    %get3A_352 = arith.constant 6 : index
    %get3A_353 = memref.load %arg3[%get3A_351, %get3A_352] : memref<4x12xf32, #tpu.memory_space<smem>>
    %mul3A_354 = vector.broadcast %get3A_353 : f32 to vector<1000x16xf32>
    %mul3A_355 = arith.mulf %max3A_71, %mul3A_354 : vector<1000x16xf32>
    %add3A_356 = arith.addf %add3A_350, %mul3A_355 : vector<1000x16xf32>
    %get3A_357 = arith.constant 0 : index
    %get3A_358 = arith.constant 6 : index
    %get3A_359 = memref.load %arg4[%get3A_357, %get3A_358] : memref<1x12xf32, #tpu.memory_space<smem>>
    %add3A_360 = vector.broadcast %get3A_359 : f32 to vector<1000x16xf32>
    %add3A_361 = arith.addf %add3A_356, %add3A_360 : vector<1000x16xf32>
    %max3A_362 = arith.constant 0.000000e+00 : f32
    %max3A_363 = vector.broadcast %max3A_362 : f32 to vector<1000x16xf32>
    %max3A_364 = arith.maximumf %add3A_361, %max3A_363 : vector<1000x16xf32>
    %get3A_365 = arith.constant 0 : index
    %get3A_366 = arith.constant 0 : index
    %get3A_367 = vector.load %arg5[%get3A_365, %get3A_366] : memref<1x16xf32, #tpu.memory_space<vmem>>, vector<1x16xf32>
    %mul3A_368 = vector.broadcast %get3A_367 : vector<1x16xf32> to vector<1000x16xf32>
    %mul3A_369 = arith.mulf %max3A_364, %mul3A_368 : vector<1000x16xf32>
    %reduce_sum3A_370 = arith.constant dense<0.000000e+00> : vector<1000xf32>
    %reduce_sum3A_371 = vector.multi_reduction <add>, %mul3A_369, %reduce_sum3A_370 [1] : vector<1000x16xf32> to vector<1000xf32>
    %broadcast_in_dim3A_372 = vector.shape_cast %reduce_sum3A_371 : vector<1000xf32> to vector<1000x1xf32>
    %get3A_373 = arith.constant 0 : index
    %get3A_374 = arith.constant 0 : index
    %get3A_375 = memref.load %arg6[%get3A_373, %get3A_374] : memref<1x1xf32, #tpu.memory_space<smem>>
    %add3A_376 = vector.broadcast %get3A_375 : f32 to vector<1000x1xf32>
    %add3A_377 = arith.addf %broadcast_in_dim3A_372, %add3A_376 : vector<1000x1xf32>
    %get3A_378 = arith.constant 0 : index
    %get3A_379 = arith.constant 7 : index
    %get3A_380 = memref.load %arg3[%get3A_378, %get3A_379] : memref<4x12xf32, #tpu.memory_space<smem>>
    %mul3A_381 = vector.broadcast %get3A_380 : f32 to vector<1000x16xf32>
    %mul3A_382 = arith.mulf %max3A_26, %mul3A_381 : vector<1000x16xf32>
    %get3A_383 = arith.constant 1 : index
    %get3A_384 = arith.constant 7 : index
    %get3A_385 = memref.load %arg3[%get3A_383, %get3A_384] : memref<4x12xf32, #tpu.memory_space<smem>>
    %mul3A_386 = vector.broadcast %get3A_385 : f32 to vector<1000x16xf32>
    %mul3A_387 = arith.mulf %max3A_41, %mul3A_386 : vector<1000x16xf32>
    %add3A_388 = arith.addf %mul3A_382, %mul3A_387 : vector<1000x16xf32>
    %get3A_389 = arith.constant 2 : index
    %get3A_390 = arith.constant 7 : index
    %get3A_391 = memref.load %arg3[%get3A_389, %get3A_390] : memref<4x12xf32, #tpu.memory_space<smem>>
    %mul3A_392 = vector.broadcast %get3A_391 : f32 to vector<1000x16xf32>
    %mul3A_393 = arith.mulf %max3A_56, %mul3A_392 : vector<1000x16xf32>
    %add3A_394 = arith.addf %add3A_388, %mul3A_393 : vector<1000x16xf32>
    %get3A_395 = arith.constant 3 : index
    %get3A_396 = arith.constant 7 : index
    %get3A_397 = memref.load %arg3[%get3A_395, %get3A_396] : memref<4x12xf32, #tpu.memory_space<smem>>
    %mul3A_398 = vector.broadcast %get3A_397 : f32 to vector<1000x16xf32>
    %mul3A_399 = arith.mulf %max3A_71, %mul3A_398 : vector<1000x16xf32>
    %add3A_400 = arith.addf %add3A_394, %mul3A_399 : vector<1000x16xf32>
    %get3A_401 = arith.constant 0 : index
    %get3A_402 = arith.constant 7 : index
    %get3A_403 = memref.load %arg4[%get3A_401, %get3A_402] : memref<1x12xf32, #tpu.memory_space<smem>>
    %add3A_404 = vector.broadcast %get3A_403 : f32 to vector<1000x16xf32>
    %add3A_405 = arith.addf %add3A_400, %add3A_404 : vector<1000x16xf32>
    %max3A_406 = arith.constant 0.000000e+00 : f32
    %max3A_407 = vector.broadcast %max3A_406 : f32 to vector<1000x16xf32>
    %max3A_408 = arith.maximumf %add3A_405, %max3A_407 : vector<1000x16xf32>
    %get3A_409 = arith.constant 0 : index
    %get3A_410 = arith.constant 0 : index
    %get3A_411 = vector.load %arg5[%get3A_409, %get3A_410] : memref<1x16xf32, #tpu.memory_space<vmem>>, vector<1x16xf32>
    %mul3A_412 = vector.broadcast %get3A_411 : vector<1x16xf32> to vector<1000x16xf32>
    %mul3A_413 = arith.mulf %max3A_408, %mul3A_412 : vector<1000x16xf32>
    %reduce_sum3A_414 = arith.constant dense<0.000000e+00> : vector<1000xf32>
    %reduce_sum3A_415 = vector.multi_reduction <add>, %mul3A_413, %reduce_sum3A_414 [1] : vector<1000x16xf32> to vector<1000xf32>
    %broadcast_in_dim3A_416 = vector.shape_cast %reduce_sum3A_415 : vector<1000xf32> to vector<1000x1xf32>
    %get3A_417 = arith.constant 0 : index
    %get3A_418 = arith.constant 0 : index
    %get3A_419 = memref.load %arg6[%get3A_417, %get3A_418] : memref<1x1xf32, #tpu.memory_space<smem>>
    %add3A_420 = vector.broadcast %get3A_419 : f32 to vector<1000x1xf32>
    %add3A_421 = arith.addf %broadcast_in_dim3A_416, %add3A_420 : vector<1000x1xf32>
    %get3A_422 = arith.constant 0 : index
    %get3A_423 = arith.constant 8 : index
    %get3A_424 = memref.load %arg3[%get3A_422, %get3A_423] : memref<4x12xf32, #tpu.memory_space<smem>>
    %mul3A_425 = vector.broadcast %get3A_424 : f32 to vector<1000x16xf32>
    %mul3A_426 = arith.mulf %max3A_26, %mul3A_425 : vector<1000x16xf32>
    %get3A_427 = arith.constant 1 : index
    %get3A_428 = arith.constant 8 : index
    %get3A_429 = memref.load %arg3[%get3A_427, %get3A_428] : memref<4x12xf32, #tpu.memory_space<smem>>
    %mul3A_430 = vector.broadcast %get3A_429 : f32 to vector<1000x16xf32>
    %mul3A_431 = arith.mulf %max3A_41, %mul3A_430 : vector<1000x16xf32>
    %add3A_432 = arith.addf %mul3A_426, %mul3A_431 : vector<1000x16xf32>
    %get3A_433 = arith.constant 2 : index
    %get3A_434 = arith.constant 8 : index
    %get3A_435 = memref.load %arg3[%get3A_433, %get3A_434] : memref<4x12xf32, #tpu.memory_space<smem>>
    %mul3A_436 = vector.broadcast %get3A_435 : f32 to vector<1000x16xf32>
    %mul3A_437 = arith.mulf %max3A_56, %mul3A_436 : vector<1000x16xf32>
    %add3A_438 = arith.addf %add3A_432, %mul3A_437 : vector<1000x16xf32>
    %get3A_439 = arith.constant 3 : index
    %get3A_440 = arith.constant 8 : index
    %get3A_441 = memref.load %arg3[%get3A_439, %get3A_440] : memref<4x12xf32, #tpu.memory_space<smem>>
    %mul3A_442 = vector.broadcast %get3A_441 : f32 to vector<1000x16xf32>
    %mul3A_443 = arith.mulf %max3A_71, %mul3A_442 : vector<1000x16xf32>
    %add3A_444 = arith.addf %add3A_438, %mul3A_443 : vector<1000x16xf32>
    %get3A_445 = arith.constant 0 : index
    %get3A_446 = arith.constant 8 : index
    %get3A_447 = memref.load %arg4[%get3A_445, %get3A_446] : memref<1x12xf32, #tpu.memory_space<smem>>
    %add3A_448 = vector.broadcast %get3A_447 : f32 to vector<1000x16xf32>
    %add3A_449 = arith.addf %add3A_444, %add3A_448 : vector<1000x16xf32>
    %max3A_450 = arith.constant 0.000000e+00 : f32
    %max3A_451 = vector.broadcast %max3A_450 : f32 to vector<1000x16xf32>
    %max3A_452 = arith.maximumf %add3A_449, %max3A_451 : vector<1000x16xf32>
    %get3A_453 = arith.constant 0 : index
    %get3A_454 = arith.constant 0 : index
    %get3A_455 = vector.load %arg5[%get3A_453, %get3A_454] : memref<1x16xf32, #tpu.memory_space<vmem>>, vector<1x16xf32>
    %mul3A_456 = vector.broadcast %get3A_455 : vector<1x16xf32> to vector<1000x16xf32>
    %mul3A_457 = arith.mulf %max3A_452, %mul3A_456 : vector<1000x16xf32>
    %reduce_sum3A_458 = arith.constant dense<0.000000e+00> : vector<1000xf32>
    %reduce_sum3A_459 = vector.multi_reduction <add>, %mul3A_457, %reduce_sum3A_458 [1] : vector<1000x16xf32> to vector<1000xf32>
    %broadcast_in_dim3A_460 = vector.shape_cast %reduce_sum3A_459 : vector<1000xf32> to vector<1000x1xf32>
    %get3A_461 = arith.constant 0 : index
    %get3A_462 = arith.constant 0 : index
    %get3A_463 = memref.load %arg6[%get3A_461, %get3A_462] : memref<1x1xf32, #tpu.memory_space<smem>>
    %add3A_464 = vector.broadcast %get3A_463 : f32 to vector<1000x1xf32>
    %add3A_465 = arith.addf %broadcast_in_dim3A_460, %add3A_464 : vector<1000x1xf32>
    %get3A_466 = arith.constant 0 : index
    %get3A_467 = arith.constant 9 : index
    %get3A_468 = memref.load %arg3[%get3A_466, %get3A_467] : memref<4x12xf32, #tpu.memory_space<smem>>
    %mul3A_469 = vector.broadcast %get3A_468 : f32 to vector<1000x16xf32>
    %mul3A_470 = arith.mulf %max3A_26, %mul3A_469 : vector<1000x16xf32>
    %get3A_471 = arith.constant 1 : index
    %get3A_472 = arith.constant 9 : index
    %get3A_473 = memref.load %arg3[%get3A_471, %get3A_472] : memref<4x12xf32, #tpu.memory_space<smem>>
    %mul3A_474 = vector.broadcast %get3A_473 : f32 to vector<1000x16xf32>
    %mul3A_475 = arith.mulf %max3A_41, %mul3A_474 : vector<1000x16xf32>
    %add3A_476 = arith.addf %mul3A_470, %mul3A_475 : vector<1000x16xf32>
    %get3A_477 = arith.constant 2 : index
    %get3A_478 = arith.constant 9 : index
    %get3A_479 = memref.load %arg3[%get3A_477, %get3A_478] : memref<4x12xf32, #tpu.memory_space<smem>>
    %mul3A_480 = vector.broadcast %get3A_479 : f32 to vector<1000x16xf32>
    %mul3A_481 = arith.mulf %max3A_56, %mul3A_480 : vector<1000x16xf32>
    %add3A_482 = arith.addf %add3A_476, %mul3A_481 : vector<1000x16xf32>
    %get3A_483 = arith.constant 3 : index
    %get3A_484 = arith.constant 9 : index
    %get3A_485 = memref.load %arg3[%get3A_483, %get3A_484] : memref<4x12xf32, #tpu.memory_space<smem>>
    %mul3A_486 = vector.broadcast %get3A_485 : f32 to vector<1000x16xf32>
    %mul3A_487 = arith.mulf %max3A_71, %mul3A_486 : vector<1000x16xf32>
    %add3A_488 = arith.addf %add3A_482, %mul3A_487 : vector<1000x16xf32>
    %get3A_489 = arith.constant 0 : index
    %get3A_490 = arith.constant 9 : index
    %get3A_491 = memref.load %arg4[%get3A_489, %get3A_490] : memref<1x12xf32, #tpu.memory_space<smem>>
    %add3A_492 = vector.broadcast %get3A_491 : f32 to vector<1000x16xf32>
    %add3A_493 = arith.addf %add3A_488, %add3A_492 : vector<1000x16xf32>
    %max3A_494 = arith.constant 0.000000e+00 : f32
    %max3A_495 = vector.broadcast %max3A_494 : f32 to vector<1000x16xf32>
    %max3A_496 = arith.maximumf %add3A_493, %max3A_495 : vector<1000x16xf32>
    %get3A_497 = arith.constant 0 : index
    %get3A_498 = arith.constant 0 : index
    %get3A_499 = vector.load %arg5[%get3A_497, %get3A_498] : memref<1x16xf32, #tpu.memory_space<vmem>>, vector<1x16xf32>
    %mul3A_500 = vector.broadcast %get3A_499 : vector<1x16xf32> to vector<1000x16xf32>
    %mul3A_501 = arith.mulf %max3A_496, %mul3A_500 : vector<1000x16xf32>
    %reduce_sum3A_502 = arith.constant dense<0.000000e+00> : vector<1000xf32>
    %reduce_sum3A_503 = vector.multi_reduction <add>, %mul3A_501, %reduce_sum3A_502 [1] : vector<1000x16xf32> to vector<1000xf32>
    %broadcast_in_dim3A_504 = vector.shape_cast %reduce_sum3A_503 : vector<1000xf32> to vector<1000x1xf32>
    %get3A_505 = arith.constant 0 : index
    %get3A_506 = arith.constant 0 : index
    %get3A_507 = memref.load %arg6[%get3A_505, %get3A_506] : memref<1x1xf32, #tpu.memory_space<smem>>
    %add3A_508 = vector.broadcast %get3A_507 : f32 to vector<1000x1xf32>
    %add3A_509 = arith.addf %broadcast_in_dim3A_504, %add3A_508 : vector<1000x1xf32>
    %get3A_510 = arith.constant 0 : index
    %get3A_511 = arith.constant 10 : index
    %get3A_512 = memref.load %arg3[%get3A_510, %get3A_511] : memref<4x12xf32, #tpu.memory_space<smem>>
    %mul3A_513 = vector.broadcast %get3A_512 : f32 to vector<1000x16xf32>
    %mul3A_514 = arith.mulf %max3A_26, %mul3A_513 : vector<1000x16xf32>
    %get3A_515 = arith.constant 1 : index
    %get3A_516 = arith.constant 10 : index
    %get3A_517 = memref.load %arg3[%get3A_515, %get3A_516] : memref<4x12xf32, #tpu.memory_space<smem>>
    %mul3A_518 = vector.broadcast %get3A_517 : f32 to vector<1000x16xf32>
    %mul3A_519 = arith.mulf %max3A_41, %mul3A_518 : vector<1000x16xf32>
    %add3A_520 = arith.addf %mul3A_514, %mul3A_519 : vector<1000x16xf32>
    %get3A_521 = arith.constant 2 : index
    %get3A_522 = arith.constant 10 : index
    %get3A_523 = memref.load %arg3[%get3A_521, %get3A_522] : memref<4x12xf32, #tpu.memory_space<smem>>
    %mul3A_524 = vector.broadcast %get3A_523 : f32 to vector<1000x16xf32>
    %mul3A_525 = arith.mulf %max3A_56, %mul3A_524 : vector<1000x16xf32>
    %add3A_526 = arith.addf %add3A_520, %mul3A_525 : vector<1000x16xf32>
    %get3A_527 = arith.constant 3 : index
    %get3A_528 = arith.constant 10 : index
    %get3A_529 = memref.load %arg3[%get3A_527, %get3A_528] : memref<4x12xf32, #tpu.memory_space<smem>>
    %mul3A_530 = vector.broadcast %get3A_529 : f32 to vector<1000x16xf32>
    %mul3A_531 = arith.mulf %max3A_71, %mul3A_530 : vector<1000x16xf32>
    %add3A_532 = arith.addf %add3A_526, %mul3A_531 : vector<1000x16xf32>
    %get3A_533 = arith.constant 0 : index
    %get3A_534 = arith.constant 10 : index
    %get3A_535 = memref.load %arg4[%get3A_533, %get3A_534] : memref<1x12xf32, #tpu.memory_space<smem>>
    %add3A_536 = vector.broadcast %get3A_535 : f32 to vector<1000x16xf32>
    %add3A_537 = arith.addf %add3A_532, %add3A_536 : vector<1000x16xf32>
    %max3A_538 = arith.constant 0.000000e+00 : f32
    %max3A_539 = vector.broadcast %max3A_538 : f32 to vector<1000x16xf32>
    %max3A_540 = arith.maximumf %add3A_537, %max3A_539 : vector<1000x16xf32>
    %get3A_541 = arith.constant 0 : index
    %get3A_542 = arith.constant 0 : index
    %get3A_543 = vector.load %arg5[%get3A_541, %get3A_542] : memref<1x16xf32, #tpu.memory_space<vmem>>, vector<1x16xf32>
    %mul3A_544 = vector.broadcast %get3A_543 : vector<1x16xf32> to vector<1000x16xf32>
    %mul3A_545 = arith.mulf %max3A_540, %mul3A_544 : vector<1000x16xf32>
    %reduce_sum3A_546 = arith.constant dense<0.000000e+00> : vector<1000xf32>
    %reduce_sum3A_547 = vector.multi_reduction <add>, %mul3A_545, %reduce_sum3A_546 [1] : vector<1000x16xf32> to vector<1000xf32>
    %broadcast_in_dim3A_548 = vector.shape_cast %reduce_sum3A_547 : vector<1000xf32> to vector<1000x1xf32>
    %get3A_549 = arith.constant 0 : index
    %get3A_550 = arith.constant 0 : index
    %get3A_551 = memref.load %arg6[%get3A_549, %get3A_550] : memref<1x1xf32, #tpu.memory_space<smem>>
    %add3A_552 = vector.broadcast %get3A_551 : f32 to vector<1000x1xf32>
    %add3A_553 = arith.addf %broadcast_in_dim3A_548, %add3A_552 : vector<1000x1xf32>
    %get3A_554 = arith.constant 0 : index
    %get3A_555 = arith.constant 11 : index
    %get3A_556 = memref.load %arg3[%get3A_554, %get3A_555] : memref<4x12xf32, #tpu.memory_space<smem>>
    %mul3A_557 = vector.broadcast %get3A_556 : f32 to vector<1000x16xf32>
    %mul3A_558 = arith.mulf %max3A_26, %mul3A_557 : vector<1000x16xf32>
    %get3A_559 = arith.constant 1 : index
    %get3A_560 = arith.constant 11 : index
    %get3A_561 = memref.load %arg3[%get3A_559, %get3A_560] : memref<4x12xf32, #tpu.memory_space<smem>>
    %mul3A_562 = vector.broadcast %get3A_561 : f32 to vector<1000x16xf32>
    %mul3A_563 = arith.mulf %max3A_41, %mul3A_562 : vector<1000x16xf32>
    %add3A_564 = arith.addf %mul3A_558, %mul3A_563 : vector<1000x16xf32>
    %get3A_565 = arith.constant 2 : index
    %get3A_566 = arith.constant 11 : index
    %get3A_567 = memref.load %arg3[%get3A_565, %get3A_566] : memref<4x12xf32, #tpu.memory_space<smem>>
    %mul3A_568 = vector.broadcast %get3A_567 : f32 to vector<1000x16xf32>
    %mul3A_569 = arith.mulf %max3A_56, %mul3A_568 : vector<1000x16xf32>
    %add3A_570 = arith.addf %add3A_564, %mul3A_569 : vector<1000x16xf32>
    %get3A_571 = arith.constant 3 : index
    %get3A_572 = arith.constant 11 : index
    %get3A_573 = memref.load %arg3[%get3A_571, %get3A_572] : memref<4x12xf32, #tpu.memory_space<smem>>
    %mul3A_574 = vector.broadcast %get3A_573 : f32 to vector<1000x16xf32>
    %mul3A_575 = arith.mulf %max3A_71, %mul3A_574 : vector<1000x16xf32>
    %add3A_576 = arith.addf %add3A_570, %mul3A_575 : vector<1000x16xf32>
    %get3A_577 = arith.constant 0 : index
    %get3A_578 = arith.constant 11 : index
    %get3A_579 = memref.load %arg4[%get3A_577, %get3A_578] : memref<1x12xf32, #tpu.memory_space<smem>>
    %add3A_580 = vector.broadcast %get3A_579 : f32 to vector<1000x16xf32>
    %add3A_581 = arith.addf %add3A_576, %add3A_580 : vector<1000x16xf32>
    %max3A_582 = arith.constant 0.000000e+00 : f32
    %max3A_583 = vector.broadcast %max3A_582 : f32 to vector<1000x16xf32>
    %max3A_584 = arith.maximumf %add3A_581, %max3A_583 : vector<1000x16xf32>
    %get3A_585 = arith.constant 0 : index
    %get3A_586 = arith.constant 0 : index
    %get3A_587 = vector.load %arg5[%get3A_585, %get3A_586] : memref<1x16xf32, #tpu.memory_space<vmem>>, vector<1x16xf32>
    %mul3A_588 = vector.broadcast %get3A_587 : vector<1x16xf32> to vector<1000x16xf32>
    %mul3A_589 = arith.mulf %max3A_584, %mul3A_588 : vector<1000x16xf32>
    %reduce_sum3A_590 = arith.constant dense<0.000000e+00> : vector<1000xf32>
    %reduce_sum3A_591 = vector.multi_reduction <add>, %mul3A_589, %reduce_sum3A_590 [1] : vector<1000x16xf32> to vector<1000xf32>
    %broadcast_in_dim3A_592 = vector.shape_cast %reduce_sum3A_591 : vector<1000xf32> to vector<1000x1xf32>
    %get3A_593 = arith.constant 0 : index
    %get3A_594 = arith.constant 0 : index
    %get3A_595 = memref.load %arg6[%get3A_593, %get3A_594] : memref<1x1xf32, #tpu.memory_space<smem>>
    %add3A_596 = vector.broadcast %get3A_595 : f32 to vector<1000x1xf32>
    %add3A_597 = arith.addf %broadcast_in_dim3A_592, %add3A_596 : vector<1000x1xf32>
    %concatenate3A = tpu.concatenate %add3A_113, %add3A_157, %add3A_201, %add3A_245, %add3A_289, %add3A_333, %add3A_377, %add3A_421, %add3A_465, %add3A_509, %add3A_553, %add3A_597 in 1 : vector<1000x1xf32>, vector<1000x1xf32>, vector<1000x1xf32>, vector<1000x1xf32>, vector<1000x1xf32>, vector<1000x1xf32>, vector<1000x1xf32>, vector<1000x1xf32>, vector<1000x1xf32>, vector<1000x1xf32>, vector<1000x1xf32>, vector<1000x1xf32> -> vector<1000x12xf32>
    %swap3A = arith.constant 0 : index
    %swap3A_598 = arith.constant 0 : index
    %swap3A_599 = vector.load %arg7[%swap3A, %swap3A_598] : memref<1000x12xf32, #tpu.memory_space<vmem>>, vector<1000x12xf32>
    tpu.vector_store %arg7[%swap3A, %swap3A_598], %concatenate3A {strides = array<i32>} : memref<1000x12xf32, #tpu.memory_space<vmem>>, vector<1000x12xf32>,
    return
  }
  func.func @transform_0(%arg0: i32) -> (i32, i32, i32) {
    %c0_i32 = arith.constant 0 : i32
    %c0_i32_0 = arith.constant 0 : i32
    %c0_i32_1 = arith.constant 0 : i32
    return %c0_i32, %arg0, %c0_i32_0 : i32, i32, i32
  }
  func.func @transform_1(%arg0: i32) -> (i32, i32, i32) {
    %c0_i32 = arith.constant 0 : i32
    %c0_i32_0 = arith.constant 0 : i32
    %c0_i32_1 = arith.constant 0 : i32
    return %c0_i32, %arg0, %c0_i32_0 : i32, i32, i32
  }
  func.func @transform_2(%arg0: i32) -> (i32, i32) {
    %c0_i32 = arith.constant 0 : i32
    %c0_i32_0 = arith.constant 0 : i32
    %c0_i32_1 = arith.constant 0 : i32
    return %c0_i32, %c0_i32_0 : i32, i32
  }
  func.func @transform_3(%arg0: i32) -> (i32, i32) {
    %c0_i32 = arith.constant 0 : i32
    %c0_i32_0 = arith.constant 0 : i32
    %c0_i32_1 = arith.constant 0 : i32
    return %c0_i32, %c0_i32_0 : i32, i32
  }
  func.func @transform_4(%arg0: i32) -> (i32, i32) {
    %c0_i32 = arith.constant 0 : i32
    %c0_i32_0 = arith.constant 0 : i32
    %c0_i32_1 = arith.constant 0 : i32
    return %c0_i32, %c0_i32_0 : i32, i32
  }
  func.func @transform_5(%arg0: i32) -> (i32, i32) {
    %c0_i32 = arith.constant 0 : i32
    %c0_i32_0 = arith.constant 0 : i32
    %c0_i32_1 = arith.constant 0 : i32
    return %c0_i32, %c0_i32_0 : i32, i32
  }
  func.func @transform_6(%arg0: i32) -> (i32, i32) {
    %c0_i32 = arith.constant 0 : i32
    %c0_i32_0 = arith.constant 0 : i32
    return %arg0, %c0_i32 : i32, i32
  }
}

</mosaic_0001>

<sc_bundles>
// kernel: kernel.5.cloned.1.call-start
scs
__scs_entry_jumppad:
0x0: {  	(pc) =	sbr.rel $0x88, $3  }
0x1: {  	(tag) =	ssettag $0x0;
	lr =	simm.s32 $0x1  }
0x2: {  	[smem:$0x3F96] =	sst lr;
	_ =	strace $0xD0000000  }
0x3: {  	_ = 	snop  }
0x4: {  	_ = 	snop  }
0x5: {  	_ = 	snop  }
0x6: {  	_ = 	snop  }
0x7: {  	_ = 	snop  }
__scs_overlays_trampoline_lowered:
0x8: {  	[smem:$0x3FA5] =	sst s0  }
0x9: {  	[smem:$0x3FA6] =	sst s1  }
0xa: {  	[smem:$0x3FA7] =	sst s2  }
0xb: {  	[smem:$0x3FA8] =	sst s3  }
0xc: {  	[smem:$0x3FA9] =	sst s4  }
0xd: {  	[smem:$0x3FAA] =	sst s5  }
0xe: {  	[smem:$0x3FAB] =	sst s6  }
0xf: {  	[smem:$0x3FAC] =	sst s7  }
0x10: {  	[smem:$0x3FAD] =	sst s8  }
0x11: {  	[smem:$0x3FAE] =	sst s9;
	s0 =	simm.s32 @!p0 $0x0  }
0x12: {  	s1 =	sld [smem:$0x3F94];
	s0 =	simm.s32 @p0 $0x1  }
0x13: {  	[smem:$0x3FAF] =	sst s0;
	s0 =	simm.s32 @!p1 $0x0  }
0x14: {  	s2 =	sld [smem:$0x3F93];
	s0 =	simm.s32 @p1 $0x1  }
0x15: {  	[smem:$0x3FB0] =	sst s0;
	s0 =	simm.s32 @!p2 $0x0  }
0x16: {  	s3 =	sld [smem:$0x3FDB];
	s0 =	simm.s32 @p2 $0x1  }
0x17: {  	s4 =	simm.s32 $0x1BF5;
	[smem:$0x3FB2] =	sst s0  }
0x18: {  	s0 =	sld [smem:$0x3F95];
	_ =	swait.ge [sflag:s4], $0x0  }
0x19: {  	s7 =	sld [smem:$0x3F96]  }
0x1a: {  	s8 =	sadd.s32 $0xFFFFE003, lr  }
0x1b: {  	s9 =	sadd.s32 $0xFFFFFEF7, lr;
	s5 =	simm.s32 $0xFFFFFFFF;
	p2 =	slt.u32 s8, $0xFFFFF086  }
0x1c: {  	p1 =	slt.u32 s9, $0xF7A;
	s5 =	simm.s32 @!p2 $0x0  }
0x1d: {  	s5 =	simm.s32 @p1 $0x1;
	p0 =	seq.s32 s7, s2  }
0x1e: {  	s7 =	smul.u32 @!p0 $0xF7A, s2;
	p2 =	seq.s32 @!p0 s5, $0x0  }
0x1f: {  	s9 =	smul.u32 $0xF7A, s1;
	s8 =	simm.s32 @!p0 $0x1BF5;
	p2 =	por !p2, p0  }
0x20: {  	[sflag:s8] =	ssyncset.s32 @!p0 $0xFFFFF086;
	s6 =	sadd.s32 @!p0 s3, s7;
	s7 =	simm.s32 @!p0 $0x108  }
0x21: {  	s3 =	sadd.s32 s3, s9;
	s6 =	sadd.s32 @!p0 $0x88, s6;
	s7 =	simm.s32 @p2 $0x1082  }
0x22: {  	[simem:s7], [sflag:s8] =	dma.local @!p0 [hbm:s6], $0xF7A  }
0x23: {  	s9 =	sor.u32 $0xD0000000, s2;
	s6 =	simm.s32 $0x108;
	_ =	swait.ge @!p0 [sflag:s8], $0x0  }
0x24: {  	s3 =	sadd.s32 $0x88, s3;
	s6 =	simm.s32 @!p1 $0x1082;
	[sflag:s4] =	ssyncset.s32 $0xFFFFF086  }
0x25: {  	[simem:s6], [sflag:s4] =	dma.local [hbm:s3], $0xF7A  }
0x26: {  	[smem:$0x3F96] =	sst s1;
	(tag) =	ssettag s2;
	_ =	strace s9  }
0x27: {  	s1 =	sld [smem:$0x3FA6]  }
0x28: {  	s2 =	sld [smem:$0x3FA7]  }
0x29: {  	s4 =	sld [smem:$0x3FA9]  }
0x2a: {  	p0 =	seq.s32 s5, $0x0;
	s5 =	sld [smem:$0x3FAA]  }
0x2b: {  	s6 =	sld [smem:$0x3FAB]  }
0x2c: {  	s7 =	sld [smem:$0x3FAC]  }
0x2d: {  	s3 =	simm.s32 $0x108;
	s8 =	sld [smem:$0x3FAD]  }
0x2e: {  	s3 =	simm.s32 @!p0 $0x1082;
	s9 =	sld [smem:$0x3FAE]  }
0x2f: {  	lr =	sadd.s32 s0, s3;
	s0 =	sld [smem:$0x3FA5]  }
0x30: {  	s3 =	sld [smem:$0x3FA8]  }
0x31: {  	[smem:$0x3FB1] =	sst s10  }
0x32: {  	s10 =	sld [smem:$0x3FAF];
	_ =	sdelay $0x3  }
0x33: {  	p0 =	seq.s32 s10, $0x1;
	s10 =	sld [smem:$0x3FB1];
	_ =	sdelay $0x3  }
0x34: {  	[smem:$0x3FB1] =	sst s10  }
0x35: {  	s10 =	sld [smem:$0x3FB0];
	_ =	sdelay $0x3  }
0x36: {  	p1 =	seq.s32 s10, $0x1;
	s10 =	sld [smem:$0x3FB1];
	_ =	sdelay $0x3  }
0x37: {  	[smem:$0x3FB1] =	sst s10  }
0x38: {  	s10 =	sld [smem:$0x3FB2]  }
0x39: {  	_ = 	snop;
	(pc) =	sbr.ind lr, $3  }
0x3a: {  	_ = 	snop  }
0x3b: {  	_ = 	snop  }
0x3c: {  	p2 =	seq.s32 s10, $0x1;
	s10 =	sld [smem:$0x3FB1]  }
0x3d: {  	_ =	shalt  }
0x3e: {  	_ =	shalt  }
0x3f: {  	_ =	shalt  }
0x40: {  	_ =	shalt  }
0x41: {  	_ =	shalt  }
0x42: {  	_ =	shalt  }
0x43: {  	_ =	shalt  }
0x44: {  	_ =	shalt  }
0x45: {  	_ =	shalt  }
0x46: {  	_ =	shalt  }
0x47: {  	_ =	shalt  }
0x48: {  	_ =	shalt  }
0x49: {  	_ =	shalt  }
0x4a: {  	_ =	shalt  }
0x4b: {  	_ =	shalt  }
0x4c: {  	_ =	shalt  }
0x4d: {  	_ =	shalt  }
0x4e: {  	_ =	shalt  }
0x4f: {  	_ =	shalt  }
0x50: {  	_ =	shalt  }
0x51: {  	_ =	shalt  }
0x52: {  	_ =	shalt  }
0x53: {  	_ =	shalt  }
0x54: {  	_ =	shalt  }
0x55: {  	_ =	shalt  }
0x56: {  	_ =	shalt  }
0x57: {  	_ =	shalt  }
0x58: {  	_ =	shalt  }
0x59: {  	_ =	shalt  }
0x5a: {  	_ =	shalt  }
0x5b: {  	_ =	shalt  }
0x5c: {  	_ =	shalt  }
0x5d: {  	_ =	shalt  }
0x5e: {  	_ =	shalt  }
0x5f: {  	_ =	shalt  }
0x60: {  	_ =	shalt  }
0x61: {  	_ =	shalt  }
0x62: {  	_ =	shalt  }
0x63: {  	_ =	shalt  }
0x64: {  	_ =	shalt  }
0x65: {  	_ =	shalt  }
0x66: {  	_ =	shalt  }
0x67: {  	_ =	shalt  }
0x68: {  	_ =	shalt  }
0x69: {  	_ =	shalt  }
0x6a: {  	_ =	shalt  }
0x6b: {  	_ =	shalt  }
0x6c: {  	_ =	shalt  }
0x6d: {  	_ =	shalt  }
0x6e: {  	_ =	shalt  }
0x6f: {  	_ =	shalt  }
0x70: {  	_ =	shalt  }
0x71: {  	_ =	shalt  }
0x72: {  	_ =	shalt  }
0x73: {  	_ =	shalt  }
0x74: {  	_ =	shalt  }
0x75: {  	_ =	shalt  }
0x76: {  	_ =	shalt  }
0x77: {  	_ =	shalt  }
0x78: {  	_ =	shalt  }
0x79: {  	_ =	shalt  }
0x7a: {  	_ =	shalt  }
0x7b: {  	_ =	shalt  }
0x7c: {  	_ =	shalt  }
0x7d: {  	_ =	shalt  }
0x7e: {  	_ =	shalt  }
0x7f: {  	_ =	shalt  }
0x80: {  	_ =	shalt  }
0x81: {  	_ =	shalt  }
0x82: {  	_ =	shalt  }
0x83: {  	_ =	shalt  }
0x84: {  	_ =	shalt  }
0x85: {  	_ =	shalt  }
0x86: {  	_ =	shalt  }
0x87: {  	_ =	shalt  }
.Lfunc_end0:
.L_simem_size_0:
called_computation_lowered:
.L_overlay_start_0:
0x88: {  	s2 =	sld [smem:$0x3FD9]  }
0x89: {  	s3 =	sld [smem:$0x3FFE];
	_ =	sdelay $0x1  }
0x8a: {  	s1 =	srdreg.scid  }
0x8b: {  	s0 =	sand.u32 $0x1, s1  }
0x8c: {  	s17 =	sshll.u32 s0, $0xA;
	s2 =	sadd.s32 s3, s2  }
0x8d: {  	s2 =	sadd.s32 s2, s17  }
0x8e: {  	[smem:$0x3FBD] =	sst s2  }
0x8f: {  	_ = 	snop  }
0x90: {  	s2 =	sld [smem:$0x3FC7];
	(tm) =	ssettm $0x1  }
0x91: {  	s18 =	sld [smem:$0x3FFB];
	_ =	sdelay $0x3  }
0x92: {  	_ =	strace s18  }
0x93: {  	s3 =	sld [smem:$0x3FFC];
	_ =	sdelay $0x3  }
0x94: {  	_ =	strace s3  }
0x95: {  	s3 =	sld [smem:$0x3FFD];
	_ =	sdelay $0x3  }
0x96: {  	_ =	strace s3  }
0x97: {  	_ =	strace $0x8FFFFFFF  }
0x98: {  	s19 =	sld [smem:$0x3FDB];
	_ =	sdelay $0x1  }
0x99: {  	s4 =	simm.s32 $_scs_section_size  }
0x9a: {  	s5 =	simm.s32 $_size__tile_overlayer_lowered;
	s6 =	simm.s32 $_tile_overlayer_lowered  }
0x9b: {  	s22 =	simm.s32 $0x1BFF;
	s21 =	sshll.u32 s6, $0x1;
	s3 =	sadd.s32 s4, s19  }
0x9c: {  	s7 =	simm.s32 $0x0;
	s20 =	sshll.u32 s5, $0x1;
	s5 =	sadd.s32 s21, s3  }
0x9d: {  	[timem:s7], [sflag:s22] =	dma.local [hbm:s5], s20  }
0x9e: {  	_ =	swait.ge [sflag:s22], s20  }
0x9f: {  	s4 =	ssub.s32 $0x0, s20;
	[sflag:s22] =	ssyncset.done $0x0  }
0xa0: {  	[sflag:s22] =	ssyncadd.s32 s4;
	_ =	sdelay $0x1  }
0xa1: {  	s23 =	simm.s32 $0x1B8B  }
0xa2: {  	_ =	swait.ge [sflag:s23], $0x1  }
0xa3: {  	[sflag:s23] =	ssyncset.done $0x0  }
0xa4: {  	s25 =	simm.s32 $0x1B8E;
	s24 =	sld [smem:$0x3FFE];
	[sflag:s23] =	ssyncadd.s32 $0xFFFFFFFF  }
0xa5: {  	s26 =	simm.s32 $execute0_lowered;
	[smem:$0x3FD2] =	sst s25  }
0xa6: {  	s5 =	sshll.u32 s26, $0x1;
	_ =	strace $0x80000046;
	[dreg:$0x1] =	wrdreg $0xFFFFFFFF  }
0xa7: {  	s28 =	simm.s32 $_size_execute0_lowered;
	s3 =	sadd.s32 s3, s5;
	[dreg:$0x0] =	wrdreg $0x0  }
0xa8: {  	s5 =	sshll.u32 s28, $0x1;
	[dreg:$0x2] =	wrdreg s3  }
0xa9: {  	[dreg:$0x3] =	wrdreg s5  }
0xaa: {  	[dreg:$0x4] =	wrdreg $0xC0  }
0xab: {  	_ =	task [dreg:s7], $0x5FFFF  }
0xac: {  	[dreg:$0x1] =	wrdreg $0xFFFFFFFF  }
0xad: {  	[dreg:$0x0] =	wrdreg $0x60  }
0xae: {  	[dreg:$0x2] =	wrdreg s24  }
0xaf: {  	[dreg:$0x3] =	wrdreg s2  }
0xb0: {  	[dreg:$0x4] =	wrdreg $0x0  }
0xb1: {  	[dreg:$0x5] =	wrdreg $0x9C400  }
0xb2: {  	[dreg:$0x6] =	wrdreg $0x9  }
0xb3: {  	_ =	task.clear_ibuf [dreg:s7], $0x7FFFF;
	_ =	strace $0x90000046  }
0xb4: {  	s29 =	simm.s32 $0x9;
	_ =	strace $0x80000048  }
0xb5: {  	_ =	swait.ge [sflag:s29], $0x1  }
0xb6: {  	[sflag:s29] =	ssyncadd.s32 $0xFFFFFFFF  }
0xb7: {  	_ =	strace $0x90000048  }
0xb8: {  	_ =	sfence  }
0xb9: {  	s30 =	sld [smem:$0x0];
	_ =	sdelay $0x2  }
0xba: {  	s31 =	sshll.u32 s1, $0xD;
	s1 =	sshrl.u32 s1, $0x2  }
0xbb: {  	s3 =	sand.u32 $0x4000, s31;
	s1 =	sadd.s32 s1, s30  }
0xbc: {  	s0 =	sor.u32 s3, s0;
	s1 =	sshll.u32 s1, $0x11  }
0xbd: {  	s0 =	sor.u32 s1, s0  }
0xbe: {  	s0 =	sadd.s32 $0x8F2B, s0  }
0xbf: {  	[sflag:s0] =	ssyncadd.remote.s32 $0x1  }
0xc0: {  	_ =	sfence.sel $0xFFFF  }
0xc1: {  	[dreg:$0x0] =	wrdreg $0xFFFFFFFF;
	(pc) =	sbr.abs _section_cstart, $3  }
0xc2: {  	[dreg:$0x1] =	wrdreg $0xFFFFFFFF  }
0xc3: {  	_ =	task.clear_ibuf [dreg:s7], $0x2FFFF;
	_ =	strace $0x9FFFFFFF  }
0xc4: {  	(tm) =	ssettm $0x7FFFFFFF  }
0xc5: {  	_ =	shalt  }
tec
execute0_lowered:
.L_overlay_start_1:
0x0: {  	(tag) =	ssettag $0x1  }
0x1: {  	s0 =	rddreg [dreg:$0x0]  }
0x2: {  	s7 =	rddreg [dreg:$0x1]  }
0x3: {  	s3 =	rddreg [dreg:$0x2];
	s1 =	srdreg.scid  }
0x4: {  	s4 =	rddreg [dreg:$0x3];
	s2 =	stileid.u32  }
0x5: {  	s15 =	simm.s32 $0x0;
	s28 =	simm.s32 $0x10F50;
	s10 =	smul.u32 $0x1400, s2  }
0x6: {  	s30 =	simm.s32 $0x10FD0;
	s9 =	sand.u32 $0x1, s1;
	s11 =	smul.u32 $0x500, s2  }
0x7: {  	[smem:$0x7FF] =	sst s15;
	s6 =	sadd.s32 $0x1200, s0;
	s24 =	smul.u32 $0x5000, s2  }
0x8: {  	s8 =	sadd.s32 $0x1EA00, s0;
	s26 =	sadd.s32 $0x14C00, s0;
	s1 =	smul.u32 $0x9C400, s9  }
0x9: {  	s21 =	sshll.u32 s2, $0x1;
	s14 =	sor.u32 $0x10, s2;
	s5 =	smul.u32 $0x27100, s9  }
0xa: {  	s19 =	sor.u32 $0x20, s2;
	p1 =	sgt.u32 s2, $0x1;
	s17 =	smul.u32 $0x5000, s14  }
0xb: {  	_ =	strace $0x80000047;
	s18 =	smul.u32 $0x1400, s14;
	[dreg:$0x6] =	wrdreg s8  }
0xc: {  	s22 =	ssub.s32 $0x2, s9;
	s20 =	smul.u32 $0x5000, s19;
	[dreg:$0x7] =	wrdreg s26  }
0xd: {  	s13 =	sshrl.u32 s22, $0x1;
	s16 =	sshrl.u32 s24, $0x2;
	s1 =	sadd.s32 s10, s1  }
0xe: {  	s5 =	sadd.s32 s11, s5;
	s11 =	sor.u32 s9, s21;
	s29 =	sadd.s32 s16, s3  }
0xf: {  	s10 =	sshrl.u32 s10, $0x2;
	s16 =	sor.u32 $0x40, s2;
	s1 =	sshrl.u32 s1, $0x3  }
0x10: {  	s5 =	sshrl.u32 s5, $0x3;
	s12 =	sshll.u32 s11, $0x4;
	s9 =	smul.u32 $0x4E, s11  }
0x11: {  	s31 =	sadd.s32 s10, s4;
	[dreg:$0xc] =	wrdreg s29;
	s1 =	sadd.s32 s1, s0  }
0x12: {  	s5 =	sadd.s32 s5, s0;
	s23 =	sor.u32 $0x9C00, s12;
	s0 =	ssub.s32 s22, s13  }
0x13: {  	s22 =	sshrl.u32 s20, $0x2;
	[dreg:$0xd] =	wrdreg s31;
	s12 =	sadd.s32 s8, s23  }
0x14: {  	s25 =	sadd.s32 s26, s23;
	s11 =	sadd.s32 s7, s23;
	s0 =	smax.u32 s0, $0x1  }
0x15: {  	s23 =	sor.u32 $0x30, s2;
	[dreg:$0xa] =	wrdreg s11;
	s11 =	smul.u32 $0x1400, s19  }
0x16: {  	s24 =	sadd.s32 s22, s3;
	[dreg:$0x9] =	wrdreg s25;
	s25 =	smul.u32 $0x5000, s23  }
0x17: {  	s22 =	sor.u32 $0x60, s2;
	[dreg:$0x8] =	wrdreg s12;
	s14 =	smul.u32 $0x1400, s23  }
0x18: {  	[dreg:$0xb] =	wrdreg s0;
	s12 =	sshrl.u32 s17, $0x2;
	s17 =	smul.u32 $0x5000, s16  }
0x19: {  	s0 =	sshrl.u32 s18, $0x2;
	[dreg:$0x10] =	wrdreg s24;
	s24 =	smul.u32 $0x5000, s22  }
0x1a: {  	s18 =	sor.u32 $0x50, s2;
	s21 =	sadd.s32 s12, s3;
	s12 =	smul.u32 $0x1400, s16  }
0x1b: {  	s0 =	sadd.s32 s0, s4;
	s20 =	smul.u32 $0x5000, s18;
	[dreg:$0xe] =	wrdreg s21  }
0x1c: {  	s16 =	sor.u32 $0x70, s2;
	[dreg:$0xf] =	wrdreg s0;
	s21 =	smul.u32 $0x1400, s18  }
0x1d: {  	s13 =	sshrl.u32 s11, $0x2;
	s0 =	sshrl.u32 s25, $0x2;
	s25 =	smul.u32 $0x1400, s22  }
0x1e: {  	s11 =	sshrl.u32 s14, $0x2;
	s14 =	smul.u32 $0x5000, s16;
	p0 =	sgt.u32 s16, $0x7C  }
0x1f: {  	s10 =	sadd.s32 s13, s4;
	s0 =	sadd.s32 s0, s3;
	s19 =	sadd.s32 s11, s4  }
0x20: {  	s23 =	sshrl.u32 s12, $0x2;
	s12 =	sshrl.u32 s24, $0x2;
	[dreg:$0x11] =	wrdreg s10  }
0x21: {  	s13 =	smul.u32 $0x1400, s16;
	s24 =	sadd.s32 $0x28800, s1;
	[dreg:$0x12] =	wrdreg s0  }
0x22: {  	s16 =	simm.s32 $0x10B50;
	s1 =	simm.s32 $0x11050;
	[dreg:$0x13] =	wrdreg s19  }
0x23: {  	s10 =	sshrl.u32 s17, $0x2;
	s0 =	sshrl.u32 s20, $0x2;
	s11 =	sshrl.u32 s21, $0x2  }
0x24: {  	s18 =	sadd.s32 s12, s3;
	s19 =	sshrl.u32 s25, $0x2;
	s20 =	sshrl.u32 s14, $0x2  }
0x25: {  	[dreg:$0x1c] =	wrdreg s24;
	s25 =	sadd.s32 $0x4FA00, s5;
	s12 =	simm.s32 $0x10350  }
0x26: {  	s24 =	simm.s32 $0x2;
	s14 =	simm.s32 $0x110D0;
	[dreg:$0x18] =	wrdreg s18  }
0x27: {  	s10 =	sadd.s32 s10, s3;
	s0 =	sadd.s32 s0, s3;
	[dreg:$0x1d] =	wrdreg s25  }
0x28: {  	s17 =	sadd.s32 s11, s4;
	s21 =	sshrl.u32 s13, $0x2;
	[dreg:$0x14] =	wrdreg s10  }
0x29: {  	s22 =	sadd.s32 s20, s3;
	s13 =	simm.s32 $0x3;
	[dreg:$0x16] =	wrdreg s0  }
0x2a: {  	s18 =	simm.s32 $0x11150;
	s25 =	simm.s32 $0x10ED0;
	[dreg:$0x17] =	wrdreg s17  }
0x2b: {  	s10 =	sadd.s32 s23, s4;
	s0 =	sadd.s32 s19, s4;
	[dreg:$0x1a] =	wrdreg s22  }
0x2c: {  	s23 =	sadd.s32 s21, s4;
	s17 =	simm.s32 $0x10E50;
	[dreg:$0x15] =	wrdreg s10  }
0x2d: {  	s19 =	simm.s32 $0x80;
	s21 =	simm.s32 $0xE350;
	[dreg:$0x19] =	wrdreg s0  }
0x2e: {  	v0 =	vimm.f32 $0.0e+00;
	v1 =	vimm.f32 $1.000000000e+00;
	s22 =	simm.s32 $0x1;
	[dreg:$0x1b] =	wrdreg s23;
	s10 =	simm.s32 $0xC350  }
.LBB2_1:
0x2f: {  	s0 =	simm.s32 $0xC370  }
0x30: {  	[tilespmem:s0+$0x0] =	vst v0  }
0x31: {  	[tilespmem:s0+$0xFFFFFFE0] =	vst v0  }
0x32: {  	[tilespmem:s0+$0x10] =	vst v0  }
0x33: {  	s5 =	simm.s32 $0x40;
	s11 =	simm.s32 $0x0;
	[tilespmem:s0+$0xFFFFFFF0] =	vst v0  }
.LBB2_2:
0x34: {  	p2 =	sne.s32 s5, $0x1FC0  }
0x35: {  	[tilespmem:s11+$0x10350] =	vst v0;
	s0 =	sadd.s32 $0x40, s0;
	s11 =	smov.u32 s5;
	s5 =	sadd.s32 $0x40, s5  }
.Ltmp0:
0x36: {  	[tilespmem:s0+$0x0] =	vst v0;
	(pc) =	sbr.rel @p2 .LBB2_2-.Ltmp0, $4  }
0x37: {  	_ = 	snop  }
0x38: {  	[tilespmem:s0+$0xFFFFFFE0] =	vst v0  }
0x39: {  	[tilespmem:s0+$0x10] =	vst v0  }
0x3a: {  	s11 =	sshra.s32 s11, $0x2;
	[tilespmem:s0+$0xFFFFFFF0] =	vst v0  }
0x3b: {  	[dreg:$0x5] =	wrdreg s15;
	[tilespmem:s11+$0x10350] =	vst v0;
	s5 =	simm.s32 $0x4  }
0x3c: {  	[spmem:s29] =	stream.linear.scatter [tilespmem:s10], [sflag:$0x4], $0x1400, $0x38;
	[tilespmem:$0x11450] =	vst v63  }
0x3d: {  	_ =	swait.ge [sflag:s5], $0x1400  }
0x3e: {  	[sflag:s5] =	ssyncset.done $0x0  }
0x3f: {  	[sflag:s5] =	ssyncadd.s32 $0xFFFFEC00  }
0x40: {  	[spmem:s31] =	stream.linear.scatter [tilespmem:s12], [sflag:$0x3], $0x500, $0x38;
	[tilespmem:$0x11450] =	vst v63  }
0x41: {  	_ =	swait.ge [sflag:s13], $0x500  }
0x42: {  	[sflag:s13] =	ssyncset.done $0x0  }
0x43: {  	s0 =	rddreg [dreg:$0xe];
	[sflag:s13] =	ssyncadd.s32 $0xFFFFFB00  }
0x44: {  	[spmem:s0] =	stream.linear.scatter [tilespmem:s10], [sflag:$0x4], $0x1400, $0x38;
	[tilespmem:$0x11450] =	vst v63  }
0x45: {  	_ =	swait.ge [sflag:s5], $0x1400  }
0x46: {  	[sflag:s5] =	ssyncset.done $0x0  }
0x47: {  	s15 =	rddreg [dreg:$0xf];
	[sflag:s5] =	ssyncadd.s32 $0xFFFFEC00  }
0x48: {  	[spmem:s15] =	stream.linear.scatter [tilespmem:s12], [sflag:$0x3], $0x500, $0x38;
	[tilespmem:$0x11450] =	vst v63  }
0x49: {  	_ =	swait.ge [sflag:s13], $0x500  }
0x4a: {  	[sflag:s13] =	ssyncset.done $0x0  }
0x4b: {  	s20 =	rddreg [dreg:$0x10];
	[sflag:s13] =	ssyncadd.s32 $0xFFFFFB00  }
0x4c: {  	[spmem:s20] =	stream.linear.scatter [tilespmem:s10], [sflag:$0x4], $0x1400, $0x38;
	[tilespmem:$0x11450] =	vst v63  }
0x4d: {  	_ =	swait.ge [sflag:s5], $0x1400  }
0x4e: {  	[sflag:s5] =	ssyncset.done $0x0  }
0x4f: {  	s23 =	rddreg [dreg:$0x11];
	[sflag:s5] =	ssyncadd.s32 $0xFFFFEC00  }
0x50: {  	[spmem:s23] =	stream.linear.scatter [tilespmem:s12], [sflag:$0x3], $0x500, $0x38;
	[tilespmem:$0x11450] =	vst v63  }
0x51: {  	_ =	swait.ge [sflag:s13], $0x500  }
0x52: {  	[sflag:s13] =	ssyncset.done $0x0  }
0x53: {  	s11 =	rddreg [dreg:$0x12];
	[sflag:s13] =	ssyncadd.s32 $0xFFFFFB00  }
0x54: {  	[spmem:s11] =	stream.linear.scatter [tilespmem:s10], [sflag:$0x4], $0x1400, $0x38;
	[tilespmem:$0x11450] =	vst v63  }
0x55: {  	_ =	swait.ge [sflag:s5], $0x1400  }
0x56: {  	[sflag:s5] =	ssyncset.done $0x0  }
0x57: {  	s15 =	rddreg [dreg:$0x13];
	[sflag:s5] =	ssyncadd.s32 $0xFFFFEC00  }
0x58: {  	[spmem:s15] =	stream.linear.scatter [tilespmem:s12], [sflag:$0x3], $0x500, $0x38;
	[tilespmem:$0x11450] =	vst v63  }
0x59: {  	_ =	swait.ge [sflag:s13], $0x500  }
0x5a: {  	[sflag:s13] =	ssyncset.done $0x0  }
0x5b: {  	s20 =	rddreg [dreg:$0x14];
	[sflag:s13] =	ssyncadd.s32 $0xFFFFFB00  }
0x5c: {  	[spmem:s20] =	stream.linear.scatter [tilespmem:s10], [sflag:$0x4], $0x1400, $0x38;
	[tilespmem:$0x11450] =	vst v63  }
0x5d: {  	_ =	swait.ge [sflag:s5], $0x1400  }
0x5e: {  	[sflag:s5] =	ssyncset.done $0x0  }
0x5f: {  	s23 =	rddreg [dreg:$0x15];
	[sflag:s5] =	ssyncadd.s32 $0xFFFFEC00  }
0x60: {  	[spmem:s23] =	stream.linear.scatter [tilespmem:s12], [sflag:$0x3], $0x500, $0x38;
	[tilespmem:$0x11450] =	vst v63  }
0x61: {  	_ =	swait.ge [sflag:s13], $0x500  }
0x62: {  	[sflag:s13] =	ssyncset.done $0x0  }
0x63: {  	s11 =	rddreg [dreg:$0x16];
	[sflag:s13] =	ssyncadd.s32 $0xFFFFFB00  }
0x64: {  	[spmem:s11] =	stream.linear.scatter [tilespmem:s10], [sflag:$0x4], $0x1400, $0x38;
	[tilespmem:$0x11450] =	vst v63  }
0x65: {  	_ =	swait.ge [sflag:s5], $0x1400  }
0x66: {  	[sflag:s5] =	ssyncset.done $0x0  }
0x67: {  	s15 =	rddreg [dreg:$0x17];
	[sflag:s5] =	ssyncadd.s32 $0xFFFFEC00  }
0x68: {  	[spmem:s15] =	stream.linear.scatter [tilespmem:s12], [sflag:$0x3], $0x500, $0x38;
	[tilespmem:$0x11450] =	vst v63  }
0x69: {  	_ =	swait.ge [sflag:s13], $0x500  }
0x6a: {  	[sflag:s13] =	ssyncset.done $0x0  }
0x6b: {  	s20 =	rddreg [dreg:$0x18];
	[sflag:s13] =	ssyncadd.s32 $0xFFFFFB00  }
0x6c: {  	[spmem:s20] =	stream.linear.scatter [tilespmem:s10], [sflag:$0x4], $0x1400, $0x38;
	[tilespmem:$0x11450] =	vst v63  }
0x6d: {  	_ =	swait.ge [sflag:s5], $0x1400  }
0x6e: {  	[sflag:s5] =	ssyncset.done $0x0  }
0x6f: {  	s23 =	rddreg [dreg:$0x19];
	[sflag:s5] =	ssyncadd.s32 $0xFFFFEC00  }
0x70: {  	[spmem:s23] =	stream.linear.scatter [tilespmem:s12], [sflag:$0x3], $0x500, $0x38;
	[tilespmem:$0x11450] =	vst v63  }
0x71: {  	_ =	swait.ge [sflag:s13], $0x500  }
0x72: {  	[sflag:s13] =	ssyncset.done $0x0  }
0x73: {  	s0 =	simm.s32 @!p0 $0xC350;
	s5 =	rddreg [dreg:$0x1a];
	[sflag:s13] =	ssyncadd.s32 $0xFFFFFB00  }
0x74: {  	[spmem:s5] =	stream.linear.scatter @!p0 [tilespmem:s0], [sflag:$0x4], $0x1400, $0x38;
	[tilespmem:$0x11450] =	vst v63  }
0x75: {  	s0 =	simm.s32 @!p0 $0x4  }
0x76: {  	_ =	swait.ge @!p0 [sflag:s0], $0x1400  }
0x77: {  	[sflag:s0] =	ssyncset.done @!p0 $0x0  }
0x78: {  	s5 =	rddreg [dreg:$0x1b];
	[sflag:s0] =	ssyncadd.s32 @!p0 $0xFFFFEC00;
	s0 =	simm.s32 @!p0 $0x10350  }
0x79: {  	[spmem:s5] =	stream.linear.scatter @!p0 [tilespmem:s0], [sflag:$0x3], $0x500, $0x38;
	[tilespmem:$0x11450] =	vst v63  }
0x7a: {  	s0 =	simm.s32 @!p0 $0x3  }
0x7b: {  	_ =	swait.ge @!p0 [sflag:s0], $0x500  }
0x7c: {  	[sflag:s0] =	ssyncset.done @!p0 $0x0  }
0x7d: {  	s5 =	simm.s32 $0x0;
	[sflag:s0] =	ssyncadd.s32 @!p0 $0xFFFFFB00;
	s0 =	simm.s32 $0x40  }
.LBB2_4:
0x7e: {  	p2 =	sne.s32 s0, $0x1FC0;
	[tilespmem:s5+$0x10350] =	vst v1;
	s5 =	smov.u32 s0;
	s0 =	sadd.s32 $0x40, s0  }
.Ltmp1:
0x7f: {  	(pc) =	sbr.rel @p2 .LBB2_4-.Ltmp1, $2  }
0x80: {  	_ =	sdelay $0x2  }
0x81: {  	s5 =	sshra.s32 s5, $0x2  }
0x82: {  	[tilespmem:s5+$0x10350] =	vst v1  }
0x83: {  	s15 =	simm.s32 $0x0;
	s5 =	simm.s32 $0x0;
	[bflag:$0x0] =	sbarrier.arrive $0xFFFF  }
.LBB2_6:
0x84: {  	s0 =	smul.u32 $0x6, s5;
	_ =	sdelay $0x1  }
0x85: {  	s0 =	sadd.s32 s9, s0  }
0x86: {  	s0 =	sshll.u32 s0, $0x4  }
0x87: {  	s11 =	sadd.s32 s8, s0  }
0x88: {  	[tilespmem:s16], [sflag:$0x3] =	stream.linear.gather [hbm4b:s11+s15], $0x300, $0x38;
	[tilespmem:$0x11450] =	vst v63  }
0x89: {  	_ =	swait.ge [sflag:s13], $0x300  }
0x8a: {  	[sflag:s13] =	ssyncset.done $0x0  }
0x8b: {  	s20 =	sadd.s32 s26, s0;
	[sflag:s13] =	ssyncadd.s32 $0xFFFFFD00  }
0x8c: {  	[tilespmem:s17], [sflag:$0x3] =	stream.linear.gather [hbm4b:s20+s15], $0x300, $0x38;
	[tilespmem:$0x11450] =	vst v63  }
0x8d: {  	_ =	swait.ge [sflag:s13], $0x300  }
0x8e: {  	[sflag:s13] =	ssyncset.done $0x0  }
0x8f: {  	s0 =	sadd.s32 s7, s0;
	[sflag:s13] =	ssyncadd.s32 $0xFFFFFD00  }
0x90: {  	[tilespmem:s18], [sflag:$0x3] =	stream.linear.gather [hbm4b:s0+s15], $0x300, $0x38;
	[tilespmem:$0x11450] =	vst v63  }
0x91: {  	_ =	swait.ge [sflag:s13], $0x300  }
0x92: {  	[sflag:s13] =	ssyncset.done $0x0  }
0x93: {  	[sflag:s13] =	ssyncadd.s32 $0xFFFFFD00  }
0x94: {  	[tilespmem:s10], [sflag:$0x1] =	stream.indirect.gather [hbm4b:s6+s19], $0x40, s16, s19, $0xb8;
	[tilespmem:$0x11450] =	vst v63  }
0x95: {  	s23 =	simm.s32 $0x10BD0  }
0x96: {  	[tilespmem:s21], [sflag:$0x2] =	stream.indirect.gather [hbm4b:s6+s19], $0x40, s23, s19, $0xb8;
	[tilespmem:$0x11450] =	vst v63  }
0x97: {  	v2 =	vmov s15;
	_ =	swait.ge [sflag:s22], $0x2000  }
0x98: {  	[sflag:s22] =	ssyncset.done $0x0  }
0x99: {  	s11 =	simm.s32 $0xC370;
	[sflag:s22] =	ssyncadd.s32 $0xFFFFE000  }
0x9a: {  	v4 =	vld [tilespmem:s11+$0xFFFFFFF0]  }
0x9b: {  	v5 =	vld [tilespmem:s11+$0x10]  }
0x9c: {  	v7 =	vld.idx.msk [tilespmem:v2+s18+$0x0], $0xffff  }
0x9d: {  	v2 =	vld [tilespmem:s11+$0xFFFFFFE0]  }
0x9e: {  	v8 =	vld [tilespmem:s11+$0x0];
	_ =	sdelay $0x3  }
0x9f: {  	s20 =	simm.s32 $0x1;
	v3 =	vmul.f32 v2, v7;
	v6 =	vmul.f32 v5, v7  }
0xa0: {  	s0 =	simm.s32 $0x2;
	v2 =	vmov s20;
	v5 =	vmul.f32 v4, v7;
	v4 =	vmul.f32 v8, v7;
	s20 =	simm.s32 $0xC370  }
.LBB2_7:
0xa1: {  	p2 =	sne.s32 s0, $0x7F  }
0xa2: {  	[tilespmem:s11+$0x10] =	vst v6;
	s20 =	sadd.s32 $0x40, s20;
	s23 =	smov.u32 s0;
	s0 =	sadd.s32 $0x1, s0  }
0xa3: {  	[tilespmem:s11+$0xFFFFFFE0] =	vst v3  }
0xa4: {  	v7 =	vld [tilespmem:s20+$0xFFFFFFF0];
	[tilespmem:s11+$0xFFFFFFF0] =	vst v5  }
0xa5: {  	v5 =	vld [tilespmem:s20+$0x10];
	[tilespmem:s11+$0x0] =	vst v4;
	s11 =	smov.u32 s20  }
0xa6: {  	v4 =	vld.idx.msk [tilespmem:v2+s18+$0x0], $0xffff  }
0xa7: {  	v2 =	vld [tilespmem:s20+$0xFFFFFFE0]  }
0xa8: {  	v8 =	vld [tilespmem:s20+$0x0]  }
.Ltmp2:
0xa9: {  	(pc) =	sbr.rel @p2 .LBB2_7-.Ltmp2, $3  }
0xaa: {  	_ =	sdelay $0x1  }
0xab: {  	v6 =	vmul.f32 v5, v4;
	v3 =	vmul.f32 v2, v4  }
0xac: {  	v5 =	vmul.f32 v7, v4;
	v2 =	vmov s23;
	v4 =	vmul.f32 v8, v4  }
0xad: {  	[tilespmem:s11+$0x10] =	vst v6  }
0xae: {  	s0 =	sadd.s32 $0x40, s20;
	[tilespmem:s11+$0xFFFFFFE0] =	vst v3  }
0xaf: {  	v3 =	vld [tilespmem:s0+$0xFFFFFFF0];
	[tilespmem:s11+$0xFFFFFFF0] =	vst v5  }
0xb0: {  	v5 =	vld [tilespmem:s0+$0x10];
	[tilespmem:s11+$0x0] =	vst v4  }
0xb1: {  	v2 =	vld.idx.msk [tilespmem:v2+s18+$0x0], $0xffff  }
0xb2: {  	v4 =	vld [tilespmem:s0+$0xFFFFFFE0];
	_ =	sdelay $0x1  }
0xb3: {  	v6 =	vld [tilespmem:s0+$0x0];
	_ =	sdelay $0x1  }
0xb4: {  	v5 =	vmul.f32 v5, v2  }
0xb5: {  	v4 =	vmul.f32 v4, v2  }
0xb6: {  	v3 =	vmul.f32 v3, v2;
	[tilespmem:s0+$0x10] =	vst v5  }
0xb7: {  	v2 =	vmul.f32 v6, v2;
	[tilespmem:s0+$0xFFFFFFE0] =	vst v4  }
0xb8: {  	[tilespmem:s0+$0xFFFFFFF0] =	vst v3  }
0xb9: {  	[tilespmem:s0+$0x0] =	vst v2  }
0xba: {  	[spmem:s3] =	stream.indirect.scatter.add.f32 [tilespmem:s10], [sflag:$0x3], $0x40, s17, s19, $0xb8;
	[tilespmem:$0x11450] =	vst v63  }
0xbb: {  	_ =	swait.ge [sflag:s13], $0x2000  }
0xbc: {  	[sflag:s13] =	ssyncset.done $0x0  }
0xbd: {  	s11 =	simm.s32 $0x0;
	[sflag:s13] =	ssyncadd.s32 $0xFFFFE000  }
0xbe: {  	v2 =	vmov s11;
	[spmem:s4] =	stream.indirect.scatter.add.f32 [tilespmem:s12], [sflag:$0x3], $0x10, s17, s19, $0xb8;
	[tilespmem:$0x11450] =	vst v63  }
0xbf: {  	v2 =	vadd.s32 $0x80, v2;
	_ =	swait.ge [sflag:s13], $0x800  }
0xc0: {  	v2 =	vbroadcast v2, $0x0;
	[sflag:s13] =	ssyncset.done $0x0  }
0xc1: {  	s20 =	simm.s32 $0x10C50;
	[sflag:s13] =	ssyncadd.s32 $0xFFFFF800  }
0xc2: {  	[tilespmem:s10], [sflag:$0x1] =	stream.indirect.gather [hbm4b:s6+s19], $0x40, s20, s19, $0xb8;
	[tilespmem:$0x11450] =	vst v63  }
0xc3: {  	_ =	swait.ge [sflag:s24], $0x2000  }
0xc4: {  	[sflag:s24] =	ssyncset.done $0x0  }
0xc5: {  	[sflag:s24] =	ssyncadd.s32 $0xFFFFE000  }
0xc6: {  	s11 =	simm.s32 $0xE370;
	v3 =	vld.idx.msk [tilespmem:v2+s18+$0x0], $0xffff  }
0xc7: {  	v5 =	vld [tilespmem:s11+$0x10];
	_ =	sdelay $0x1  }
0xc8: {  	v4 =	vld [tilespmem:s11+$0xFFFFFFF0]  }
0xc9: {  	v7 =	vld [tilespmem:s11+$0x0]  }
0xca: {  	s23 =	simm.s32 $0x1  }
0xcb: {  	v2 =	vmov s23;
	v6 =	vmul.f32 v5, v3;
	v5 =	vld [tilespmem:s11+$0xFFFFFFE0]  }
0xcc: {  	v2 =	vadd.s32 $0x80, v2  }
0xcd: {  	v2 =	vbroadcast v2, $0x0  }
0xce: {  	s0 =	simm.s32 $0xE370;
	s20 =	simm.s32 $0x2;
	v4 =	vmul.f32 v4, v3;
	v7 =	vmul.f32 v7, v3  }
.LBB2_9:
0xcf: {  	p2 =	sne.s32 s20, $0x7F  }
0xd0: {  	v3 =	vmul.f32 v5, v3;
	[tilespmem:s11+$0x10] =	vst v6;
	s0 =	sadd.s32 $0x40, s0;
	s23 =	smov.u32 s20;
	s20 =	sadd.s32 $0x1, s20  }
0xd1: {  	[tilespmem:s11+$0x0] =	vst v7  }
0xd2: {  	[tilespmem:s11+$0xFFFFFFE0] =	vst v3  }
0xd3: {  	v7 =	vld [tilespmem:s0+$0xFFFFFFF0];
	[tilespmem:s11+$0xFFFFFFF0] =	vst v4;
	s11 =	smov.u32 s0  }
0xd4: {  	v3 =	vld.idx.msk [tilespmem:v2+s18+$0x0], $0xffff  }
0xd5: {  	v4 =	vld [tilespmem:s0+$0x10]  }
0xd6: {  	v8 =	vld [tilespmem:s0+$0x0]  }
.Ltmp3:
0xd7: {  	v5 =	vld [tilespmem:s0+$0xFFFFFFE0];
	(pc) =	sbr.rel @p2 .LBB2_9-.Ltmp3, $4  }
0xd8: {  	v2 =	vmov s23  }
0xd9: {  	v2 =	vadd.s32 $0x80, v2  }
0xda: {  	v2 =	vbroadcast v2, $0x0;
	v6 =	vmul.f32 v4, v3  }
0xdb: {  	v4 =	vmul.f32 v7, v3;
	v7 =	vmul.f32 v8, v3  }
0xdc: {  	v3 =	vmul.f32 v5, v3;
	[tilespmem:s11+$0x10] =	vst v6  }
0xdd: {  	[tilespmem:s11+$0x0] =	vst v7  }
0xde: {  	s0 =	sadd.s32 $0x40, s0;
	[tilespmem:s11+$0xFFFFFFE0] =	vst v3  }
0xdf: {  	v3 =	vld [tilespmem:s0+$0xFFFFFFF0];
	[tilespmem:s11+$0xFFFFFFF0] =	vst v4  }
0xe0: {  	v2 =	vld.idx.msk [tilespmem:v2+s18+$0x0], $0xffff  }
0xe1: {  	v4 =	vld [tilespmem:s0+$0x10]  }
0xe2: {  	v5 =	vld [tilespmem:s0+$0x0]  }
0xe3: {  	v6 =	vld [tilespmem:s0+$0xFFFFFFE0];
	_ =	sdelay $0x2  }
0xe4: {  	v4 =	vmul.f32 v4, v2  }
0xe5: {  	v5 =	vmul.f32 v5, v2  }
0xe6: {  	v6 =	vmul.f32 v6, v2;
	[tilespmem:s0+$0x10] =	vst v4  }
0xe7: {  	v2 =	vmul.f32 v3, v2;
	[tilespmem:s0+$0x0] =	vst v5  }
0xe8: {  	[tilespmem:s0+$0xFFFFFFE0] =	vst v6  }
0xe9: {  	[tilespmem:s0+$0xFFFFFFF0] =	vst v2  }
0xea: {  	[spmem:s3] =	stream.indirect.scatter.add.f32 [tilespmem:s21], [sflag:$0x3], $0x40, s25, s19, $0xb8;
	[tilespmem:$0x11450] =	vst v63  }
0xeb: {  	_ =	swait.ge [sflag:s13], $0x2000  }
0xec: {  	[sflag:s13] =	ssyncset.done $0x0  }
0xed: {  	s11 =	simm.s32 $0x0;
	[sflag:s13] =	ssyncadd.s32 $0xFFFFE000  }
0xee: {  	v2 =	vmov s11;
	[spmem:s4] =	stream.indirect.scatter.add.f32 [tilespmem:s12], [sflag:$0x3], $0x10, s25, s19, $0xb8;
	[tilespmem:$0x11450] =	vst v63  }
0xef: {  	v2 =	vadd.s32 $0x100, v2;
	_ =	swait.ge [sflag:s13], $0x800  }
0xf0: {  	v2 =	vbroadcast v2, $0x0;
	[sflag:s13] =	ssyncset.done $0x0  }
0xf1: {  	s20 =	simm.s32 $0x10CD0;
	[sflag:s13] =	ssyncadd.s32 $0xFFFFF800  }
0xf2: {  	[tilespmem:s21], [sflag:$0x2] =	stream.indirect.gather [hbm4b:s6+s19], $0x40, s20, s19, $0xb8;
	[tilespmem:$0x11450] =	vst v63  }
0xf3: {  	_ =	swait.ge [sflag:s22], $0x2000  }
0xf4: {  	[sflag:s22] =	ssyncset.done $0x0  }
0xf5: {  	[sflag:s22] =	ssyncadd.s32 $0xFFFFE000  }
0xf6: {  	s11 =	simm.s32 $0xC370;
	v3 =	vld.idx.msk [tilespmem:v2+s18+$0x0], $0xffff  }
0xf7: {  	v5 =	vld [tilespmem:s11+$0x10];
	_ =	sdelay $0x1  }
0xf8: {  	v4 =	vld [tilespmem:s11+$0xFFFFFFF0]  }
0xf9: {  	v7 =	vld [tilespmem:s11+$0x0]  }
0xfa: {  	s23 =	simm.s32 $0x1  }
0xfb: {  	v2 =	vmov s23;
	v6 =	vmul.f32 v5, v3;
	v5 =	vld [tilespmem:s11+$0xFFFFFFE0]  }
0xfc: {  	v2 =	vadd.s32 $0x100, v2  }
0xfd: {  	v2 =	vbroadcast v2, $0x0  }
0xfe: {  	s0 =	simm.s32 $0xC370;
	s20 =	simm.s32 $0x2;
	v4 =	vmul.f32 v4, v3;
	v7 =	vmul.f32 v7, v3  }
.LBB2_11:
0xff: {  	p2 =	sne.s32 s20, $0x7F  }
0x100: {  	v3 =	vmul.f32 v5, v3;
	[tilespmem:s11+$0x10] =	vst v6;
	s0 =	sadd.s32 $0x40, s0;
	s23 =	smov.u32 s20;
	s20 =	sadd.s32 $0x1, s20  }
0x101: {  	[tilespmem:s11+$0x0] =	vst v7  }
0x102: {  	[tilespmem:s11+$0xFFFFFFE0] =	vst v3  }
0x103: {  	v7 =	vld [tilespmem:s0+$0xFFFFFFF0];
	[tilespmem:s11+$0xFFFFFFF0] =	vst v4;
	s11 =	smov.u32 s0  }
0x104: {  	v3 =	vld.idx.msk [tilespmem:v2+s18+$0x0], $0xffff  }
0x105: {  	v4 =	vld [tilespmem:s0+$0x10]  }
0x106: {  	v8 =	vld [tilespmem:s0+$0x0]  }
.Ltmp4:
0x107: {  	v5 =	vld [tilespmem:s0+$0xFFFFFFE0];
	(pc) =	sbr.rel @p2 .LBB2_11-.Ltmp4, $4  }
0x108: {  	v2 =	vmov s23  }
0x109: {  	v2 =	vadd.s32 $0x100, v2  }
0x10a: {  	v2 =	vbroadcast v2, $0x0;
	v6 =	vmul.f32 v4, v3  }
0x10b: {  	v4 =	vmul.f32 v7, v3;
	v7 =	vmul.f32 v8, v3  }
0x10c: {  	v3 =	vmul.f32 v5, v3;
	[tilespmem:s11+$0x10] =	vst v6  }
0x10d: {  	[tilespmem:s11+$0x0] =	vst v7  }
0x10e: {  	s0 =	sadd.s32 $0x40, s0;
	[tilespmem:s11+$0xFFFFFFE0] =	vst v3  }
0x10f: {  	v3 =	vld [tilespmem:s0+$0xFFFFFFF0];
	[tilespmem:s11+$0xFFFFFFF0] =	vst v4  }
0x110: {  	v2 =	vld.idx.msk [tilespmem:v2+s18+$0x0], $0xffff  }
0x111: {  	v4 =	vld [tilespmem:s0+$0x10]  }
0x112: {  	v5 =	vld [tilespmem:s0+$0x0]  }
0x113: {  	v6 =	vld [tilespmem:s0+$0xFFFFFFE0];
	_ =	sdelay $0x2  }
0x114: {  	v4 =	vmul.f32 v4, v2  }
0x115: {  	v5 =	vmul.f32 v5, v2  }
0x116: {  	v6 =	vmul.f32 v6, v2;
	[tilespmem:s0+$0x10] =	vst v4  }
0x117: {  	v2 =	vmul.f32 v3, v2;
	[tilespmem:s0+$0x0] =	vst v5  }
0x118: {  	[tilespmem:s0+$0xFFFFFFE0] =	vst v6  }
0x119: {  	[tilespmem:s0+$0xFFFFFFF0] =	vst v2  }
0x11a: {  	[spmem:s3] =	stream.indirect.scatter.add.f32 [tilespmem:s10], [sflag:$0x3], $0x40, s28, s19, $0xb8;
	[tilespmem:$0x11450] =	vst v63  }
0x11b: {  	_ =	swait.ge [sflag:s13], $0x2000  }
0x11c: {  	[sflag:s13] =	ssyncset.done $0x0  }
0x11d: {  	s11 =	simm.s32 $0x0;
	[sflag:s13] =	ssyncadd.s32 $0xFFFFE000  }
0x11e: {  	v2 =	vmov s11;
	[spmem:s4] =	stream.indirect.scatter.add.f32 [tilespmem:s12], [sflag:$0x3], $0x10, s28, s19, $0xb8;
	[tilespmem:$0x11450] =	vst v63  }
0x11f: {  	v2 =	vadd.s32 $0x180, v2;
	_ =	swait.ge [sflag:s13], $0x800  }
0x120: {  	v2 =	vbroadcast v2, $0x0;
	[sflag:s13] =	ssyncset.done $0x0  }
0x121: {  	s20 =	simm.s32 $0x10D50;
	[sflag:s13] =	ssyncadd.s32 $0xFFFFF800  }
0x122: {  	[tilespmem:s10], [sflag:$0x1] =	stream.indirect.gather [hbm4b:s6+s19], $0x40, s20, s19, $0xb8;
	[tilespmem:$0x11450] =	vst v63  }
0x123: {  	_ =	swait.ge [sflag:s24], $0x2000  }
0x124: {  	[sflag:s24] =	ssyncset.done $0x0  }
0x125: {  	[sflag:s24] =	ssyncadd.s32 $0xFFFFE000  }
0x126: {  	s11 =	simm.s32 $0xE370;
	v3 =	vld.idx.msk [tilespmem:v2+s18+$0x0], $0xffff  }
0x127: {  	v5 =	vld [tilespmem:s11+$0x10];
	_ =	sdelay $0x1  }
0x128: {  	v4 =	vld [tilespmem:s11+$0xFFFFFFF0]  }
0x129: {  	v7 =	vld [tilespmem:s11+$0x0]  }
0x12a: {  	s23 =	simm.s32 $0x1  }
0x12b: {  	v2 =	vmov s23;
	v6 =	vmul.f32 v5, v3;
	v5 =	vld [tilespmem:s11+$0xFFFFFFE0]  }
0x12c: {  	v2 =	vadd.s32 $0x180, v2  }
0x12d: {  	v2 =	vbroadcast v2, $0x0  }
0x12e: {  	s0 =	simm.s32 $0xE370;
	s20 =	simm.s32 $0x2;
	v4 =	vmul.f32 v4, v3;
	v7 =	vmul.f32 v7, v3  }
.LBB2_13:
0x12f: {  	p2 =	sne.s32 s20, $0x7F  }
0x130: {  	v3 =	vmul.f32 v5, v3;
	[tilespmem:s11+$0x10] =	vst v6;
	s0 =	sadd.s32 $0x40, s0;
	s23 =	smov.u32 s20;
	s20 =	sadd.s32 $0x1, s20  }
0x131: {  	[tilespmem:s11+$0x0] =	vst v7  }
0x132: {  	[tilespmem:s11+$0xFFFFFFE0] =	vst v3  }
0x133: {  	v7 =	vld [tilespmem:s0+$0xFFFFFFF0];
	[tilespmem:s11+$0xFFFFFFF0] =	vst v4;
	s11 =	smov.u32 s0  }
0x134: {  	v3 =	vld.idx.msk [tilespmem:v2+s18+$0x0], $0xffff  }
0x135: {  	v4 =	vld [tilespmem:s0+$0x10]  }
0x136: {  	v8 =	vld [tilespmem:s0+$0x0]  }
.Ltmp5:
0x137: {  	v5 =	vld [tilespmem:s0+$0xFFFFFFE0];
	(pc) =	sbr.rel @p2 .LBB2_13-.Ltmp5, $4  }
0x138: {  	v2 =	vmov s23  }
0x139: {  	v2 =	vadd.s32 $0x180, v2  }
0x13a: {  	v2 =	vbroadcast v2, $0x0;
	v6 =	vmul.f32 v4, v3  }
0x13b: {  	v4 =	vmul.f32 v7, v3;
	v7 =	vmul.f32 v8, v3  }
0x13c: {  	v3 =	vmul.f32 v5, v3;
	[tilespmem:s11+$0x10] =	vst v6  }
0x13d: {  	[tilespmem:s11+$0x0] =	vst v7  }
0x13e: {  	s0 =	sadd.s32 $0x40, s0;
	[tilespmem:s11+$0xFFFFFFE0] =	vst v3  }
0x13f: {  	v3 =	vld [tilespmem:s0+$0xFFFFFFF0];
	[tilespmem:s11+$0xFFFFFFF0] =	vst v4  }
0x140: {  	v2 =	vld.idx.msk [tilespmem:v2+s18+$0x0], $0xffff  }
0x141: {  	v4 =	vld [tilespmem:s0+$0x10]  }
0x142: {  	v5 =	vld [tilespmem:s0+$0x0]  }
0x143: {  	v6 =	vld [tilespmem:s0+$0xFFFFFFE0];
	_ =	sdelay $0x2  }
0x144: {  	v4 =	vmul.f32 v4, v2  }
0x145: {  	v5 =	vmul.f32 v5, v2  }
0x146: {  	v6 =	vmul.f32 v6, v2;
	[tilespmem:s0+$0x10] =	vst v4  }
0x147: {  	v2 =	vmul.f32 v3, v2;
	[tilespmem:s0+$0x0] =	vst v5  }
0x148: {  	[tilespmem:s0+$0xFFFFFFE0] =	vst v6  }
0x149: {  	[tilespmem:s0+$0xFFFFFFF0] =	vst v2  }
0x14a: {  	[spmem:s3] =	stream.indirect.scatter.add.f32 [tilespmem:s21], [sflag:$0x3], $0x40, s30, s19, $0xb8;
	[tilespmem:$0x11450] =	vst v63  }
0x14b: {  	_ =	swait.ge [sflag:s13], $0x2000  }
0x14c: {  	[sflag:s13] =	ssyncset.done $0x0  }
0x14d: {  	s11 =	simm.s32 $0x0;
	[sflag:s13] =	ssyncadd.s32 $0xFFFFE000  }
0x14e: {  	v2 =	vmov s11;
	[spmem:s4] =	stream.indirect.scatter.add.f32 [tilespmem:s12], [sflag:$0x3], $0x10, s30, s19, $0xb8;
	[tilespmem:$0x11450] =	vst v63  }
0x14f: {  	v2 =	vadd.s32 $0x200, v2;
	_ =	swait.ge [sflag:s13], $0x800  }
0x150: {  	v2 =	vbroadcast v2, $0x0;
	[sflag:s13] =	ssyncset.done $0x0  }
0x151: {  	s20 =	simm.s32 $0x10DD0;
	[sflag:s13] =	ssyncadd.s32 $0xFFFFF800  }
0x152: {  	[tilespmem:s21], [sflag:$0x2] =	stream.indirect.gather [hbm4b:s6+s19], $0x40, s20, s19, $0xb8;
	[tilespmem:$0x11450] =	vst v63  }
0x153: {  	_ =	swait.ge [sflag:s22], $0x2000  }
0x154: {  	[sflag:s22] =	ssyncset.done $0x0  }
0x155: {  	[sflag:s22] =	ssyncadd.s32 $0xFFFFE000  }
0x156: {  	s11 =	simm.s32 $0xC370;
	v3 =	vld.idx.msk [tilespmem:v2+s18+$0x0], $0xffff  }
0x157: {  	v5 =	vld [tilespmem:s11+$0x10];
	_ =	sdelay $0x1  }
0x158: {  	v4 =	vld [tilespmem:s11+$0xFFFFFFF0]  }
0x159: {  	v7 =	vld [tilespmem:s11+$0x0]  }
0x15a: {  	s23 =	simm.s32 $0x1  }
0x15b: {  	v2 =	vmov s23;
	v6 =	vmul.f32 v5, v3;
	v5 =	vld [tilespmem:s11+$0xFFFFFFE0]  }
0x15c: {  	v2 =	vadd.s32 $0x200, v2  }
0x15d: {  	v2 =	vbroadcast v2, $0x0  }
0x15e: {  	s0 =	simm.s32 $0xC370;
	s20 =	simm.s32 $0x2;
	v4 =	vmul.f32 v4, v3;
	v7 =	vmul.f32 v7, v3  }
.LBB2_15:
0x15f: {  	p2 =	sne.s32 s20, $0x7F  }
0x160: {  	v3 =	vmul.f32 v5, v3;
	[tilespmem:s11+$0x10] =	vst v6;
	s0 =	sadd.s32 $0x40, s0;
	s23 =	smov.u32 s20;
	s20 =	sadd.s32 $0x1, s20  }
0x161: {  	[tilespmem:s11+$0x0] =	vst v7  }
0x162: {  	[tilespmem:s11+$0xFFFFFFE0] =	vst v3  }
0x163: {  	v7 =	vld [tilespmem:s0+$0xFFFFFFF0];
	[tilespmem:s11+$0xFFFFFFF0] =	vst v4;
	s11 =	smov.u32 s0  }
0x164: {  	v3 =	vld.idx.msk [tilespmem:v2+s18+$0x0], $0xffff  }
0x165: {  	v4 =	vld [tilespmem:s0+$0x10]  }
0x166: {  	v8 =	vld [tilespmem:s0+$0x0]  }
.Ltmp6:
0x167: {  	v5 =	vld [tilespmem:s0+$0xFFFFFFE0];
	(pc) =	sbr.rel @p2 .LBB2_15-.Ltmp6, $4  }
0x168: {  	v2 =	vmov s23  }
0x169: {  	v2 =	vadd.s32 $0x200, v2  }
0x16a: {  	v2 =	vbroadcast v2, $0x0;
	v6 =	vmul.f32 v4, v3  }
0x16b: {  	v4 =	vmul.f32 v7, v3;
	v7 =	vmul.f32 v8, v3  }
0x16c: {  	v3 =	vmul.f32 v5, v3;
	[tilespmem:s11+$0x10] =	vst v6  }
0x16d: {  	[tilespmem:s11+$0x0] =	vst v7  }
0x16e: {  	s0 =	sadd.s32 $0x40, s0;
	[tilespmem:s11+$0xFFFFFFE0] =	vst v3  }
0x16f: {  	v3 =	vld [tilespmem:s0+$0xFFFFFFF0];
	[tilespmem:s11+$0xFFFFFFF0] =	vst v4  }
0x170: {  	v2 =	vld.idx.msk [tilespmem:v2+s18+$0x0], $0xffff  }
0x171: {  	v4 =	vld [tilespmem:s0+$0x10]  }
0x172: {  	v5 =	vld [tilespmem:s0+$0x0]  }
0x173: {  	v6 =	vld [tilespmem:s0+$0xFFFFFFE0];
	_ =	sdelay $0x2  }
0x174: {  	v4 =	vmul.f32 v4, v2  }
0x175: {  	v5 =	vmul.f32 v5, v2  }
0x176: {  	v6 =	vmul.f32 v6, v2;
	[tilespmem:s0+$0x10] =	vst v4  }
0x177: {  	v2 =	vmul.f32 v3, v2;
	[tilespmem:s0+$0x0] =	vst v5  }
0x178: {  	[tilespmem:s0+$0xFFFFFFE0] =	vst v6  }
0x179: {  	[tilespmem:s0+$0xFFFFFFF0] =	vst v2  }
0x17a: {  	[spmem:s3] =	stream.indirect.scatter.add.f32 [tilespmem:s10], [sflag:$0x3], $0x40, s1, s19, $0xb8;
	[tilespmem:$0x11450] =	vst v63  }
0x17b: {  	_ =	swait.ge [sflag:s13], $0x2000  }
0x17c: {  	s20 =	simm.s32 $0x0;
	[sflag:s13] =	ssyncset.done $0x0  }
0x17d: {  	v2 =	vmov s20;
	[sflag:s13] =	ssyncadd.s32 $0xFFFFE000  }
0x17e: {  	v2 =	vadd.s32 $0x280, v2;
	[spmem:s4] =	stream.indirect.scatter.add.f32 [tilespmem:s12], [sflag:$0x3], $0x10, s1, s19, $0xb8;
	[tilespmem:$0x11450] =	vst v63  }
0x17f: {  	v2 =	vbroadcast v2, $0x0;
	_ =	swait.ge [sflag:s13], $0x800  }
0x180: {  	[sflag:s13] =	ssyncset.done $0x0  }
0x181: {  	[sflag:s13] =	ssyncadd.s32 $0xFFFFF800  }
0x182: {  	_ =	swait.ge [sflag:s24], $0x2000  }
0x183: {  	[sflag:s24] =	ssyncset.done $0x0  }
0x184: {  	[sflag:s24] =	ssyncadd.s32 $0xFFFFE000  }
0x185: {  	s11 =	simm.s32 $0xE370;
	v3 =	vld.idx.msk [tilespmem:v2+s18+$0x0], $0xffff  }
0x186: {  	v5 =	vld [tilespmem:s11+$0x10];
	_ =	sdelay $0x1  }
0x187: {  	v4 =	vld [tilespmem:s11+$0xFFFFFFF0]  }
0x188: {  	v7 =	vld [tilespmem:s11+$0x0]  }
0x189: {  	s23 =	simm.s32 $0x1  }
0x18a: {  	v2 =	vmov s23;
	v6 =	vmul.f32 v5, v3;
	v5 =	vld [tilespmem:s11+$0xFFFFFFE0]  }
0x18b: {  	v2 =	vadd.s32 $0x280, v2  }
0x18c: {  	v2 =	vbroadcast v2, $0x0  }
0x18d: {  	s20 =	simm.s32 $0x2;
	s0 =	simm.s32 $0xE370;
	v4 =	vmul.f32 v4, v3;
	v7 =	vmul.f32 v7, v3  }
.LBB2_17:
0x18e: {  	p2 =	sne.s32 s20, $0x7F  }
0x18f: {  	v3 =	vmul.f32 v5, v3;
	[tilespmem:s11+$0x10] =	vst v6;
	s0 =	sadd.s32 $0x40, s0;
	s23 =	smov.u32 s20;
	s20 =	sadd.s32 $0x1, s20  }
0x190: {  	[tilespmem:s11+$0x0] =	vst v7  }
0x191: {  	[tilespmem:s11+$0xFFFFFFE0] =	vst v3  }
0x192: {  	v7 =	vld [tilespmem:s0+$0xFFFFFFF0];
	[tilespmem:s11+$0xFFFFFFF0] =	vst v4;
	s11 =	smov.u32 s0  }
0x193: {  	v3 =	vld.idx.msk [tilespmem:v2+s18+$0x0], $0xffff  }
0x194: {  	v4 =	vld [tilespmem:s0+$0x10]  }
0x195: {  	v8 =	vld [tilespmem:s0+$0x0]  }
.Ltmp7:
0x196: {  	v5 =	vld [tilespmem:s0+$0xFFFFFFE0];
	(pc) =	sbr.rel @p2 .LBB2_17-.Ltmp7, $4  }
0x197: {  	v2 =	vmov s23  }
0x198: {  	v2 =	vadd.s32 $0x280, v2  }
0x199: {  	v2 =	vbroadcast v2, $0x0;
	v6 =	vmul.f32 v4, v3  }
0x19a: {  	v4 =	vmul.f32 v7, v3;
	v7 =	vmul.f32 v8, v3  }
0x19b: {  	v3 =	vmul.f32 v5, v3;
	[tilespmem:s11+$0x10] =	vst v6  }
0x19c: {  	[tilespmem:s11+$0x0] =	vst v7  }
0x19d: {  	s0 =	sadd.s32 $0x40, s0;
	[tilespmem:s11+$0xFFFFFFE0] =	vst v3  }
0x19e: {  	v3 =	vld [tilespmem:s0+$0xFFFFFFF0];
	[tilespmem:s11+$0xFFFFFFF0] =	vst v4  }
0x19f: {  	v2 =	vld.idx.msk [tilespmem:v2+s18+$0x0], $0xffff  }
0x1a0: {  	v4 =	vld [tilespmem:s0+$0x10]  }
0x1a1: {  	v63 =	vld [tilespmem:s0+$0x0]  }
0x1a2: {  	v6 =	vld [tilespmem:s0+$0xFFFFFFE0];
	_ =	sdelay $0x2  }
0x1a3: {  	v4 =	vmul.f32 v4, v2  }
0x1a4: {  	v5 =	vmul.f32 v63, v2  }
0x1a5: {  	v6 =	vmul.f32 v6, v2;
	[tilespmem:s0+$0x10] =	vst v4  }
0x1a6: {  	v2 =	vmul.f32 v3, v2;
	[tilespmem:s0+$0x0] =	vst v5  }
0x1a7: {  	[tilespmem:s0+$0xFFFFFFE0] =	vst v6  }
0x1a8: {  	[tilespmem:s0+$0xFFFFFFF0] =	vst v2  }
0x1a9: {  	[spmem:s3] =	stream.indirect.scatter.add.f32 [tilespmem:s21], [sflag:$0x3], $0x40, s14, s19, $0xb8;
	[tilespmem:$0x11450] =	vst v63  }
0x1aa: {  	s5 =	sadd.s32 $0x1, s5;
	_ =	swait.ge [sflag:s13], $0x2000  }
0x1ab: {  	p2 =	sne.s32 s5, $0xD;
	[sflag:s13] =	ssyncset.done $0x0  }
.Ltmp8:
0x1ac: {  	[sflag:s13] =	ssyncadd.s32 $0xFFFFE000;
	(pc) =	sbr.rel @p2 .LBB2_6-.Ltmp8, $4  }
0x1ad: {  	[spmem:s4] =	stream.indirect.scatter.add.f32 [tilespmem:s12], [sflag:$0x3], $0x10, s14, s19, $0xb8;
	[tilespmem:$0x11450] =	vst v63  }
0x1ae: {  	_ =	swait.ge [sflag:s13], $0x800  }
0x1af: {  	[sflag:s13] =	ssyncset.done $0x0  }
0x1b0: {  	[sflag:s13] =	ssyncadd.s32 $0xFFFFF800  }
.Ltmp9:
0x1b1: {  	(pc) =	sbr.rel @p1 .LBB2_23-.Ltmp9, $1  }
0x1b2: {  	_ =	sdelay $0x3  }
0x1b3: {  	s0 =	simm.s32 $0x0;
	s5 =	rddreg [dreg:$0x8]  }
0x1b4: {  	[tilespmem:s16], [sflag:$0x3] =	stream.linear.gather [hbm4b:s5+s0], $0x80, $0x38;
	[tilespmem:$0x11450] =	vst v63  }
0x1b5: {  	_ =	swait.ge [sflag:s13], $0x80  }
0x1b6: {  	[sflag:s13] =	ssyncset.done $0x0  }
0x1b7: {  	s23 =	rddreg [dreg:$0x9];
	[sflag:s13] =	ssyncadd.s32 $0xFFFFFF80  }
0x1b8: {  	[tilespmem:s17], [sflag:$0x3] =	stream.linear.gather [hbm4b:s23+s0], $0x80, $0x38;
	[tilespmem:$0x11450] =	vst v63  }
0x1b9: {  	_ =	swait.ge [sflag:s13], $0x80  }
0x1ba: {  	[sflag:s13] =	ssyncset.done $0x0  }
0x1bb: {  	s26 =	rddreg [dreg:$0xa];
	[sflag:s13] =	ssyncadd.s32 $0xFFFFFF80  }
0x1bc: {  	[tilespmem:s18], [sflag:$0x3] =	stream.linear.gather [hbm4b:s26+s0], $0x80, $0x38;
	[tilespmem:$0x11450] =	vst v63  }
0x1bd: {  	_ =	swait.ge [sflag:s13], $0x80  }
0x1be: {  	[sflag:s13] =	ssyncset.done $0x0  }
0x1bf: {  	[sflag:s13] =	ssyncadd.s32 $0xFFFFFF80  }
0x1c0: {  	[tilespmem:s10], [sflag:$0x1] =	stream.indirect.gather [hbm4b:s6+s19], $0x40, s16, s19, $0xb8;
	[tilespmem:$0x11450] =	vst v63  }
0x1c1: {  	v2 =	vmov s0;
	_ =	swait.ge [sflag:s22], $0x2000  }
0x1c2: {  	[sflag:s22] =	ssyncset.done $0x0  }
0x1c3: {  	s5 =	simm.s32 $0xC370;
	[sflag:s22] =	ssyncadd.s32 $0xFFFFE000  }
0x1c4: {  	v4 =	vld [tilespmem:s5+$0xFFFFFFF0]  }
0x1c5: {  	v5 =	vld [tilespmem:s5+$0x10]  }
0x1c6: {  	v7 =	vld.idx.msk [tilespmem:v2+s18+$0x0], $0xffff  }
0x1c7: {  	v2 =	vld [tilespmem:s5+$0xFFFFFFE0]  }
0x1c8: {  	v8 =	vld [tilespmem:s5+$0x0];
	_ =	sdelay $0x3  }
0x1c9: {  	s11 =	simm.s32 $0x1;
	v3 =	vmul.f32 v2, v7;
	v6 =	vmul.f32 v5, v7  }
0x1ca: {  	s0 =	simm.s32 $0x2;
	v2 =	vmov s11;
	v5 =	vmul.f32 v4, v7;
	v4 =	vmul.f32 v8, v7;
	s11 =	simm.s32 $0xC370  }
.LBB2_21:
0x1cb: {  	p2 =	sne.s32 s0, $0x7F  }
0x1cc: {  	[tilespmem:s5+$0x10] =	vst v6;
	s11 =	sadd.s32 $0x40, s11;
	s15 =	smov.u32 s0;
	s0 =	sadd.s32 $0x1, s0  }
0x1cd: {  	[tilespmem:s5+$0xFFFFFFE0] =	vst v3  }
0x1ce: {  	v7 =	vld [tilespmem:s11+$0xFFFFFFF0];
	[tilespmem:s5+$0xFFFFFFF0] =	vst v5  }
0x1cf: {  	v5 =	vld [tilespmem:s11+$0x10];
	[tilespmem:s5+$0x0] =	vst v4;
	s5 =	smov.u32 s11  }
0x1d0: {  	v4 =	vld.idx.msk [tilespmem:v2+s18+$0x0], $0xffff  }
0x1d1: {  	v2 =	vld [tilespmem:s11+$0xFFFFFFE0]  }
0x1d2: {  	v8 =	vld [tilespmem:s11+$0x0]  }
.Ltmp10:
0x1d3: {  	(pc) =	sbr.rel @p2 .LBB2_21-.Ltmp10, $3  }
0x1d4: {  	_ =	sdelay $0x1  }
0x1d5: {  	v6 =	vmul.f32 v5, v4;
	v3 =	vmul.f32 v2, v4  }
0x1d6: {  	v5 =	vmul.f32 v7, v4;
	v2 =	vmov s15;
	v4 =	vmul.f32 v8, v4  }
0x1d7: {  	[tilespmem:s5+$0x10] =	vst v6  }
0x1d8: {  	s0 =	sadd.s32 $0x40, s11;
	[tilespmem:s5+$0xFFFFFFE0] =	vst v3  }
0x1d9: {  	v3 =	vld [tilespmem:s0+$0xFFFFFFF0];
	[tilespmem:s5+$0xFFFFFFF0] =	vst v5  }
0x1da: {  	v5 =	vld [tilespmem:s0+$0x10];
	[tilespmem:s5+$0x0] =	vst v4  }
0x1db: {  	v2 =	vld.idx.msk [tilespmem:v2+s18+$0x0], $0xffff  }
0x1dc: {  	v4 =	vld [tilespmem:s0+$0xFFFFFFE0];
	_ =	sdelay $0x1  }
0x1dd: {  	v6 =	vld [tilespmem:s0+$0x0];
	_ =	sdelay $0x1  }
0x1de: {  	v5 =	vmul.f32 v5, v2  }
0x1df: {  	v4 =	vmul.f32 v4, v2  }
0x1e0: {  	v3 =	vmul.f32 v3, v2;
	[tilespmem:s0+$0x10] =	vst v5  }
0x1e1: {  	v2 =	vmul.f32 v6, v2;
	[tilespmem:s0+$0xFFFFFFE0] =	vst v4  }
0x1e2: {  	[tilespmem:s0+$0xFFFFFFF0] =	vst v3  }
0x1e3: {  	[tilespmem:s0+$0x0] =	vst v2  }
0x1e4: {  	[spmem:s3] =	stream.indirect.scatter.add.f32 [tilespmem:s10], [sflag:$0x3], $0x40, s17, s19, $0xb8;
	[tilespmem:$0x11450] =	vst v63  }
0x1e5: {  	_ =	swait.ge [sflag:s13], $0x2000  }
0x1e6: {  	[sflag:s13] =	ssyncset.done $0x0  }
0x1e7: {  	[sflag:s13] =	ssyncadd.s32 $0xFFFFE000  }
0x1e8: {  	[spmem:s4] =	stream.indirect.scatter.add.f32 [tilespmem:s12], [sflag:$0x3], $0x10, s17, s19, $0xb8;
	[tilespmem:$0x11450] =	vst v63  }
0x1e9: {  	_ =	swait.ge [sflag:s13], $0x800  }
0x1ea: {  	[sflag:s13] =	ssyncset.done $0x0  }
0x1eb: {  	[sflag:s13] =	ssyncadd.s32 $0xFFFFF800  }
.LBB2_23:
0x1ec: {  	s0 =	sadd.s32 $0x0, s2  }
0x1ed: {  	[bflag:$0x0] =	sbarrier.arrive $0xFFFF;
	p2 =	sgt.u32 s0, $0x7C  }
0x1ee: {  	s7 =	rddreg [dreg:$0x1c];
	s0 =	sshll.u32 @!p2 s2, $0x6  }
0x1ef: {  	s11 =	sshrl.u32 @!p2 s29, $0x3;
	s20 =	simm.s32 @!p2 $0x4;
	s5 =	sor.u32 @!p2 $0x1C04, s0  }
0x1f0: {  	[hbm:s7], [sflag:s5] =	dma.local @!p2 [spmem:s11], $0x280  }
0x1f1: {  	s15 =	simm.s32 $0x20;
	s26 =	sadd.s32 $0x10, s2;
	_ =	swait.ge @!p2 [sflag:s20], $0x280  }
0x1f2: {  	s23 =	simm.s32 @!p2 $0x3;
	s0 =	sor.u32 @!p2 $0x1C03, s0;
	[sflag:s20] =	ssyncset.done @!p2 $0x0  }
0x1f3: {  	s11 =	sshrl.u32 @!p2 s31, $0x3;
	s8 =	rddreg [dreg:$0x1d];
	[sflag:s20] =	ssyncadd.s32 @!p2 $0xFFFFFD80  }
0x1f4: {  	[hbm:s8], [sflag:s0] =	dma.local @!p2 [spmem:s11], $0xA0  }
0x1f5: {  	s5 =	sadd.s32 $0xA00, s8;
	s20 =	sadd.s32 $0x14000, s29;
	_ =	swait.ge @!p2 [sflag:s23], $0xA0  }
0x1f6: {  	s0 =	sadd.s32 $0x2800, s7;
	s11 =	sadd.s32 $0x5000, s31;
	[sflag:s23] =	ssyncset.done @!p2 $0x0  }
.LBB2_24:
0x1f7: {  	[sflag:s23] =	ssyncadd.s32 @!p2 $0xFFFFFF60;
	p2 =	sgt.u32 s26, $0x7C  }
0x1f8: {  	s26 =	smov.u32 s15;
	s15 =	sadd.s32 $0x10, s15;
	s29 =	smov.u32 s5  }
0x1f9: {  	p3 =	sne.s32 s15, $0x80;
	s23 =	sshll.u32 @!p2 s2, $0x6  }
0x1fa: {  	s7 =	sshrl.u32 @!p2 s20, $0x3;
	s8 =	simm.s32 @!p2 $0x4;
	s31 =	sor.u32 @!p2 $0x1C04, s23  }
0x1fb: {  	[hbm:s0], [sflag:s31] =	dma.local @!p2 [spmem:s7], $0x280  }
0x1fc: {  	s7 =	sor.u32 @!p2 $0x1C03, s23;
	_ =	swait.ge @!p2 [sflag:s8], $0x280  }
.Ltmp11:
0x1fd: {  	s5 =	sadd.s32 $0xA00, s5;
	[sflag:s8] =	ssyncset.done @!p2 $0x0;
	(pc) =	sbr.rel @p3 .LBB2_24-.Ltmp11, $4  }
0x1fe: {  	s23 =	simm.s32 @!p2 $0x3;
	[sflag:s8] =	ssyncadd.s32 @!p2 $0xFFFFFD80;
	s8 =	sshrl.u32 @!p2 s11, $0x3  }
0x1ff: {  	[hbm:s29], [sflag:s7] =	dma.local @!p2 [spmem:s8], $0xA0  }
0x200: {  	s0 =	sadd.s32 $0x2800, s0;
	s11 =	sadd.s32 $0x5000, s11;
	_ =	swait.ge @!p2 [sflag:s23], $0xA0  }
0x201: {  	s26 =	sadd.s32 s26, s2;
	s20 =	sadd.s32 $0x14000, s20;
	[sflag:s23] =	ssyncset.done @!p2 $0x0  }
0x202: {  	p3 =	sgt.u32 s26, $0x7C  }
0x203: {  	[sflag:s23] =	ssyncadd.s32 @!p2 $0xFFFFFF60;
	s7 =	sshll.u32 @!p3 s2, $0x6  }
0x204: {  	s15 =	sshrl.u32 @!p3 s20, $0x3;
	s20 =	simm.s32 @!p3 $0x4;
	s8 =	sor.u32 @!p3 $0x1C04, s7  }
0x205: {  	[hbm:s0], [sflag:s8] =	dma.local @!p3 [spmem:s15], $0x280  }
0x206: {  	_ =	swait.ge @!p3 [sflag:s20], $0x280  }
0x207: {  	s0 =	sor.u32 @!p3 $0x1C03, s7;
	[sflag:s20] =	ssyncset.done @!p3 $0x0  }
0x208: {  	s7 =	sshrl.u32 @!p3 s11, $0x3;
	s8 =	simm.s32 @!p3 $0x3;
	[sflag:s20] =	ssyncadd.s32 @!p3 $0xFFFFFD80  }
0x209: {  	[hbm:s5], [sflag:s0] =	dma.local @!p3 [spmem:s7], $0xA0  }
0x20a: {  	_ =	swait.ge @!p3 [sflag:s8], $0xA0  }
0x20b: {  	s23 =	rddreg [dreg:$0x5]  }
0x20c: {  	s26 =	rddreg [dreg:$0xb];
	s15 =	sadd.s32 $0x1, s23  }
0x20d: {  	p2 =	sne.s32 s15, s26  }
.Ltmp12:
0x20e: {  	s29 =	rddreg [dreg:$0xc];
	(pc) =	sbr.rel @p2 .LBB2_1-.Ltmp12, $4  }
0x20f: {  	[sflag:s8] =	ssyncset.done @!p3 $0x0;
	s31 =	rddreg [dreg:$0xd]  }
0x210: {  	[sflag:s8] =	ssyncadd.s32 @!p3 $0xFFFFFF60;
	s8 =	rddreg [dreg:$0x6]  }
0x211: {  	s7 =	rddreg [dreg:$0x1]  }
0x212: {  	s26 =	rddreg [dreg:$0x7]  }
0x213: {  	_ =	sfence.sel $0x180000  }
0x214: {  	[bflag:$0x0] =	sbarrier.arrive $0xFFFF  }
0x215: {  	_ =	strace $0x90000047  }
0x216: {  	[bflag:$0x2] =	sbarrier.arrive $0xFFFF  }
0x217: {  	p0 =	sne.s32 s2, $0x0;
	s0 =	rddreg [dreg:$0x4]  }
0x218: {  	s0 =	sadd.s32 @!p0 $0x100000, s0  }
0x219: {  	[sflag:s0] =	ssyncadd.tile.s32 @!p0 $0x1;
	_ =	shalt  }
.Lfunc_end2:
_tile_overlayer_lowered:
.L_overlay_start_2:
0x21a: {  	(tag) =	ssettag $0x2  }
0x21b: {  	s0 =	rddreg [dreg:$0x0];
	s2 =	stileid.u32  }
0x21c: {  	s1 =	rddreg [dreg:$0x1];
	p0 =	sne.s32 s2, $0x0  }
0x21d: {  	s3 =	rddreg [dreg:$0x2];
	[bflag:$0x3] =	sbarrier.arrive $0xFFFF;
	s2 =	simm.s32 @!p0 $0x1C03  }
0x21e: {  	[timem:s3], [sflag:s2] =	dma.local @!p0 [hbm:s0], s1  }
0x21f: {  	s0 =	simm.s32 @!p0 $0x3  }
0x220: {  	_ =	swait.ge @!p0 [sflag:s0], s1  }
0x221: {  	s1 =	ssub.s32 @!p0 $0x0, s1;
	[sflag:s0] =	ssyncset.done @!p0 $0x0  }
0x222: {  	[sflag:s0] =	ssyncadd.s32 @!p0 s1  }
0x223: {  	[bflag:$0x3] =	sbarrier.arrive $0xFFFF  }
0x224: {  	_ =	shalt  }

</sc_bundles>
